<compile_context>
chip_gen: v7x
topology: tpu7x:2x2x1
jax: 0.10.2.dev20260603
libtpu: 0.0.44.dev20260713+nightly
codegen_flags: <defaults>
</compile_context>

<pallas_src>
import numpy as np
import jax
import jax.numpy as jnp
from jax import lax
from jax.experimental import pallas as pl
from jax.experimental.pallas import tpu as pltpu
from jax.experimental.pallas import tpu_sc as plsc

NC = 2
NS = 16
L = 16
NW = NC * NS

C = 2048
G = 128
R = C // G

RW = 8192
CR = 1024
R_TAB = RW * NW
P_LEN = 4 * R_TAB + 16

_params = dict(
    mesh=plsc.VectorSubcoreMesh(core_axis_name="c", subcore_axis_name="s"),
    compiler_params=pltpu.CompilerParams(
        needs_layout_passes=False, use_tc_tiling_on_sc=False
    ),
)


def _wid():
    return lax.axis_index("s") * NC + lax.axis_index("c")


SLICE = CR * 4 + 16


def _make_build_body(k_cp):
    nchunk = RW // CR
    assert nchunk % 2 == 0 and nchunk >= 4

    def body(p_hbm, tab_hbm, p_v, rows_v, sem_i, sem_o):
        base = _wid() * RW
        it = lax.iota(jnp.int32, L)
        colpat = it & 7
        rowpat = it >> 3
        pair = colpat + rowpat * 4

        def sl_start(c):
            return jnp.minimum((base + c * CR) * 4, k_cp - SLICE)

        def fire_i(c, b):
            pltpu.async_copy(
                p_hbm.at[pl.ds(sl_start(c), SLICE)], p_v[b], sem_i[b]
            )

        def wait_i(c, b):
            pltpu.make_async_copy(
                p_hbm.at[pl.ds(sl_start(c), SLICE)], p_v[b], sem_i[b]
            ).wait()

        def fire_o(c, b):
            pltpu.async_copy(
                rows_v[b], tab_hbm.at[pl.ds(base + c * CR, CR)], sem_o[b]
            )

        def wait_o(c, b):
            pltpu.make_async_copy(
                rows_v[b], tab_hbm.at[pl.ds(base + c * CR, CR)], sem_o[b]
            ).wait()

        def compute(c, b):
            st = sl_start(c)
            shift = (base + c * CR) * 4 - st
            pmax = k_cp - 1 - st

            @pl.loop(0, CR // 4)
            def _row(r):
                iv = [
                    jnp.minimum((r * 2 + k) * 8 + pair + shift, pmax)
                    for k in range(2)
                ]
                v = [plsc.load_gather(p_v[b], [x]) for x in iv]
                for k in range(2):
                    plsc.store_scatter(
                        rows_v[b], [(r * 2 + k) * 2 + rowpat, colpat], v[k]
                    )

        fire_i(0, 0)
        fire_i(1, 1)

        def bstep(j, c, b):
            wait_i(c, b)

            @pl.when(j >= 1)
            def _():
                wait_o(c - 2, b)

            compute(c, b)
            fire_o(c, b)

            @pl.when(j < np.int32(nchunk // 2 - 1))
            def _():
                fire_i(c + 2, b)

        @pl.loop(0, nchunk // 2)
        def _steady(j):
            bstep(j, 2 * j, 0)
            bstep(j, 2 * j + 1, 1)

        wait_o(nchunk - 2, 0)
        wait_o(nchunk - 1, 1)

    return body


def _make_main_body(n, k_cp):
    per_w = n // NW
    nchunk = per_w // C
    assert nchunk % 2 == 0 and nchunk >= 4
    dx = np.float32(2.0 / (k_cp - 3))
    origin = np.float32(-1.0 - 2.0 / (k_cp - 3))
    sixth = np.float32(1.0 / 6.0)
    kmax = np.int32(k_cp - 1)

    def body(
        t_hbm, tab_hbm, out_hbm,
        t_v, u_v, row_v, lo_v, rows_v, o_v,
        sem_t, sem_g, sem_o,
    ):
        base = _wid() * per_w

        def off(c):
            return base + c * C

        def fire_t(c, b):
            pltpu.async_copy(t_hbm.at[pl.ds(off(c), C)], t_v[b], sem_t[b])

        def wait_t(c, b):
            pltpu.make_async_copy(
                t_hbm.at[pl.ds(off(c), C)], t_v[b], sem_t[b]
            ).wait()

        SW = 4
        iot8 = lax.iota(jnp.int32, L) * 8

        def p1(b):
            @pl.loop(0, C // (L * SW))
            def _(i):
                sl = [pl.ds((i * SW + k) * L, L) for k in range(SW)]
                t16 = [t_v[b][s] for s in sl]
                t = [(x - origin) - dx for x in t16]
                s = [x / dx for x in t]
                idx = [x.astype(jnp.int32) for x in s]
                idf = [x.astype(jnp.float32) for x in idx]
                u = [x - y for x, y in zip(s, idf)]
                idc = [jnp.minimum(x, kmax) for x in idx]
                for k in range(SW):
                    row_v[b][sl[k]] = idc[k] >> 2
                qb = [i * (L * 8 * SW) + k * (L * 8) + iot8 for k in range(SW)]
                for k in range(SW):
                    lo_v[b][sl[k]] = qb[k] + (idc[k] & 3)
                for k in range(SW):
                    u_v[b][sl[k]] = u[k]

        def fire_g(b):
            for r in range(R):
                pltpu.async_copy(
                    tab_hbm.at[row_v[b].at[pl.ds(r * G, G)]],
                    rows_v[b].at[pl.ds(r * G, G)],
                    sem_g[b],
                )

        def drain_g(b):
            pltpu.make_async_copy(
                tab_hbm.at[pl.ds(0, C)], rows_v[b], sem_g[b]
            ).wait()

        def p2(b):
            z = jnp.zeros((L,), jnp.int32)

            @pl.loop(0, C // (L * SW))
            def _(i):
                sl = [pl.ds((i * SW + k) * L, L) for k in range(SW)]
                u = [u_v[b][s] for s in sl]
                a0 = [lo_v[b][s] for s in sl]
                g0 = [plsc.load_gather(rows_v[b], [z, a]) for a in a0]
                g1 = [plsc.load_gather(rows_v[b], [z, a + 1]) for a in a0]
                g2 = [plsc.load_gather(rows_v[b], [z, a + 2]) for a in a0]
                g3 = [plsc.load_gather(rows_v[b], [z, a + 3]) for a in a0]
                um = [1.0 - x for x in u]
                u2 = [x * x for x in u]
                um2 = [x * x for x in um]
                u3 = [x * y for x, y in zip(u2, u)]
                w0 = [x * y for x, y in zip(um2, um)]
                w1 = [3.0 * x - 6.0 * y + 4.0 for x, y in zip(u3, u2)]
                w2 = [
                    6.0 - a - bq - cc for a, bq, cc in zip(w0, w1, u3)
                ]
                acc0 = [a * ga + bq * gb for a, ga, bq, gb in zip(w0, g0, w1, g1)]
                acc1 = [a * ga + bq * gb for a, ga, bq, gb in zip(w2, g2, u3, g3)]
                for k in range(SW):
                    o_v[b][sl[k]] = (acc0[k] + acc1[k]) * sixth

        def fire_o(c, b):
            pltpu.async_copy(o_v[b], out_hbm.at[pl.ds(off(c), C)], sem_o[b])

        def wait_o(c, b):
            pltpu.make_async_copy(
                o_v[b], out_hbm.at[pl.ds(off(c), C)], sem_o[b]
            ).wait()

        fire_t(0, 0)
        fire_t(1, 1)
        wait_t(0, 0)
        p1(0)
        fire_g(0)

        def step(j, c, b):
            last = np.int32(nchunk // 2 - 1)

            def prep():
                wait_t(c + 1, 1 - b)
                p1(1 - b)
                fire_g(1 - b)

            if b == 0:
                prep()
            else:
                pl.when(j < last)(prep)

            @pl.when(j < last)
            def _():
                fire_t(c + 2, b)

            drain_g(b)

            @pl.when(j >= 1)
            def _():
                wait_o(c - 2, b)

            p2(b)
            fire_o(c, b)

        @pl.loop(0, nchunk // 2)
        def _steady(j):
            step(j, 2 * j, 0)
            step(j, 2 * j + 1, 1)

        wait_o(nchunk - 2, 0)
        wait_o(nchunk - 1, 1)

    return body


def kernel(_t, phi_x):
    n = _t.shape[0]
    k_cp = phi_x.shape[0]
    assert n % (NW * C) == 0 and k_cp <= 4 * R_TAB

    assert k_cp >= SLICE and k_cp % 8 == 0

    build = pl.kernel(
        _make_build_body(k_cp),
        out_type=jax.ShapeDtypeStruct((R_TAB, 8), jnp.float32),
        scratch_types=[
            [pltpu.VMEM((SLICE,), jnp.float32)] * 2,
            [pltpu.VMEM((CR, 8), jnp.float32)] * 2,
            [pltpu.SemaphoreType.DMA] * 2,
            [pltpu.SemaphoreType.DMA] * 2,
        ],
        **_params,
    )
    phi16 = build(phi_x)

    main = pl.kernel(
        _make_main_body(n, k_cp),
        out_type=jax.ShapeDtypeStruct((n,), jnp.float32),
        scratch_types=[
            [pltpu.VMEM((C,), jnp.float32)] * 2,
            [pltpu.VMEM((C,), jnp.float32)] * 2,
            [pltpu.VMEM((C,), jnp.int32)] * 2,
            [pltpu.VMEM((C,), jnp.int32)] * 2,
            [pltpu.VMEM((C, 8), jnp.float32)] * 2,
            [pltpu.VMEM((C,), jnp.float32)] * 2,
            [pltpu.SemaphoreType.DMA] * 2,
            [pltpu.SemaphoreType.DMA] * 2,
            [pltpu.SemaphoreType.DMA] * 2,
        ],
        **_params,
    )
    return main(_t, phi16)

# --- scband reference (transcript-rebuilt; emitter-appended) ---
"""Pipeline reference for scband-bspline-field1d-14499809591673 (READ-ONLY COPY).

The authoritative reference and input builder live on the scoring server;
editing this copy changes nothing except your own understanding.
"""

import jax, jax.numpy as jnp
import numpy as np


def bspline(u, i):
    if i == 0:
        return (1 - u) ** 3 / 6
    elif i == 1:
        return (3 * u ** 3 - 6 * u ** 2 + 4) / 6
    elif i == 2:
        return (-3 * u ** 3 + 3 * u ** 2 + 3 * u + 1) / 6
    else:
        return u ** 3 / 6


def setup_inputs(seed: int = 0) -> dict:
    key = jax.random.key(seed)
    k1, k2 = jax.random.split(key)
    _t = jax.random.uniform(k1, (4194304,), dtype=jnp.float32)
    phi_x = jax.random.normal(k2, (1000000,), dtype=jnp.float32)
    return {"_t": _t, "phi_x": phi_x}


def reference(_t, phi_x):
    # BSplineField1d with support_outside=True, num_control_points = phi_x.shape[0]
    K = phi_x.shape[0]
    dx = 2.0 / (K - 3)
    origin = -1.0 - dx
    t = _t - origin - dx
    indices = jnp.floor(t / dx).astype(jnp.int32)
    u = t / dx - indices.astype(_t.dtype)
    x = jnp.zeros_like(t)
    for i in range(4):
        inds_loc = jnp.clip(indices + i, 0, K - 1)
        x = x + bspline(u, i) * jnp.take(phi_x, inds_loc, axis=0)
    return x

if __name__ == "__main__":
    import jax
    _d = setup_inputs()
    print(jax.jit(kernel)(*tuple(_d.values())))

</pallas_src>

<mosaic_0001>
#map = affine_map<(d0, d1) -> (0)>
#map1 = affine_map<(d0, d1) -> (0, 0)>
module attributes {stable_mosaic.version = 14 : i64} {
  func.func @body(%arg0: i32, %arg1: i32, %arg2: memref<1000000xf32, #tpu.memory_space<hbm>>, %arg3: memref<262144x8xf32, #tpu.memory_space<hbm>>, %arg4: memref<4112xf32, #tpu.memory_space<vmem>>, %arg5: memref<4112xf32, #tpu.memory_space<vmem>>, %arg6: memref<1024x8xf32, #tpu.memory_space<vmem>>, %arg7: memref<1024x8xf32, #tpu.memory_space<vmem>>, %arg8: memref<!tpu.dma_semaphore, #tpu.memory_space<semaphore_mem>>, %arg9: memref<!tpu.dma_semaphore, #tpu.memory_space<semaphore_mem>>, %arg10: memref<!tpu.dma_semaphore, #tpu.memory_space<semaphore_mem>>, %arg11: memref<!tpu.dma_semaphore, #tpu.memory_space<semaphore_mem>>) attributes {dimension_semantics = [#tpu.dimension_semantics<core_parallel>, #tpu.dimension_semantics<subcore_parallel>], iteration_bounds = array<i64: 2, 16>, scalar_prefetch = 0 : i64, scratch_operands = 8 : i64, tpu.core_type = #tpu.core_type<sc_vector_subcore>, window_params = [{transform_indices = #map}, {transform_indices = #map1}]} {
    %mul3A = arith.constant 2 : i32
    %mul3A_0 = arith.muli %arg1, %mul3A : i32
    %add3A = arith.addi %mul3A_0, %arg0 : i32
    %mul3A_1 = arith.constant 8192 : i32
    %mul3A_2 = arith.muli %add3A, %mul3A_1 : i32
    %iota3A = tpu.iota {dimensions = array<i32: 0>} : vector<16xi32>
    %and3A = arith.constant 7 : i32
    %and3A_3 = vector.broadcast %and3A : i32 to vector<16xi32>
    %and3A_4 = arith.andi %iota3A, %and3A_3 : vector<16xi32>
    %shift_right_arithmetic3A = arith.constant 3 : i32
    %shift_right_arithmetic3A_5 = vector.broadcast %shift_right_arithmetic3A : i32 to vector<16xi32>
    %shift_right_arithmetic3A_6 = arith.shrsi %iota3A, %shift_right_arithmetic3A_5 : vector<16xi32>
    %mul3A_7 = arith.constant 4 : i32
    %mul3A_8 = vector.broadcast %mul3A_7 : i32 to vector<16xi32>
    %mul3A_9 = arith.muli %shift_right_arithmetic3A_6, %mul3A_8 : vector<16xi32>
    %add3A_10 = arith.addi %and3A_4, %mul3A_9 : vector<16xi32>
    %add3A_11 = arith.constant 0 : i32
    %add3A_12 = arith.addi %mul3A_2, %add3A_11 : i32
    %mul3A_13 = arith.constant 4 : i32
    %mul3A_14 = arith.muli %add3A_12, %mul3A_13 : i32
    %min3A = arith.constant 995888 : i32
    %min3A_15 = arith.minsi %mul3A_14, %min3A : i32
    %dma_start3A = tpu.memref_slice %arg2[%min3A_15] : memref<1000000xf32, #tpu.memory_space<hbm>> -> memref<4112xf32, #tpu.memory_space<hbm>>
    %dma_start3A_16 = tpu.memref_slice %arg2[%min3A_15] : memref<1000000xf32, #tpu.memory_space<hbm>> -> memref<4112xf32, #tpu.memory_space<hbm>>
    tpu.enqueue_dma source(%dma_start3A_16 : memref<4112xf32, #tpu.memory_space<hbm>>) target(%arg4 : memref<4112xf32, #tpu.memory_space<vmem>>) target_semaphore(%arg8 : memref<!tpu.dma_semaphore, #tpu.memory_space<semaphore_mem>>)
    %add3A_17 = arith.constant 1024 : i32
    %add3A_18 = arith.addi %mul3A_2, %add3A_17 : i32
    %mul3A_19 = arith.constant 4 : i32
    %mul3A_20 = arith.muli %add3A_18, %mul3A_19 : i32
    %min3A_21 = arith.constant 995888 : i32
    %min3A_22 = arith.minsi %mul3A_20, %min3A_21 : i32
    %dma_start3A_23 = tpu.memref_slice %arg2[%min3A_22] : memref<1000000xf32, #tpu.memory_space<hbm>> -> memref<4112xf32, #tpu.memory_space<hbm>>
    %dma_start3A_24 = tpu.memref_slice %arg2[%min3A_22] : memref<1000000xf32, #tpu.memory_space<hbm>> -> memref<4112xf32, #tpu.memory_space<hbm>>
    tpu.enqueue_dma source(%dma_start3A_24 : memref<4112xf32, #tpu.memory_space<hbm>>) target(%arg5 : memref<4112xf32, #tpu.memory_space<vmem>>) target_semaphore(%arg9 : memref<!tpu.dma_semaphore, #tpu.memory_space<semaphore_mem>>)
    %scan3A = arith.constant 0 : i32
    %scan3A_25 = arith.constant 4 : i32
    %scan3A_26 = arith.addi %scan3A, %scan3A_25 : i32
    %scan3A_27 = arith.constant 1 : i32
    scf.for %scan3A_40 = %scan3A to %scan3A_26 step %scan3A_27  : i32 {
      %mul3A_41 = arith.constant 1 : i32
      %mul3A_42 = arith.muli %scan3A_40, %mul3A_41 : i32
      %add3A_43 = arith.constant 0 : i32
      %add3A_44 = arith.addi %add3A_43, %mul3A_42 : i32
      %mul3A_45 = arith.constant 2 : i32
      %mul3A_46 = arith.muli %mul3A_45, %add3A_44 : i32
      %mul3A_47 = arith.constant 1024 : i32
      %mul3A_48 = arith.muli %mul3A_46, %mul3A_47 : i32
      %add3A_49 = arith.addi %mul3A_2, %mul3A_48 : i32
      %mul3A_50 = arith.constant 4 : i32
      %mul3A_51 = arith.muli %add3A_49, %mul3A_50 : i32
      %min3A_52 = arith.constant 995888 : i32
      %min3A_53 = arith.minsi %mul3A_51, %min3A_52 : i32
      %dma_wait3A_54 = tpu.memref_slice %arg2[%min3A_53] : memref<1000000xf32, #tpu.memory_space<hbm>> -> memref<4112xf32, #tpu.memory_space<hbm>>
      %dma_wait3A_55 = tpu.memref_slice %arg2[%min3A_53] : memref<1000000xf32, #tpu.memory_space<hbm>> -> memref<4112xf32, #tpu.memory_space<hbm>>
      tpu.wait_dma2 semaphore(%arg8 : memref<!tpu.dma_semaphore, #tpu.memory_space<semaphore_mem>>) src(%dma_wait3A_55 : memref<4112xf32, #tpu.memory_space<hbm>>) dst(%arg4 : memref<4112xf32, #tpu.memory_space<vmem>>)
      %ge3A = arith.constant 1 : i32
      %ge3A_56 = arith.cmpi sge, %add3A_44, %ge3A : i32
      %convert_element_type3A = arith.extui %ge3A_56 : i1 to i32
      %cond3A = arith.constant 0 : i32
      %cond3A_57 = arith.cmpi ne, %convert_element_type3A, %cond3A : i32
      scf.if %cond3A_57 {
        %sub3A_138 = arith.constant 2 : i32
        %sub3A_139 = arith.subi %mul3A_46, %sub3A_138 : i32
        %mul3A_140 = arith.constant 1024 : i32
        %mul3A_141 = arith.muli %sub3A_139, %mul3A_140 : i32
        %add3A_142 = arith.addi %mul3A_2, %mul3A_141 : i32
        %dma_wait3A_143 = arith.constant 0 : i32
        %dma_wait3A_144 = tpu.memref_slice %arg3[%add3A_142, %dma_wait3A_143] : memref<262144x8xf32, #tpu.memory_space<hbm>> -> memref<1024x8xf32, #tpu.memory_space<hbm>>
        %dma_wait3A_145 = arith.constant 0 : i32
        %dma_wait3A_146 = tpu.memref_slice %arg3[%add3A_142, %dma_wait3A_145] : memref<262144x8xf32, #tpu.memory_space<hbm>> -> memref<1024x8xf32, #tpu.memory_space<hbm>>
        tpu.wait_dma2 semaphore(%arg10 : memref<!tpu.dma_semaphore, #tpu.memory_space<semaphore_mem>>) src(%arg6 : memref<1024x8xf32, #tpu.memory_space<vmem>>) dst(%dma_wait3A_146 : memref<1024x8xf32, #tpu.memory_space<hbm>>)
      } else {
      }
      %mul3A_58 = arith.constant 1024 : i32
      %mul3A_59 = arith.muli %mul3A_46, %mul3A_58 : i32
      %add3A_60 = arith.addi %mul3A_2, %mul3A_59 : i32
      %mul3A_61 = arith.constant 4 : i32
      %mul3A_62 = arith.muli %add3A_60, %mul3A_61 : i32
      %min3A_63 = arith.constant 995888 : i32
      %min3A_64 = arith.minsi %mul3A_62, %min3A_63 : i32
      %mul3A_65 = arith.constant 1024 : i32
      %mul3A_66 = arith.muli %mul3A_46, %mul3A_65 : i32
      %add3A_67 = arith.addi %mul3A_2, %mul3A_66 : i32
      %mul3A_68 = arith.constant 4 : i32
      %mul3A_69 = arith.muli %add3A_67, %mul3A_68 : i32
      %sub3A = arith.subi %mul3A_69, %min3A_64 : i32
      %sub3A_70 = arith.constant 999999 : i32
      %sub3A_71 = arith.subi %sub3A_70, %min3A_64 : i32
      %scan3A_72 = arith.constant 0 : i32
      %scan3A_73 = arith.constant 256 : i32
      %scan3A_74 = arith.addi %scan3A_72, %scan3A_73 : i32
      %scan3A_75 = arith.constant 1 : i32
      scf.for %scan3A_138 = %scan3A_72 to %scan3A_74 step %scan3A_75  : i32 {
        %mul3A_139 = arith.constant 1 : i32
        %mul3A_140 = arith.muli %scan3A_138, %mul3A_139 : i32
        %add3A_141 = arith.constant 0 : i32
        %add3A_142 = arith.addi %add3A_141, %mul3A_140 : i32
        %mul3A_143 = arith.constant 2 : i32
        %mul3A_144 = arith.muli %add3A_142, %mul3A_143 : i32
        %add3A_145 = arith.constant 0 : i32
        %add3A_146 = arith.addi %mul3A_144, %add3A_145 : i32
        %mul3A_147 = arith.constant 8 : i32
        %mul3A_148 = arith.muli %add3A_146, %mul3A_147 : i32
        %add3A_149 = vector.broadcast %mul3A_148 : i32 to vector<16xi32>
        %add3A_150 = arith.addi %add3A_149, %add3A_10 : vector<16xi32>
        %add3A_151 = vector.broadcast %sub3A : i32 to vector<16xi32>
        %add3A_152 = arith.addi %add3A_150, %add3A_151 : vector<16xi32>
        %min3A_153 = vector.broadcast %sub3A_71 : i32 to vector<16xi32>
        %min3A_154 = arith.minsi %add3A_152, %min3A_153 : vector<16xi32>
        %mul3A_155 = arith.constant 2 : i32
        %mul3A_156 = arith.muli %add3A_142, %mul3A_155 : i32
        %add3A_157 = arith.constant 1 : i32
        %add3A_158 = arith.addi %mul3A_156, %add3A_157 : i32
        %mul3A_159 = arith.constant 8 : i32
        %mul3A_160 = arith.muli %add3A_158, %mul3A_159 : i32
        %add3A_161 = vector.broadcast %mul3A_160 : i32 to vector<16xi32>
        %add3A_162 = arith.addi %add3A_161, %add3A_10 : vector<16xi32>
        %add3A_163 = vector.broadcast %sub3A : i32 to vector<16xi32>
        %add3A_164 = arith.addi %add3A_162, %add3A_163 : vector<16xi32>
        %min3A_165 = vector.broadcast %sub3A_71 : i32 to vector<16xi32>
        %min3A_166 = arith.minsi %add3A_164, %min3A_165 : vector<16xi32>
        %gather3A = tpu.vector_load_idx %arg4[%min3A_154] : memref<4112xf32, #tpu.memory_space<vmem>>[vector<16xi32>], vector<16xf32>,
        %gather3A_167 = tpu.vector_load_idx %arg4[%min3A_166] : memref<4112xf32, #tpu.memory_space<vmem>>[vector<16xi32>], vector<16xf32>,
        %mul3A_168 = arith.constant 2 : i32
        %mul3A_169 = arith.muli %add3A_142, %mul3A_168 : i32
        %add3A_170 = arith.constant 0 : i32
        %add3A_171 = arith.addi %mul3A_169, %add3A_170 : i32
        %mul3A_172 = arith.constant 2 : i32
        %mul3A_173 = arith.muli %add3A_171, %mul3A_172 : i32
        %add3A_174 = vector.broadcast %mul3A_173 : i32 to vector<16xi32>
        %add3A_175 = arith.addi %add3A_174, %shift_right_arithmetic3A_6 : vector<16xi32>
        tpu.vector_store_idx %arg6[%add3A_175, %and3A_4], %gather3A : memref<1024x8xf32, #tpu.memory_space<vmem>>[vector<16xi32>, vector<16xi32>], vector<16xf32>,
        %mul3A_176 = arith.constant 2 : i32
        %mul3A_177 = arith.muli %add3A_142, %mul3A_176 : i32
        %add3A_178 = arith.constant 1 : i32
        %add3A_179 = arith.addi %mul3A_177, %add3A_178 : i32
        %mul3A_180 = arith.constant 2 : i32
        %mul3A_181 = arith.muli %add3A_179, %mul3A_180 : i32
        %add3A_182 = vector.broadcast %mul3A_181 : i32 to vector<16xi32>
        %add3A_183 = arith.addi %add3A_182, %shift_right_arithmetic3A_6 : vector<16xi32>
        tpu.vector_store_idx %arg6[%add3A_183, %and3A_4], %gather3A_167 : memref<1024x8xf32, #tpu.memory_space<vmem>>[vector<16xi32>, vector<16xi32>], vector<16xf32>,
      }
      %scan3A_76 = arith.constant 256 : i32
      %mul3A_77 = arith.constant 1024 : i32
      %mul3A_78 = arith.muli %mul3A_46, %mul3A_77 : i32
      %add3A_79 = arith.addi %mul3A_2, %mul3A_78 : i32
      %dma_start3A_80 = arith.constant 0 : i32
      %dma_start3A_81 = tpu.memref_slice %arg3[%add3A_79, %dma_start3A_80] : memref<262144x8xf32, #tpu.memory_space<hbm>> -> memref<1024x8xf32, #tpu.memory_space<hbm>>
      %dma_start3A_82 = arith.constant 0 : i32
      %dma_start3A_83 = tpu.memref_slice %arg3[%add3A_79, %dma_start3A_82] : memref<262144x8xf32, #tpu.memory_space<hbm>> -> memref<1024x8xf32, #tpu.memory_space<hbm>>
      tpu.enqueue_dma source(%arg6 : memref<1024x8xf32, #tpu.memory_space<vmem>>) target(%dma_start3A_83 : memref<1024x8xf32, #tpu.memory_space<hbm>>) target_semaphore(%arg10 : memref<!tpu.dma_semaphore, #tpu.memory_space<semaphore_mem>>)
      %lt3A = arith.constant 3 : i32
      %lt3A_84 = arith.cmpi slt, %add3A_44, %lt3A : i32
      %convert_element_type3A_85 = arith.extui %lt3A_84 : i1 to i32
      %cond3A_86 = arith.constant 0 : i32
      %cond3A_87 = arith.cmpi ne, %convert_element_type3A_85, %cond3A_86 : i32
      scf.if %cond3A_87 {
        %add3A_138 = arith.constant 2 : i32
        %add3A_139 = arith.addi %mul3A_46, %add3A_138 : i32
        %mul3A_140 = arith.constant 1024 : i32
        %mul3A_141 = arith.muli %add3A_139, %mul3A_140 : i32
        %add3A_142 = arith.addi %mul3A_2, %mul3A_141 : i32
        %mul3A_143 = arith.constant 4 : i32
        %mul3A_144 = arith.muli %add3A_142, %mul3A_143 : i32
        %min3A_145 = arith.constant 995888 : i32
        %min3A_146 = arith.minsi %mul3A_144, %min3A_145 : i32
        %dma_start3A_147 = tpu.memref_slice %arg2[%min3A_146] : memref<1000000xf32, #tpu.memory_space<hbm>> -> memref<4112xf32, #tpu.memory_space<hbm>>
        %dma_start3A_148 = tpu.memref_slice %arg2[%min3A_146] : memref<1000000xf32, #tpu.memory_space<hbm>> -> memref<4112xf32, #tpu.memory_space<hbm>>
        tpu.enqueue_dma source(%dma_start3A_148 : memref<4112xf32, #tpu.memory_space<hbm>>) target(%arg4 : memref<4112xf32, #tpu.memory_space<vmem>>) target_semaphore(%arg8 : memref<!tpu.dma_semaphore, #tpu.memory_space<semaphore_mem>>)
      } else {
      }
      %mul3A_88 = arith.constant 2 : i32
      %mul3A_89 = arith.muli %mul3A_88, %add3A_44 : i32
      %add3A_90 = arith.constant 1 : i32
      %add3A_91 = arith.addi %mul3A_89, %add3A_90 : i32
      %mul3A_92 = arith.constant 1024 : i32
      %mul3A_93 = arith.muli %add3A_91, %mul3A_92 : i32
      %add3A_94 = arith.addi %mul3A_2, %mul3A_93 : i32
      %mul3A_95 = arith.constant 4 : i32
      %mul3A_96 = arith.muli %add3A_94, %mul3A_95 : i32
      %min3A_97 = arith.constant 995888 : i32
      %min3A_98 = arith.minsi %mul3A_96, %min3A_97 : i32
      %dma_wait3A_99 = tpu.memref_slice %arg2[%min3A_98] : memref<1000000xf32, #tpu.memory_space<hbm>> -> memref<4112xf32, #tpu.memory_space<hbm>>
      %dma_wait3A_100 = tpu.memref_slice %arg2[%min3A_98] : memref<1000000xf32, #tpu.memory_space<hbm>> -> memref<4112xf32, #tpu.memory_space<hbm>>
      tpu.wait_dma2 semaphore(%arg9 : memref<!tpu.dma_semaphore, #tpu.memory_space<semaphore_mem>>) src(%dma_wait3A_100 : memref<4112xf32, #tpu.memory_space<hbm>>) dst(%arg5 : memref<4112xf32, #tpu.memory_space<vmem>>)
      %ge3A_101 = arith.constant 1 : i32
      %ge3A_102 = arith.cmpi sge, %add3A_44, %ge3A_101 : i32
      %convert_element_type3A_103 = arith.extui %ge3A_102 : i1 to i32
      %cond3A_104 = arith.constant 0 : i32
      %cond3A_105 = arith.cmpi ne, %convert_element_type3A_103, %cond3A_104 : i32
      scf.if %cond3A_105 {
        %sub3A_138 = arith.constant 2 : i32
        %sub3A_139 = arith.subi %add3A_91, %sub3A_138 : i32
        %mul3A_140 = arith.constant 1024 : i32
        %mul3A_141 = arith.muli %sub3A_139, %mul3A_140 : i32
        %add3A_142 = arith.addi %mul3A_2, %mul3A_141 : i32
        %dma_wait3A_143 = arith.constant 0 : i32
        %dma_wait3A_144 = tpu.memref_slice %arg3[%add3A_142, %dma_wait3A_143] : memref<262144x8xf32, #tpu.memory_space<hbm>> -> memref<1024x8xf32, #tpu.memory_space<hbm>>
        %dma_wait3A_145 = arith.constant 0 : i32
        %dma_wait3A_146 = tpu.memref_slice %arg3[%add3A_142, %dma_wait3A_145] : memref<262144x8xf32, #tpu.memory_space<hbm>> -> memref<1024x8xf32, #tpu.memory_space<hbm>>
        tpu.wait_dma2 semaphore(%arg11 : memref<!tpu.dma_semaphore, #tpu.memory_space<semaphore_mem>>) src(%arg7 : memref<1024x8xf32, #tpu.memory_space<vmem>>) dst(%dma_wait3A_146 : memref<1024x8xf32, #tpu.memory_space<hbm>>)
      } else {
      }
      %mul3A_106 = arith.constant 1024 : i32
      %mul3A_107 = arith.muli %add3A_91, %mul3A_106 : i32
      %add3A_108 = arith.addi %mul3A_2, %mul3A_107 : i32
      %mul3A_109 = arith.constant 4 : i32
      %mul3A_110 = arith.muli %add3A_108, %mul3A_109 : i32
      %min3A_111 = arith.constant 995888 : i32
      %min3A_112 = arith.minsi %mul3A_110, %min3A_111 : i32
      %mul3A_113 = arith.constant 1024 : i32
      %mul3A_114 = arith.muli %add3A_91, %mul3A_113 : i32
      %add3A_115 = arith.addi %mul3A_2, %mul3A_114 : i32
      %mul3A_116 = arith.constant 4 : i32
      %mul3A_117 = arith.muli %add3A_115, %mul3A_116 : i32
      %sub3A_118 = arith.subi %mul3A_117, %min3A_112 : i32
      %sub3A_119 = arith.constant 999999 : i32
      %sub3A_120 = arith.subi %sub3A_119, %min3A_112 : i32
      %scan3A_121 = arith.constant 0 : i32
      %scan3A_122 = arith.constant 256 : i32
      %scan3A_123 = arith.addi %scan3A_121, %scan3A_122 : i32
      %scan3A_124 = arith.constant 1 : i32
      scf.for %scan3A_138 = %scan3A_121 to %scan3A_123 step %scan3A_124  : i32 {
        %mul3A_139 = arith.constant 1 : i32
        %mul3A_140 = arith.muli %scan3A_138, %mul3A_139 : i32
        %add3A_141 = arith.constant 0 : i32
        %add3A_142 = arith.addi %add3A_141, %mul3A_140 : i32
        %mul3A_143 = arith.constant 2 : i32
        %mul3A_144 = arith.muli %add3A_142, %mul3A_143 : i32
        %add3A_145 = arith.constant 0 : i32
        %add3A_146 = arith.addi %mul3A_144, %add3A_145 : i32
        %mul3A_147 = arith.constant 8 : i32
        %mul3A_148 = arith.muli %add3A_146, %mul3A_147 : i32
        %add3A_149 = vector.broadcast %mul3A_148 : i32 to vector<16xi32>
        %add3A_150 = arith.addi %add3A_149, %add3A_10 : vector<16xi32>
        %add3A_151 = vector.broadcast %sub3A_118 : i32 to vector<16xi32>
        %add3A_152 = arith.addi %add3A_150, %add3A_151 : vector<16xi32>
        %min3A_153 = vector.broadcast %sub3A_120 : i32 to vector<16xi32>
        %min3A_154 = arith.minsi %add3A_152, %min3A_153 : vector<16xi32>
        %mul3A_155 = arith.constant 2 : i32
        %mul3A_156 = arith.muli %add3A_142, %mul3A_155 : i32
        %add3A_157 = arith.constant 1 : i32
        %add3A_158 = arith.addi %mul3A_156, %add3A_157 : i32
        %mul3A_159 = arith.constant 8 : i32
        %mul3A_160 = arith.muli %add3A_158, %mul3A_159 : i32
        %add3A_161 = vector.broadcast %mul3A_160 : i32 to vector<16xi32>
        %add3A_162 = arith.addi %add3A_161, %add3A_10 : vector<16xi32>
        %add3A_163 = vector.broadcast %sub3A_118 : i32 to vector<16xi32>
        %add3A_164 = arith.addi %add3A_162, %add3A_163 : vector<16xi32>
        %min3A_165 = vector.broadcast %sub3A_120 : i32 to vector<16xi32>
        %min3A_166 = arith.minsi %add3A_164, %min3A_165 : vector<16xi32>
        %gather3A = tpu.vector_load_idx %arg5[%min3A_154] : memref<4112xf32, #tpu.memory_space<vmem>>[vector<16xi32>], vector<16xf32>,
        %gather3A_167 = tpu.vector_load_idx %arg5[%min3A_166] : memref<4112xf32, #tpu.memory_space<vmem>>[vector<16xi32>], vector<16xf32>,
        %mul3A_168 = arith.constant 2 : i32
        %mul3A_169 = arith.muli %add3A_142, %mul3A_168 : i32
        %add3A_170 = arith.constant 0 : i32
        %add3A_171 = arith.addi %mul3A_169, %add3A_170 : i32
        %mul3A_172 = arith.constant 2 : i32
        %mul3A_173 = arith.muli %add3A_171, %mul3A_172 : i32
        %add3A_174 = vector.broadcast %mul3A_173 : i32 to vector<16xi32>
        %add3A_175 = arith.addi %add3A_174, %shift_right_arithmetic3A_6 : vector<16xi32>
        tpu.vector_store_idx %arg7[%add3A_175, %and3A_4], %gather3A : memref<1024x8xf32, #tpu.memory_space<vmem>>[vector<16xi32>, vector<16xi32>], vector<16xf32>,
        %mul3A_176 = arith.constant 2 : i32
        %mul3A_177 = arith.muli %add3A_142, %mul3A_176 : i32
        %add3A_178 = arith.constant 1 : i32
        %add3A_179 = arith.addi %mul3A_177, %add3A_178 : i32
        %mul3A_180 = arith.constant 2 : i32
        %mul3A_181 = arith.muli %add3A_179, %mul3A_180 : i32
        %add3A_182 = vector.broadcast %mul3A_181 : i32 to vector<16xi32>
        %add3A_183 = arith.addi %add3A_182, %shift_right_arithmetic3A_6 : vector<16xi32>
        tpu.vector_store_idx %arg7[%add3A_183, %and3A_4], %gather3A_167 : memref<1024x8xf32, #tpu.memory_space<vmem>>[vector<16xi32>, vector<16xi32>], vector<16xf32>,
      }
      %scan3A_125 = arith.constant 256 : i32
      %mul3A_126 = arith.constant 1024 : i32
      %mul3A_127 = arith.muli %add3A_91, %mul3A_126 : i32
      %add3A_128 = arith.addi %mul3A_2, %mul3A_127 : i32
      %dma_start3A_129 = arith.constant 0 : i32
      %dma_start3A_130 = tpu.memref_slice %arg3[%add3A_128, %dma_start3A_129] : memref<262144x8xf32, #tpu.memory_space<hbm>> -> memref<1024x8xf32, #tpu.memory_space<hbm>>
      %dma_start3A_131 = arith.constant 0 : i32
      %dma_start3A_132 = tpu.memref_slice %arg3[%add3A_128, %dma_start3A_131] : memref<262144x8xf32, #tpu.memory_space<hbm>> -> memref<1024x8xf32, #tpu.memory_space<hbm>>
      tpu.enqueue_dma source(%arg7 : memref<1024x8xf32, #tpu.memory_space<vmem>>) target(%dma_start3A_132 : memref<1024x8xf32, #tpu.memory_space<hbm>>) target_semaphore(%arg11 : memref<!tpu.dma_semaphore, #tpu.memory_space<semaphore_mem>>)
      %lt3A_133 = arith.constant 3 : i32
      %lt3A_134 = arith.cmpi slt, %add3A_44, %lt3A_133 : i32
      %convert_element_type3A_135 = arith.extui %lt3A_134 : i1 to i32
      %cond3A_136 = arith.constant 0 : i32
      %cond3A_137 = arith.cmpi ne, %convert_element_type3A_135, %cond3A_136 : i32
      scf.if %cond3A_137 {
        %add3A_138 = arith.constant 2 : i32
        %add3A_139 = arith.addi %add3A_91, %add3A_138 : i32
        %mul3A_140 = arith.constant 1024 : i32
        %mul3A_141 = arith.muli %add3A_139, %mul3A_140 : i32
        %add3A_142 = arith.addi %mul3A_2, %mul3A_141 : i32
        %mul3A_143 = arith.constant 4 : i32
        %mul3A_144 = arith.muli %add3A_142, %mul3A_143 : i32
        %min3A_145 = arith.constant 995888 : i32
        %min3A_146 = arith.minsi %mul3A_144, %min3A_145 : i32
        %dma_start3A_147 = tpu.memref_slice %arg2[%min3A_146] : memref<1000000xf32, #tpu.memory_space<hbm>> -> memref<4112xf32, #tpu.memory_space<hbm>>
        %dma_start3A_148 = tpu.memref_slice %arg2[%min3A_146] : memref<1000000xf32, #tpu.memory_space<hbm>> -> memref<4112xf32, #tpu.memory_space<hbm>>
        tpu.enqueue_dma source(%dma_start3A_148 : memref<4112xf32, #tpu.memory_space<hbm>>) target(%arg5 : memref<4112xf32, #tpu.memory_space<vmem>>) target_semaphore(%arg9 : memref<!tpu.dma_semaphore, #tpu.memory_space<semaphore_mem>>)
      } else {
      }
    }
    %scan3A_28 = arith.constant 4 : i32
    %add3A_29 = arith.constant 6144 : i32
    %add3A_30 = arith.addi %mul3A_2, %add3A_29 : i32
    %dma_wait3A = arith.constant 0 : i32
    %dma_wait3A_31 = tpu.memref_slice %arg3[%add3A_30, %dma_wait3A] : memref<262144x8xf32, #tpu.memory_space<hbm>> -> memref<1024x8xf32, #tpu.memory_space<hbm>>
    %dma_wait3A_32 = arith.constant 0 : i32
    %dma_wait3A_33 = tpu.memref_slice %arg3[%add3A_30, %dma_wait3A_32] : memref<262144x8xf32, #tpu.memory_space<hbm>> -> memref<1024x8xf32, #tpu.memory_space<hbm>>
    tpu.wait_dma2 semaphore(%arg10 : memref<!tpu.dma_semaphore, #tpu.memory_space<semaphore_mem>>) src(%arg6 : memref<1024x8xf32, #tpu.memory_space<vmem>>) dst(%dma_wait3A_33 : memref<1024x8xf32, #tpu.memory_space<hbm>>)
    %add3A_34 = arith.constant 7168 : i32
    %add3A_35 = arith.addi %mul3A_2, %add3A_34 : i32
    %dma_wait3A_36 = arith.constant 0 : i32
    %dma_wait3A_37 = tpu.memref_slice %arg3[%add3A_35, %dma_wait3A_36] : memref<262144x8xf32, #tpu.memory_space<hbm>> -> memref<1024x8xf32, #tpu.memory_space<hbm>>
    %dma_wait3A_38 = arith.constant 0 : i32
    %dma_wait3A_39 = tpu.memref_slice %arg3[%add3A_35, %dma_wait3A_38] : memref<262144x8xf32, #tpu.memory_space<hbm>> -> memref<1024x8xf32, #tpu.memory_space<hbm>>
    tpu.wait_dma2 semaphore(%arg11 : memref<!tpu.dma_semaphore, #tpu.memory_space<semaphore_mem>>) src(%arg7 : memref<1024x8xf32, #tpu.memory_space<vmem>>) dst(%dma_wait3A_39 : memref<1024x8xf32, #tpu.memory_space<hbm>>)
    return
  }
}

#map = affine_map<(d0, d1) -> (0)>
#map1 = affine_map<(d0, d1) -> (0, 0)>
module attributes {stable_mosaic.version = 14 : i64} {
  func.func @body(%arg0: i32, %arg1: i32, %arg2: memref<4194304xf32, #tpu.memory_space<hbm>>, %arg3: memref<262144x8xf32, #tpu.memory_space<hbm>>, %arg4: memref<4194304xf32, #tpu.memory_space<hbm>>, %arg5: memref<2048xf32, #tpu.memory_space<vmem>>, %arg6: memref<2048xf32, #tpu.memory_space<vmem>>, %arg7: memref<2048xf32, #tpu.memory_space<vmem>>, %arg8: memref<2048xf32, #tpu.memory_space<vmem>>, %arg9: memref<2048xi32, #tpu.memory_space<vmem>>, %arg10: memref<2048xi32, #tpu.memory_space<vmem>>, %arg11: memref<2048xi32, #tpu.memory_space<vmem>>, %arg12: memref<2048xi32, #tpu.memory_space<vmem>>, %arg13: memref<2048x8xf32, #tpu.memory_space<vmem>>, %arg14: memref<2048x8xf32, #tpu.memory_space<vmem>>, %arg15: memref<2048xf32, #tpu.memory_space<vmem>>, %arg16: memref<2048xf32, #tpu.memory_space<vmem>>, %arg17: memref<!tpu.dma_semaphore, #tpu.memory_space<semaphore_mem>>, %arg18: memref<!tpu.dma_semaphore, #tpu.memory_space<semaphore_mem>>, %arg19: memref<!tpu.dma_semaphore, #tpu.memory_space<semaphore_mem>>, %arg20: memref<!tpu.dma_semaphore, #tpu.memory_space<semaphore_mem>>, %arg21: memref<!tpu.dma_semaphore, #tpu.memory_space<semaphore_mem>>, %arg22: memref<!tpu.dma_semaphore, #tpu.memory_space<semaphore_mem>>) attributes {dimension_semantics = [#tpu.dimension_semantics<core_parallel>, #tpu.dimension_semantics<subcore_parallel>], iteration_bounds = array<i64: 2, 16>, scalar_prefetch = 0 : i64, scratch_operands = 18 : i64, tpu.core_type = #tpu.core_type<sc_vector_subcore>, window_params = [{transform_indices = #map}, {transform_indices = #map1}, {transform_indices = #map}]} {
    %mul3A = arith.constant 2 : i32
    %mul3A_0 = arith.muli %arg1, %mul3A : i32
    %add3A = arith.addi %mul3A_0, %arg0 : i32
    %mul3A_1 = arith.constant 131072 : i32
    %mul3A_2 = arith.muli %add3A, %mul3A_1 : i32
    %iota3A = tpu.iota {dimensions = array<i32: 0>} : vector<16xi32>
    %mul3A_3 = arith.constant 8 : i32
    %mul3A_4 = vector.broadcast %mul3A_3 : i32 to vector<16xi32>
    %mul3A_5 = arith.muli %iota3A, %mul3A_4 : vector<16xi32>
    %add3A_6 = arith.constant 0 : i32
    %add3A_7 = arith.addi %mul3A_2, %add3A_6 : i32
    %dma_start3A = tpu.memref_slice %arg2[%add3A_7] : memref<4194304xf32, #tpu.memory_space<hbm>> -> memref<2048xf32, #tpu.memory_space<hbm>>
    %dma_start3A_8 = tpu.memref_slice %arg2[%add3A_7] : memref<4194304xf32, #tpu.memory_space<hbm>> -> memref<2048xf32, #tpu.memory_space<hbm>>
    tpu.enqueue_dma source(%dma_start3A_8 : memref<2048xf32, #tpu.memory_space<hbm>>) target(%arg5 : memref<2048xf32, #tpu.memory_space<vmem>>) target_semaphore(%arg17 : memref<!tpu.dma_semaphore, #tpu.memory_space<semaphore_mem>>)
    %add3A_9 = arith.constant 2048 : i32
    %add3A_10 = arith.addi %mul3A_2, %add3A_9 : i32
    %dma_start3A_11 = tpu.memref_slice %arg2[%add3A_10] : memref<4194304xf32, #tpu.memory_space<hbm>> -> memref<2048xf32, #tpu.memory_space<hbm>>
    %dma_start3A_12 = tpu.memref_slice %arg2[%add3A_10] : memref<4194304xf32, #tpu.memory_space<hbm>> -> memref<2048xf32, #tpu.memory_space<hbm>>
    tpu.enqueue_dma source(%dma_start3A_12 : memref<2048xf32, #tpu.memory_space<hbm>>) target(%arg6 : memref<2048xf32, #tpu.memory_space<vmem>>) target_semaphore(%arg18 : memref<!tpu.dma_semaphore, #tpu.memory_space<semaphore_mem>>)
    %add3A_13 = arith.constant 0 : i32
    %add3A_14 = arith.addi %mul3A_2, %add3A_13 : i32
    %dma_wait3A = tpu.memref_slice %arg2[%add3A_14] : memref<4194304xf32, #tpu.memory_space<hbm>> -> memref<2048xf32, #tpu.memory_space<hbm>>
    %dma_wait3A_15 = tpu.memref_slice %arg2[%add3A_14] : memref<4194304xf32, #tpu.memory_space<hbm>> -> memref<2048xf32, #tpu.memory_space<hbm>>
    tpu.wait_dma2 semaphore(%arg17 : memref<!tpu.dma_semaphore, #tpu.memory_space<semaphore_mem>>) src(%dma_wait3A_15 : memref<2048xf32, #tpu.memory_space<hbm>>) dst(%arg5 : memref<2048xf32, #tpu.memory_space<vmem>>)
    %scan3A = arith.constant 0 : i32
    %scan3A_16 = arith.constant 32 : i32
    %scan3A_17 = arith.addi %scan3A, %scan3A_16 : i32
    %scan3A_18 = arith.constant 1 : i32
    scf.for %scan3A_161 = %scan3A to %scan3A_17 step %scan3A_18  : i32 {
      %mul3A_162 = arith.constant 1 : i32
      %mul3A_163 = arith.muli %scan3A_161, %mul3A_162 : i32
      %add3A_164 = arith.constant 0 : i32
      %add3A_165 = arith.addi %add3A_164, %mul3A_163 : i32
      %mul3A_166 = arith.constant 4 : i32
      %mul3A_167 = arith.muli %add3A_165, %mul3A_166 : i32
      %add3A_168 = arith.constant 0 : i32
      %add3A_169 = arith.addi %mul3A_167, %add3A_168 : i32
      %mul3A_170 = arith.constant 16 : i32
      %mul3A_171 = arith.muli %add3A_169, %mul3A_170 : i32
      %mul3A_172 = arith.constant 4 : i32
      %mul3A_173 = arith.muli %add3A_165, %mul3A_172 : i32
      %add3A_174 = arith.constant 1 : i32
      %add3A_175 = arith.addi %mul3A_173, %add3A_174 : i32
      %mul3A_176 = arith.constant 16 : i32
      %mul3A_177 = arith.muli %add3A_175, %mul3A_176 : i32
      %mul3A_178 = arith.constant 4 : i32
      %mul3A_179 = arith.muli %add3A_165, %mul3A_178 : i32
      %add3A_180 = arith.constant 2 : i32
      %add3A_181 = arith.addi %mul3A_179, %add3A_180 : i32
      %mul3A_182 = arith.constant 16 : i32
      %mul3A_183 = arith.muli %add3A_181, %mul3A_182 : i32
      %mul3A_184 = arith.constant 4 : i32
      %mul3A_185 = arith.muli %add3A_165, %mul3A_184 : i32
      %add3A_186 = arith.constant 3 : i32
      %add3A_187 = arith.addi %mul3A_185, %add3A_186 : i32
      %mul3A_188 = arith.constant 16 : i32
      %mul3A_189 = arith.muli %add3A_187, %mul3A_188 : i32
      %get3A = arith.index_cast %mul3A_171 : i32 to index
      %get3A_190 = tpu.vector_load %arg5[%get3A] {strides = array<i32>} : memref<2048xf32, #tpu.memory_space<vmem>>, vector<16xf32>,
      %get3A_191 = arith.index_cast %mul3A_177 : i32 to index
      %get3A_192 = tpu.vector_load %arg5[%get3A_191] {strides = array<i32>} : memref<2048xf32, #tpu.memory_space<vmem>>, vector<16xf32>,
      %get3A_193 = arith.index_cast %mul3A_183 : i32 to index
      %get3A_194 = tpu.vector_load %arg5[%get3A_193] {strides = array<i32>} : memref<2048xf32, #tpu.memory_space<vmem>>, vector<16xf32>,
      %get3A_195 = arith.index_cast %mul3A_189 : i32 to index
      %get3A_196 = tpu.vector_load %arg5[%get3A_195] {strides = array<i32>} : memref<2048xf32, #tpu.memory_space<vmem>>, vector<16xf32>,
      %sub3A = arith.constant -1.00000203 : f32
      %sub3A_197 = vector.broadcast %sub3A : f32 to vector<16xf32>
      %sub3A_198 = arith.subf %get3A_190, %sub3A_197 : vector<16xf32>
      %sub3A_199 = arith.constant 2.00000591E-6 : f32
      %sub3A_200 = vector.broadcast %sub3A_199 : f32 to vector<16xf32>
      %sub3A_201 = arith.subf %sub3A_198, %sub3A_200 : vector<16xf32>
      %sub3A_202 = arith.constant -1.00000203 : f32
      %sub3A_203 = vector.broadcast %sub3A_202 : f32 to vector<16xf32>
      %sub3A_204 = arith.subf %get3A_192, %sub3A_203 : vector<16xf32>
      %sub3A_205 = arith.constant 2.00000591E-6 : f32
      %sub3A_206 = vector.broadcast %sub3A_205 : f32 to vector<16xf32>
      %sub3A_207 = arith.subf %sub3A_204, %sub3A_206 : vector<16xf32>
      %sub3A_208 = arith.constant -1.00000203 : f32
      %sub3A_209 = vector.broadcast %sub3A_208 : f32 to vector<16xf32>
      %sub3A_210 = arith.subf %get3A_194, %sub3A_209 : vector<16xf32>
      %sub3A_211 = arith.constant 2.00000591E-6 : f32
      %sub3A_212 = vector.broadcast %sub3A_211 : f32 to vector<16xf32>
      %sub3A_213 = arith.subf %sub3A_210, %sub3A_212 : vector<16xf32>
      %sub3A_214 = arith.constant -1.00000203 : f32
      %sub3A_215 = vector.broadcast %sub3A_214 : f32 to vector<16xf32>
      %sub3A_216 = arith.subf %get3A_196, %sub3A_215 : vector<16xf32>
      %sub3A_217 = arith.constant 2.00000591E-6 : f32
      %sub3A_218 = vector.broadcast %sub3A_217 : f32 to vector<16xf32>
      %sub3A_219 = arith.subf %sub3A_216, %sub3A_218 : vector<16xf32>
      %div3A = arith.constant 2.00000591E-6 : f32
      %div3A_220 = vector.broadcast %div3A : f32 to vector<16xf32>
      %div3A_221 = arith.divf %sub3A_201, %div3A_220 : vector<16xf32>
      %div3A_222 = arith.constant 2.00000591E-6 : f32
      %div3A_223 = vector.broadcast %div3A_222 : f32 to vector<16xf32>
      %div3A_224 = arith.divf %sub3A_207, %div3A_223 : vector<16xf32>
      %div3A_225 = arith.constant 2.00000591E-6 : f32
      %div3A_226 = vector.broadcast %div3A_225 : f32 to vector<16xf32>
      %div3A_227 = arith.divf %sub3A_213, %div3A_226 : vector<16xf32>
      %div3A_228 = arith.constant 2.00000591E-6 : f32
      %div3A_229 = vector.broadcast %div3A_228 : f32 to vector<16xf32>
      %div3A_230 = arith.divf %sub3A_219, %div3A_229 : vector<16xf32>
      %convert_element_type3A = arith.fptosi %div3A_221 : vector<16xf32> to vector<16xi32>
      %convert_element_type3A_231 = arith.fptosi %div3A_224 : vector<16xf32> to vector<16xi32>
      %convert_element_type3A_232 = arith.fptosi %div3A_227 : vector<16xf32> to vector<16xi32>
      %convert_element_type3A_233 = arith.fptosi %div3A_230 : vector<16xf32> to vector<16xi32>
      %convert_element_type3A_234 = arith.sitofp %convert_element_type3A : vector<16xi32> to vector<16xf32>
      %convert_element_type3A_235 = arith.sitofp %convert_element_type3A_231 : vector<16xi32> to vector<16xf32>
      %convert_element_type3A_236 = arith.sitofp %convert_element_type3A_232 : vector<16xi32> to vector<16xf32>
      %convert_element_type3A_237 = arith.sitofp %convert_element_type3A_233 : vector<16xi32> to vector<16xf32>
      %sub3A_238 = arith.subf %div3A_221, %convert_element_type3A_234 : vector<16xf32>
      %sub3A_239 = arith.subf %div3A_224, %convert_element_type3A_235 : vector<16xf32>
      %sub3A_240 = arith.subf %div3A_227, %convert_element_type3A_236 : vector<16xf32>
      %sub3A_241 = arith.subf %div3A_230, %convert_element_type3A_237 : vector<16xf32>
      %min3A = arith.constant 999999 : i32
      %min3A_242 = vector.broadcast %min3A : i32 to vector<16xi32>
      %min3A_243 = arith.minsi %convert_element_type3A, %min3A_242 : vector<16xi32>
      %min3A_244 = arith.constant 999999 : i32
      %min3A_245 = vector.broadcast %min3A_244 : i32 to vector<16xi32>
      %min3A_246 = arith.minsi %convert_element_type3A_231, %min3A_245 : vector<16xi32>
      %min3A_247 = arith.constant 999999 : i32
      %min3A_248 = vector.broadcast %min3A_247 : i32 to vector<16xi32>
      %min3A_249 = arith.minsi %convert_element_type3A_232, %min3A_248 : vector<16xi32>
      %min3A_250 = arith.constant 999999 : i32
      %min3A_251 = vector.broadcast %min3A_250 : i32 to vector<16xi32>
      %min3A_252 = arith.minsi %convert_element_type3A_233, %min3A_251 : vector<16xi32>
      %shift_right_arithmetic3A = arith.constant 2 : i32
      %shift_right_arithmetic3A_253 = vector.broadcast %shift_right_arithmetic3A : i32 to vector<16xi32>
      %shift_right_arithmetic3A_254 = arith.shrsi %min3A_243, %shift_right_arithmetic3A_253 : vector<16xi32>
      %swap3A = arith.index_cast %mul3A_171 : i32 to index
      %swap3A_255 = tpu.vector_load %arg9[%swap3A] {strides = array<i32>} : memref<2048xi32, #tpu.memory_space<vmem>>, vector<16xi32>,
      tpu.vector_store %arg9[%swap3A], %shift_right_arithmetic3A_254 {strides = array<i32>} : memref<2048xi32, #tpu.memory_space<vmem>>, vector<16xi32>,
      %shift_right_arithmetic3A_256 = arith.constant 2 : i32
      %shift_right_arithmetic3A_257 = vector.broadcast %shift_right_arithmetic3A_256 : i32 to vector<16xi32>
      %shift_right_arithmetic3A_258 = arith.shrsi %min3A_246, %shift_right_arithmetic3A_257 : vector<16xi32>
      %swap3A_259 = arith.index_cast %mul3A_177 : i32 to index
      %swap3A_260 = tpu.vector_load %arg9[%swap3A_259] {strides = array<i32>} : memref<2048xi32, #tpu.memory_space<vmem>>, vector<16xi32>,
      tpu.vector_store %arg9[%swap3A_259], %shift_right_arithmetic3A_258 {strides = array<i32>} : memref<2048xi32, #tpu.memory_space<vmem>>, vector<16xi32>,
      %shift_right_arithmetic3A_261 = arith.constant 2 : i32
      %shift_right_arithmetic3A_262 = vector.broadcast %shift_right_arithmetic3A_261 : i32 to vector<16xi32>
      %shift_right_arithmetic3A_263 = arith.shrsi %min3A_249, %shift_right_arithmetic3A_262 : vector<16xi32>
      %swap3A_264 = arith.index_cast %mul3A_183 : i32 to index
      %swap3A_265 = tpu.vector_load %arg9[%swap3A_264] {strides = array<i32>} : memref<2048xi32, #tpu.memory_space<vmem>>, vector<16xi32>,
      tpu.vector_store %arg9[%swap3A_264], %shift_right_arithmetic3A_263 {strides = array<i32>} : memref<2048xi32, #tpu.memory_space<vmem>>, vector<16xi32>,
      %shift_right_arithmetic3A_266 = arith.constant 2 : i32
      %shift_right_arithmetic3A_267 = vector.broadcast %shift_right_arithmetic3A_266 : i32 to vector<16xi32>
      %shift_right_arithmetic3A_268 = arith.shrsi %min3A_252, %shift_right_arithmetic3A_267 : vector<16xi32>
      %swap3A_269 = arith.index_cast %mul3A_189 : i32 to index
      %swap3A_270 = tpu.vector_load %arg9[%swap3A_269] {strides = array<i32>} : memref<2048xi32, #tpu.memory_space<vmem>>, vector<16xi32>,
      tpu.vector_store %arg9[%swap3A_269], %shift_right_arithmetic3A_268 {strides = array<i32>} : memref<2048xi32, #tpu.memory_space<vmem>>, vector<16xi32>,
      %mul3A_271 = arith.constant 512 : i32
      %mul3A_272 = arith.muli %add3A_165, %mul3A_271 : i32
      %add3A_273 = arith.constant 0 : i32
      %add3A_274 = arith.addi %mul3A_272, %add3A_273 : i32
      %add3A_275 = vector.broadcast %add3A_274 : i32 to vector<16xi32>
      %add3A_276 = arith.addi %add3A_275, %mul3A_5 : vector<16xi32>
      %mul3A_277 = arith.constant 512 : i32
      %mul3A_278 = arith.muli %add3A_165, %mul3A_277 : i32
      %add3A_279 = arith.constant 128 : i32
      %add3A_280 = arith.addi %mul3A_278, %add3A_279 : i32
      %add3A_281 = vector.broadcast %add3A_280 : i32 to vector<16xi32>
      %add3A_282 = arith.addi %add3A_281, %mul3A_5 : vector<16xi32>
      %mul3A_283 = arith.constant 512 : i32
      %mul3A_284 = arith.muli %add3A_165, %mul3A_283 : i32
      %add3A_285 = arith.constant 256 : i32
      %add3A_286 = arith.addi %mul3A_284, %add3A_285 : i32
      %add3A_287 = vector.broadcast %add3A_286 : i32 to vector<16xi32>
      %add3A_288 = arith.addi %add3A_287, %mul3A_5 : vector<16xi32>
      %mul3A_289 = arith.constant 512 : i32
      %mul3A_290 = arith.muli %add3A_165, %mul3A_289 : i32
      %add3A_291 = arith.constant 384 : i32
      %add3A_292 = arith.addi %mul3A_290, %add3A_291 : i32
      %add3A_293 = vector.broadcast %add3A_292 : i32 to vector<16xi32>
      %add3A_294 = arith.addi %add3A_293, %mul3A_5 : vector<16xi32>
      %and3A = arith.constant 3 : i32
      %and3A_295 = vector.broadcast %and3A : i32 to vector<16xi32>
      %and3A_296 = arith.andi %min3A_243, %and3A_295 : vector<16xi32>
      %add3A_297 = arith.addi %add3A_276, %and3A_296 : vector<16xi32>
      %swap3A_298 = arith.index_cast %mul3A_171 : i32 to index
      %swap3A_299 = tpu.vector_load %arg11[%swap3A_298] {strides = array<i32>} : memref<2048xi32, #tpu.memory_space<vmem>>, vector<16xi32>,
      tpu.vector_store %arg11[%swap3A_298], %add3A_297 {strides = array<i32>} : memref<2048xi32, #tpu.memory_space<vmem>>, vector<16xi32>,
      %and3A_300 = arith.constant 3 : i32
      %and3A_301 = vector.broadcast %and3A_300 : i32 to vector<16xi32>
      %and3A_302 = arith.andi %min3A_246, %and3A_301 : vector<16xi32>
      %add3A_303 = arith.addi %add3A_282, %and3A_302 : vector<16xi32>
      %swap3A_304 = arith.index_cast %mul3A_177 : i32 to index
      %swap3A_305 = tpu.vector_load %arg11[%swap3A_304] {strides = array<i32>} : memref<2048xi32, #tpu.memory_space<vmem>>, vector<16xi32>,
      tpu.vector_store %arg11[%swap3A_304], %add3A_303 {strides = array<i32>} : memref<2048xi32, #tpu.memory_space<vmem>>, vector<16xi32>,
      %and3A_306 = arith.constant 3 : i32
      %and3A_307 = vector.broadcast %and3A_306 : i32 to vector<16xi32>
      %and3A_308 = arith.andi %min3A_249, %and3A_307 : vector<16xi32>
      %add3A_309 = arith.addi %add3A_288, %and3A_308 : vector<16xi32>
      %swap3A_310 = arith.index_cast %mul3A_183 : i32 to index
      %swap3A_311 = tpu.vector_load %arg11[%swap3A_310] {strides = array<i32>} : memref<2048xi32, #tpu.memory_space<vmem>>, vector<16xi32>,
      tpu.vector_store %arg11[%swap3A_310], %add3A_309 {strides = array<i32>} : memref<2048xi32, #tpu.memory_space<vmem>>, vector<16xi32>,
      %and3A_312 = arith.constant 3 : i32
      %and3A_313 = vector.broadcast %and3A_312 : i32 to vector<16xi32>
      %and3A_314 = arith.andi %min3A_252, %and3A_313 : vector<16xi32>
      %add3A_315 = arith.addi %add3A_294, %and3A_314 : vector<16xi32>
      %swap3A_316 = arith.index_cast %mul3A_189 : i32 to index
      %swap3A_317 = tpu.vector_load %arg11[%swap3A_316] {strides = array<i32>} : memref<2048xi32, #tpu.memory_space<vmem>>, vector<16xi32>,
      tpu.vector_store %arg11[%swap3A_316], %add3A_315 {strides = array<i32>} : memref<2048xi32, #tpu.memory_space<vmem>>, vector<16xi32>,
      %swap3A_318 = arith.index_cast %mul3A_171 : i32 to index
      %swap3A_319 = tpu.vector_load %arg7[%swap3A_318] {strides = array<i32>} : memref<2048xf32, #tpu.memory_space<vmem>>, vector<16xf32>,
      tpu.vector_store %arg7[%swap3A_318], %sub3A_238 {strides = array<i32>} : memref<2048xf32, #tpu.memory_space<vmem>>, vector<16xf32>,
      %swap3A_320 = arith.index_cast %mul3A_177 : i32 to index
      %swap3A_321 = tpu.vector_load %arg7[%swap3A_320] {strides = array<i32>} : memref<2048xf32, #tpu.memory_space<vmem>>, vector<16xf32>,
      tpu.vector_store %arg7[%swap3A_320], %sub3A_239 {strides = array<i32>} : memref<2048xf32, #tpu.memory_space<vmem>>, vector<16xf32>,
      %swap3A_322 = arith.index_cast %mul3A_183 : i32 to index
      %swap3A_323 = tpu.vector_load %arg7[%swap3A_322] {strides = array<i32>} : memref<2048xf32, #tpu.memory_space<vmem>>, vector<16xf32>,
      tpu.vector_store %arg7[%swap3A_322], %sub3A_240 {strides = array<i32>} : memref<2048xf32, #tpu.memory_space<vmem>>, vector<16xf32>,
      %swap3A_324 = arith.index_cast %mul3A_189 : i32 to index
      %swap3A_325 = tpu.vector_load %arg7[%swap3A_324] {strides = array<i32>} : memref<2048xf32, #tpu.memory_space<vmem>>, vector<16xf32>,
      tpu.vector_store %arg7[%swap3A_324], %sub3A_241 {strides = array<i32>} : memref<2048xf32, #tpu.memory_space<vmem>>, vector<16xf32>,
    }
    %scan3A_19 = arith.constant 32 : i32
    %dma_start3A_20 = arith.constant 0 : i32
    %dma_start3A_21 = arith.constant 0 : i32
    %dma_start3A_22 = tpu.memref_slice %arg13[%dma_start3A_20, %dma_start3A_21] : memref<2048x8xf32, #tpu.memory_space<vmem>> -> memref<128x8xf32, #tpu.memory_space<vmem>>
    %dma_start3A_23 = arith.constant 0 : i32
    %dma_start3A_24 = tpu.memref_slice %arg9[%dma_start3A_23] : memref<2048xi32, #tpu.memory_space<vmem>> -> memref<128xi32, #tpu.memory_space<vmem>>
    %dma_start3A_25 = arith.constant 0 : i32
    %dma_start3A_26 = arith.constant 0 : i32
    %dma_start3A_27 = tpu.memref_slice %arg3[%dma_start3A_25, %dma_start3A_26] : memref<262144x8xf32, #tpu.memory_space<hbm>> -> memref<262144x8xf32, #tpu.memory_space<hbm>>
    tpu.enqueue_indirect_dma source(%dma_start3A_27 : memref<262144x8xf32, #tpu.memory_space<hbm>>) target(%dma_start3A_22 : memref<128x8xf32, #tpu.memory_space<vmem>>) offsets(%dma_start3A_24 : memref<128xi32, #tpu.memory_space<vmem>>) semaphore(%arg19 : memref<!tpu.dma_semaphore, #tpu.memory_space<semaphore_mem>>)
    %dma_start3A_28 = arith.constant 128 : i32
    %dma_start3A_29 = arith.constant 0 : i32
    %dma_start3A_30 = tpu.memref_slice %arg13[%dma_start3A_28, %dma_start3A_29] : memref<2048x8xf32, #tpu.memory_space<vmem>> -> memref<128x8xf32, #tpu.memory_space<vmem>>
    %dma_start3A_31 = arith.constant 128 : i32
    %dma_start3A_32 = tpu.memref_slice %arg9[%dma_start3A_31] : memref<2048xi32, #tpu.memory_space<vmem>> -> memref<128xi32, #tpu.memory_space<vmem>>
    %dma_start3A_33 = arith.constant 0 : i32
    %dma_start3A_34 = arith.constant 0 : i32
    %dma_start3A_35 = tpu.memref_slice %arg3[%dma_start3A_33, %dma_start3A_34] : memref<262144x8xf32, #tpu.memory_space<hbm>> -> memref<262144x8xf32, #tpu.memory_space<hbm>>
    tpu.enqueue_indirect_dma source(%dma_start3A_35 : memref<262144x8xf32, #tpu.memory_space<hbm>>) target(%dma_start3A_30 : memref<128x8xf32, #tpu.memory_space<vmem>>) offsets(%dma_start3A_32 : memref<128xi32, #tpu.memory_space<vmem>>) semaphore(%arg19 : memref<!tpu.dma_semaphore, #tpu.memory_space<semaphore_mem>>)
    %dma_start3A_36 = arith.constant 256 : i32
    %dma_start3A_37 = arith.constant 0 : i32
    %dma_start3A_38 = tpu.memref_slice %arg13[%dma_start3A_36, %dma_start3A_37] : memref<2048x8xf32, #tpu.memory_space<vmem>> -> memref<128x8xf32, #tpu.memory_space<vmem>>
    %dma_start3A_39 = arith.constant 256 : i32
    %dma_start3A_40 = tpu.memref_slice %arg9[%dma_start3A_39] : memref<2048xi32, #tpu.memory_space<vmem>> -> memref<128xi32, #tpu.memory_space<vmem>>
    %dma_start3A_41 = arith.constant 0 : i32
    %dma_start3A_42 = arith.constant 0 : i32
    %dma_start3A_43 = tpu.memref_slice %arg3[%dma_start3A_41, %dma_start3A_42] : memref<262144x8xf32, #tpu.memory_space<hbm>> -> memref<262144x8xf32, #tpu.memory_space<hbm>>
    tpu.enqueue_indirect_dma source(%dma_start3A_43 : memref<262144x8xf32, #tpu.memory_space<hbm>>) target(%dma_start3A_38 : memref<128x8xf32, #tpu.memory_space<vmem>>) offsets(%dma_start3A_40 : memref<128xi32, #tpu.memory_space<vmem>>) semaphore(%arg19 : memref<!tpu.dma_semaphore, #tpu.memory_space<semaphore_mem>>)
    %dma_start3A_44 = arith.constant 384 : i32
    %dma_start3A_45 = arith.constant 0 : i32
    %dma_start3A_46 = tpu.memref_slice %arg13[%dma_start3A_44, %dma_start3A_45] : memref<2048x8xf32, #tpu.memory_space<vmem>> -> memref<128x8xf32, #tpu.memory_space<vmem>>
    %dma_start3A_47 = arith.constant 384 : i32
    %dma_start3A_48 = tpu.memref_slice %arg9[%dma_start3A_47] : memref<2048xi32, #tpu.memory_space<vmem>> -> memref<128xi32, #tpu.memory_space<vmem>>
    %dma_start3A_49 = arith.constant 0 : i32
    %dma_start3A_50 = arith.constant 0 : i32
    %dma_start3A_51 = tpu.memref_slice %arg3[%dma_start3A_49, %dma_start3A_50] : memref<262144x8xf32, #tpu.memory_space<hbm>> -> memref<262144x8xf32, #tpu.memory_space<hbm>>
    tpu.enqueue_indirect_dma source(%dma_start3A_51 : memref<262144x8xf32, #tpu.memory_space<hbm>>) target(%dma_start3A_46 : memref<128x8xf32, #tpu.memory_space<vmem>>) offsets(%dma_start3A_48 : memref<128xi32, #tpu.memory_space<vmem>>) semaphore(%arg19 : memref<!tpu.dma_semaphore, #tpu.memory_space<semaphore_mem>>)
    %dma_start3A_52 = arith.constant 512 : i32
    %dma_start3A_53 = arith.constant 0 : i32
    %dma_start3A_54 = tpu.memref_slice %arg13[%dma_start3A_52, %dma_start3A_53] : memref<2048x8xf32, #tpu.memory_space<vmem>> -> memref<128x8xf32, #tpu.memory_space<vmem>>
    %dma_start3A_55 = arith.constant 512 : i32
    %dma_start3A_56 = tpu.memref_slice %arg9[%dma_start3A_55] : memref<2048xi32, #tpu.memory_space<vmem>> -> memref<128xi32, #tpu.memory_space<vmem>>
    %dma_start3A_57 = arith.constant 0 : i32
    %dma_start3A_58 = arith.constant 0 : i32
    %dma_start3A_59 = tpu.memref_slice %arg3[%dma_start3A_57, %dma_start3A_58] : memref<262144x8xf32, #tpu.memory_space<hbm>> -> memref<262144x8xf32, #tpu.memory_space<hbm>>
    tpu.enqueue_indirect_dma source(%dma_start3A_59 : memref<262144x8xf32, #tpu.memory_space<hbm>>) target(%dma_start3A_54 : memref<128x8xf32, #tpu.memory_space<vmem>>) offsets(%dma_start3A_56 : memref<128xi32, #tpu.memory_space<vmem>>) semaphore(%arg19 : memref<!tpu.dma_semaphore, #tpu.memory_space<semaphore_mem>>)
    %dma_start3A_60 = arith.constant 640 : i32
    %dma_start3A_61 = arith.constant 0 : i32
    %dma_start3A_62 = tpu.memref_slice %arg13[%dma_start3A_60, %dma_start3A_61] : memref<2048x8xf32, #tpu.memory_space<vmem>> -> memref<128x8xf32, #tpu.memory_space<vmem>>
    %dma_start3A_63 = arith.constant 640 : i32
    %dma_start3A_64 = tpu.memref_slice %arg9[%dma_start3A_63] : memref<2048xi32, #tpu.memory_space<vmem>> -> memref<128xi32, #tpu.memory_space<vmem>>
    %dma_start3A_65 = arith.constant 0 : i32
    %dma_start3A_66 = arith.constant 0 : i32
    %dma_start3A_67 = tpu.memref_slice %arg3[%dma_start3A_65, %dma_start3A_66] : memref<262144x8xf32, #tpu.memory_space<hbm>> -> memref<262144x8xf32, #tpu.memory_space<hbm>>
    tpu.enqueue_indirect_dma source(%dma_start3A_67 : memref<262144x8xf32, #tpu.memory_space<hbm>>) target(%dma_start3A_62 : memref<128x8xf32, #tpu.memory_space<vmem>>) offsets(%dma_start3A_64 : memref<128xi32, #tpu.memory_space<vmem>>) semaphore(%arg19 : memref<!tpu.dma_semaphore, #tpu.memory_space<semaphore_mem>>)
    %dma_start3A_68 = arith.constant 768 : i32
    %dma_start3A_69 = arith.constant 0 : i32
    %dma_start3A_70 = tpu.memref_slice %arg13[%dma_start3A_68, %dma_start3A_69] : memref<2048x8xf32, #tpu.memory_space<vmem>> -> memref<128x8xf32, #tpu.memory_space<vmem>>
    %dma_start3A_71 = arith.constant 768 : i32
    %dma_start3A_72 = tpu.memref_slice %arg9[%dma_start3A_71] : memref<2048xi32, #tpu.memory_space<vmem>> -> memref<128xi32, #tpu.memory_space<vmem>>
    %dma_start3A_73 = arith.constant 0 : i32
    %dma_start3A_74 = arith.constant 0 : i32
    %dma_start3A_75 = tpu.memref_slice %arg3[%dma_start3A_73, %dma_start3A_74] : memref<262144x8xf32, #tpu.memory_space<hbm>> -> memref<262144x8xf32, #tpu.memory_space<hbm>>
    tpu.enqueue_indirect_dma source(%dma_start3A_75 : memref<262144x8xf32, #tpu.memory_space<hbm>>) target(%dma_start3A_70 : memref<128x8xf32, #tpu.memory_space<vmem>>) offsets(%dma_start3A_72 : memref<128xi32, #tpu.memory_space<vmem>>) semaphore(%arg19 : memref<!tpu.dma_semaphore, #tpu.memory_space<semaphore_mem>>)
    %dma_start3A_76 = arith.constant 896 : i32
    %dma_start3A_77 = arith.constant 0 : i32
    %dma_start3A_78 = tpu.memref_slice %arg13[%dma_start3A_76, %dma_start3A_77] : memref<2048x8xf32, #tpu.memory_space<vmem>> -> memref<128x8xf32, #tpu.memory_space<vmem>>
    %dma_start3A_79 = arith.constant 896 : i32
    %dma_start3A_80 = tpu.memref_slice %arg9[%dma_start3A_79] : memref<2048xi32, #tpu.memory_space<vmem>> -> memref<128xi32, #tpu.memory_space<vmem>>
    %dma_start3A_81 = arith.constant 0 : i32
    %dma_start3A_82 = arith.constant 0 : i32
    %dma_start3A_83 = tpu.memref_slice %arg3[%dma_start3A_81, %dma_start3A_82] : memref<262144x8xf32, #tpu.memory_space<hbm>> -> memref<262144x8xf32, #tpu.memory_space<hbm>>
    tpu.enqueue_indirect_dma source(%dma_start3A_83 : memref<262144x8xf32, #tpu.memory_space<hbm>>) target(%dma_start3A_78 : memref<128x8xf32, #tpu.memory_space<vmem>>) offsets(%dma_start3A_80 : memref<128xi32, #tpu.memory_space<vmem>>) semaphore(%arg19 : memref<!tpu.dma_semaphore, #tpu.memory_space<semaphore_mem>>)
    %dma_start3A_84 = arith.constant 1024 : i32
    %dma_start3A_85 = arith.constant 0 : i32
    %dma_start3A_86 = tpu.memref_slice %arg13[%dma_start3A_84, %dma_start3A_85] : memref<2048x8xf32, #tpu.memory_space<vmem>> -> memref<128x8xf32, #tpu.memory_space<vmem>>
    %dma_start3A_87 = arith.constant 1024 : i32
    %dma_start3A_88 = tpu.memref_slice %arg9[%dma_start3A_87] : memref<2048xi32, #tpu.memory_space<vmem>> -> memref<128xi32, #tpu.memory_space<vmem>>
    %dma_start3A_89 = arith.constant 0 : i32
    %dma_start3A_90 = arith.constant 0 : i32
    %dma_start3A_91 = tpu.memref_slice %arg3[%dma_start3A_89, %dma_start3A_90] : memref<262144x8xf32, #tpu.memory_space<hbm>> -> memref<262144x8xf32, #tpu.memory_space<hbm>>
    tpu.enqueue_indirect_dma source(%dma_start3A_91 : memref<262144x8xf32, #tpu.memory_space<hbm>>) target(%dma_start3A_86 : memref<128x8xf32, #tpu.memory_space<vmem>>) offsets(%dma_start3A_88 : memref<128xi32, #tpu.memory_space<vmem>>) semaphore(%arg19 : memref<!tpu.dma_semaphore, #tpu.memory_space<semaphore_mem>>)
    %dma_start3A_92 = arith.constant 1152 : i32
    %dma_start3A_93 = arith.constant 0 : i32
    %dma_start3A_94 = tpu.memref_slice %arg13[%dma_start3A_92, %dma_start3A_93] : memref<2048x8xf32, #tpu.memory_space<vmem>> -> memref<128x8xf32, #tpu.memory_space<vmem>>
    %dma_start3A_95 = arith.constant 1152 : i32
    %dma_start3A_96 = tpu.memref_slice %arg9[%dma_start3A_95] : memref<2048xi32, #tpu.memory_space<vmem>> -> memref<128xi32, #tpu.memory_space<vmem>>
    %dma_start3A_97 = arith.constant 0 : i32
    %dma_start3A_98 = arith.constant 0 : i32
    %dma_start3A_99 = tpu.memref_slice %arg3[%dma_start3A_97, %dma_start3A_98] : memref<262144x8xf32, #tpu.memory_space<hbm>> -> memref<262144x8xf32, #tpu.memory_space<hbm>>
    tpu.enqueue_indirect_dma source(%dma_start3A_99 : memref<262144x8xf32, #tpu.memory_space<hbm>>) target(%dma_start3A_94 : memref<128x8xf32, #tpu.memory_space<vmem>>) offsets(%dma_start3A_96 : memref<128xi32, #tpu.memory_space<vmem>>) semaphore(%arg19 : memref<!tpu.dma_semaphore, #tpu.memory_space<semaphore_mem>>)
    %dma_start3A_100 = arith.constant 1280 : i32
    %dma_start3A_101 = arith.constant 0 : i32
    %dma_start3A_102 = tpu.memref_slice %arg13[%dma_start3A_100, %dma_start3A_101] : memref<2048x8xf32, #tpu.memory_space<vmem>> -> memref<128x8xf32, #tpu.memory_space<vmem>>
    %dma_start3A_103 = arith.constant 1280 : i32
    %dma_start3A_104 = tpu.memref_slice %arg9[%dma_start3A_103] : memref<2048xi32, #tpu.memory_space<vmem>> -> memref<128xi32, #tpu.memory_space<vmem>>
    %dma_start3A_105 = arith.constant 0 : i32
    %dma_start3A_106 = arith.constant 0 : i32
    %dma_start3A_107 = tpu.memref_slice %arg3[%dma_start3A_105, %dma_start3A_106] : memref<262144x8xf32, #tpu.memory_space<hbm>> -> memref<262144x8xf32, #tpu.memory_space<hbm>>
    tpu.enqueue_indirect_dma source(%dma_start3A_107 : memref<262144x8xf32, #tpu.memory_space<hbm>>) target(%dma_start3A_102 : memref<128x8xf32, #tpu.memory_space<vmem>>) offsets(%dma_start3A_104 : memref<128xi32, #tpu.memory_space<vmem>>) semaphore(%arg19 : memref<!tpu.dma_semaphore, #tpu.memory_space<semaphore_mem>>)
    %dma_start3A_108 = arith.constant 1408 : i32
    %dma_start3A_109 = arith.constant 0 : i32
    %dma_start3A_110 = tpu.memref_slice %arg13[%dma_start3A_108, %dma_start3A_109] : memref<2048x8xf32, #tpu.memory_space<vmem>> -> memref<128x8xf32, #tpu.memory_space<vmem>>
    %dma_start3A_111 = arith.constant 1408 : i32
    %dma_start3A_112 = tpu.memref_slice %arg9[%dma_start3A_111] : memref<2048xi32, #tpu.memory_space<vmem>> -> memref<128xi32, #tpu.memory_space<vmem>>
    %dma_start3A_113 = arith.constant 0 : i32
    %dma_start3A_114 = arith.constant 0 : i32
    %dma_start3A_115 = tpu.memref_slice %arg3[%dma_start3A_113, %dma_start3A_114] : memref<262144x8xf32, #tpu.memory_space<hbm>> -> memref<262144x8xf32, #tpu.memory_space<hbm>>
    tpu.enqueue_indirect_dma source(%dma_start3A_115 : memref<262144x8xf32, #tpu.memory_space<hbm>>) target(%dma_start3A_110 : memref<128x8xf32, #tpu.memory_space<vmem>>) offsets(%dma_start3A_112 : memref<128xi32, #tpu.memory_space<vmem>>) semaphore(%arg19 : memref<!tpu.dma_semaphore, #tpu.memory_space<semaphore_mem>>)
    %dma_start3A_116 = arith.constant 1536 : i32
    %dma_start3A_117 = arith.constant 0 : i32
    %dma_start3A_118 = tpu.memref_slice %arg13[%dma_start3A_116, %dma_start3A_117] : memref<2048x8xf32, #tpu.memory_space<vmem>> -> memref<128x8xf32, #tpu.memory_space<vmem>>
    %dma_start3A_119 = arith.constant 1536 : i32
    %dma_start3A_120 = tpu.memref_slice %arg9[%dma_start3A_119] : memref<2048xi32, #tpu.memory_space<vmem>> -> memref<128xi32, #tpu.memory_space<vmem>>
    %dma_start3A_121 = arith.constant 0 : i32
    %dma_start3A_122 = arith.constant 0 : i32
    %dma_start3A_123 = tpu.memref_slice %arg3[%dma_start3A_121, %dma_start3A_122] : memref<262144x8xf32, #tpu.memory_space<hbm>> -> memref<262144x8xf32, #tpu.memory_space<hbm>>
    tpu.enqueue_indirect_dma source(%dma_start3A_123 : memref<262144x8xf32, #tpu.memory_space<hbm>>) target(%dma_start3A_118 : memref<128x8xf32, #tpu.memory_space<vmem>>) offsets(%dma_start3A_120 : memref<128xi32, #tpu.memory_space<vmem>>) semaphore(%arg19 : memref<!tpu.dma_semaphore, #tpu.memory_space<semaphore_mem>>)
    %dma_start3A_124 = arith.constant 1664 : i32
    %dma_start3A_125 = arith.constant 0 : i32
    %dma_start3A_126 = tpu.memref_slice %arg13[%dma_start3A_124, %dma_start3A_125] : memref<2048x8xf32, #tpu.memory_space<vmem>> -> memref<128x8xf32, #tpu.memory_space<vmem>>
    %dma_start3A_127 = arith.constant 1664 : i32
    %dma_start3A_128 = tpu.memref_slice %arg9[%dma_start3A_127] : memref<2048xi32, #tpu.memory_space<vmem>> -> memref<128xi32, #tpu.memory_space<vmem>>
    %dma_start3A_129 = arith.constant 0 : i32
    %dma_start3A_130 = arith.constant 0 : i32
    %dma_start3A_131 = tpu.memref_slice %arg3[%dma_start3A_129, %dma_start3A_130] : memref<262144x8xf32, #tpu.memory_space<hbm>> -> memref<262144x8xf32, #tpu.memory_space<hbm>>
    tpu.enqueue_indirect_dma source(%dma_start3A_131 : memref<262144x8xf32, #tpu.memory_space<hbm>>) target(%dma_start3A_126 : memref<128x8xf32, #tpu.memory_space<vmem>>) offsets(%dma_start3A_128 : memref<128xi32, #tpu.memory_space<vmem>>) semaphore(%arg19 : memref<!tpu.dma_semaphore, #tpu.memory_space<semaphore_mem>>)
    %dma_start3A_132 = arith.constant 1792 : i32
    %dma_start3A_133 = arith.constant 0 : i32
    %dma_start3A_134 = tpu.memref_slice %arg13[%dma_start3A_132, %dma_start3A_133] : memref<2048x8xf32, #tpu.memory_space<vmem>> -> memref<128x8xf32, #tpu.memory_space<vmem>>
    %dma_start3A_135 = arith.constant 1792 : i32
    %dma_start3A_136 = tpu.memref_slice %arg9[%dma_start3A_135] : memref<2048xi32, #tpu.memory_space<vmem>> -> memref<128xi32, #tpu.memory_space<vmem>>
    %dma_start3A_137 = arith.constant 0 : i32
    %dma_start3A_138 = arith.constant 0 : i32
    %dma_start3A_139 = tpu.memref_slice %arg3[%dma_start3A_137, %dma_start3A_138] : memref<262144x8xf32, #tpu.memory_space<hbm>> -> memref<262144x8xf32, #tpu.memory_space<hbm>>
    tpu.enqueue_indirect_dma source(%dma_start3A_139 : memref<262144x8xf32, #tpu.memory_space<hbm>>) target(%dma_start3A_134 : memref<128x8xf32, #tpu.memory_space<vmem>>) offsets(%dma_start3A_136 : memref<128xi32, #tpu.memory_space<vmem>>) semaphore(%arg19 : memref<!tpu.dma_semaphore, #tpu.memory_space<semaphore_mem>>)
    %dma_start3A_140 = arith.constant 1920 : i32
    %dma_start3A_141 = arith.constant 0 : i32
    %dma_start3A_142 = tpu.memref_slice %arg13[%dma_start3A_140, %dma_start3A_141] : memref<2048x8xf32, #tpu.memory_space<vmem>> -> memref<128x8xf32, #tpu.memory_space<vmem>>
    %dma_start3A_143 = arith.constant 1920 : i32
    %dma_start3A_144 = tpu.memref_slice %arg9[%dma_start3A_143] : memref<2048xi32, #tpu.memory_space<vmem>> -> memref<128xi32, #tpu.memory_space<vmem>>
    %dma_start3A_145 = arith.constant 0 : i32
    %dma_start3A_146 = arith.constant 0 : i32
    %dma_start3A_147 = tpu.memref_slice %arg3[%dma_start3A_145, %dma_start3A_146] : memref<262144x8xf32, #tpu.memory_space<hbm>> -> memref<262144x8xf32, #tpu.memory_space<hbm>>
    tpu.enqueue_indirect_dma source(%dma_start3A_147 : memref<262144x8xf32, #tpu.memory_space<hbm>>) target(%dma_start3A_142 : memref<128x8xf32, #tpu.memory_space<vmem>>) offsets(%dma_start3A_144 : memref<128xi32, #tpu.memory_space<vmem>>) semaphore(%arg19 : memref<!tpu.dma_semaphore, #tpu.memory_space<semaphore_mem>>)
    %scan3A_148 = arith.constant 0 : i32
    %scan3A_149 = arith.constant 32 : i32
    %scan3A_150 = arith.addi %scan3A_148, %scan3A_149 : i32
    %scan3A_151 = arith.constant 1 : i32
    scf.for %scan3A_161 = %scan3A_148 to %scan3A_150 step %scan3A_151  : i32 {
      %mul3A_162 = arith.constant 1 : i32
      %mul3A_163 = arith.muli %scan3A_161, %mul3A_162 : i32
      %add3A_164 = arith.constant 0 : i32
      %add3A_165 = arith.addi %add3A_164, %mul3A_163 : i32
      %mul3A_166 = arith.constant 2 : i32
      %mul3A_167 = arith.muli %mul3A_166, %add3A_165 : i32
      %add3A_168 = arith.constant 1 : i32
      %add3A_169 = arith.addi %mul3A_167, %add3A_168 : i32
      %mul3A_170 = arith.constant 2048 : i32
      %mul3A_171 = arith.muli %add3A_169, %mul3A_170 : i32
      %add3A_172 = arith.addi %mul3A_2, %mul3A_171 : i32
      %dma_wait3A_173 = tpu.memref_slice %arg2[%add3A_172] : memref<4194304xf32, #tpu.memory_space<hbm>> -> memref<2048xf32, #tpu.memory_space<hbm>>
      %dma_wait3A_174 = tpu.memref_slice %arg2[%add3A_172] : memref<4194304xf32, #tpu.memory_space<hbm>> -> memref<2048xf32, #tpu.memory_space<hbm>>
      tpu.wait_dma2 semaphore(%arg18 : memref<!tpu.dma_semaphore, #tpu.memory_space<semaphore_mem>>) src(%dma_wait3A_174 : memref<2048xf32, #tpu.memory_space<hbm>>) dst(%arg6 : memref<2048xf32, #tpu.memory_space<vmem>>)
      %scan3A_175 = arith.constant 0 : i32
      %scan3A_176 = arith.constant 32 : i32
      %scan3A_177 = arith.addi %scan3A_175, %scan3A_176 : i32
      %scan3A_178 = arith.constant 1 : i32
      scf.for %scan3A_368 = %scan3A_175 to %scan3A_177 step %scan3A_178  : i32 {
        %mul3A_369 = arith.constant 1 : i32
        %mul3A_370 = arith.muli %scan3A_368, %mul3A_369 : i32
        %add3A_371 = arith.constant 0 : i32
        %add3A_372 = arith.addi %add3A_371, %mul3A_370 : i32
        %mul3A_373 = arith.constant 4 : i32
        %mul3A_374 = arith.muli %add3A_372, %mul3A_373 : i32
        %add3A_375 = arith.constant 0 : i32
        %add3A_376 = arith.addi %mul3A_374, %add3A_375 : i32
        %mul3A_377 = arith.constant 16 : i32
        %mul3A_378 = arith.muli %add3A_376, %mul3A_377 : i32
        %mul3A_379 = arith.constant 4 : i32
        %mul3A_380 = arith.muli %add3A_372, %mul3A_379 : i32
        %add3A_381 = arith.constant 1 : i32
        %add3A_382 = arith.addi %mul3A_380, %add3A_381 : i32
        %mul3A_383 = arith.constant 16 : i32
        %mul3A_384 = arith.muli %add3A_382, %mul3A_383 : i32
        %mul3A_385 = arith.constant 4 : i32
        %mul3A_386 = arith.muli %add3A_372, %mul3A_385 : i32
        %add3A_387 = arith.constant 2 : i32
        %add3A_388 = arith.addi %mul3A_386, %add3A_387 : i32
        %mul3A_389 = arith.constant 16 : i32
        %mul3A_390 = arith.muli %add3A_388, %mul3A_389 : i32
        %mul3A_391 = arith.constant 4 : i32
        %mul3A_392 = arith.muli %add3A_372, %mul3A_391 : i32
        %add3A_393 = arith.constant 3 : i32
        %add3A_394 = arith.addi %mul3A_392, %add3A_393 : i32
        %mul3A_395 = arith.constant 16 : i32
        %mul3A_396 = arith.muli %add3A_394, %mul3A_395 : i32
        %get3A = arith.index_cast %mul3A_378 : i32 to index
        %get3A_397 = tpu.vector_load %arg6[%get3A] {strides = array<i32>} : memref<2048xf32, #tpu.memory_space<vmem>>, vector<16xf32>,
        %get3A_398 = arith.index_cast %mul3A_384 : i32 to index
        %get3A_399 = tpu.vector_load %arg6[%get3A_398] {strides = array<i32>} : memref<2048xf32, #tpu.memory_space<vmem>>, vector<16xf32>,
        %get3A_400 = arith.index_cast %mul3A_390 : i32 to index
        %get3A_401 = tpu.vector_load %arg6[%get3A_400] {strides = array<i32>} : memref<2048xf32, #tpu.memory_space<vmem>>, vector<16xf32>,
        %get3A_402 = arith.index_cast %mul3A_396 : i32 to index
        %get3A_403 = tpu.vector_load %arg6[%get3A_402] {strides = array<i32>} : memref<2048xf32, #tpu.memory_space<vmem>>, vector<16xf32>,
        %sub3A = arith.constant -1.00000203 : f32
        %sub3A_404 = vector.broadcast %sub3A : f32 to vector<16xf32>
        %sub3A_405 = arith.subf %get3A_397, %sub3A_404 : vector<16xf32>
        %sub3A_406 = arith.constant 2.00000591E-6 : f32
        %sub3A_407 = vector.broadcast %sub3A_406 : f32 to vector<16xf32>
        %sub3A_408 = arith.subf %sub3A_405, %sub3A_407 : vector<16xf32>
        %sub3A_409 = arith.constant -1.00000203 : f32
        %sub3A_410 = vector.broadcast %sub3A_409 : f32 to vector<16xf32>
        %sub3A_411 = arith.subf %get3A_399, %sub3A_410 : vector<16xf32>
        %sub3A_412 = arith.constant 2.00000591E-6 : f32
        %sub3A_413 = vector.broadcast %sub3A_412 : f32 to vector<16xf32>
        %sub3A_414 = arith.subf %sub3A_411, %sub3A_413 : vector<16xf32>
        %sub3A_415 = arith.constant -1.00000203 : f32
        %sub3A_416 = vector.broadcast %sub3A_415 : f32 to vector<16xf32>
        %sub3A_417 = arith.subf %get3A_401, %sub3A_416 : vector<16xf32>
        %sub3A_418 = arith.constant 2.00000591E-6 : f32
        %sub3A_419 = vector.broadcast %sub3A_418 : f32 to vector<16xf32>
        %sub3A_420 = arith.subf %sub3A_417, %sub3A_419 : vector<16xf32>
        %sub3A_421 = arith.constant -1.00000203 : f32
        %sub3A_422 = vector.broadcast %sub3A_421 : f32 to vector<16xf32>
        %sub3A_423 = arith.subf %get3A_403, %sub3A_422 : vector<16xf32>
        %sub3A_424 = arith.constant 2.00000591E-6 : f32
        %sub3A_425 = vector.broadcast %sub3A_424 : f32 to vector<16xf32>
        %sub3A_426 = arith.subf %sub3A_423, %sub3A_425 : vector<16xf32>
        %div3A = arith.constant 2.00000591E-6 : f32
        %div3A_427 = vector.broadcast %div3A : f32 to vector<16xf32>
        %div3A_428 = arith.divf %sub3A_408, %div3A_427 : vector<16xf32>
        %div3A_429 = arith.constant 2.00000591E-6 : f32
        %div3A_430 = vector.broadcast %div3A_429 : f32 to vector<16xf32>
        %div3A_431 = arith.divf %sub3A_414, %div3A_430 : vector<16xf32>
        %div3A_432 = arith.constant 2.00000591E-6 : f32
        %div3A_433 = vector.broadcast %div3A_432 : f32 to vector<16xf32>
        %div3A_434 = arith.divf %sub3A_420, %div3A_433 : vector<16xf32>
        %div3A_435 = arith.constant 2.00000591E-6 : f32
        %div3A_436 = vector.broadcast %div3A_435 : f32 to vector<16xf32>
        %div3A_437 = arith.divf %sub3A_426, %div3A_436 : vector<16xf32>
        %convert_element_type3A_438 = arith.fptosi %div3A_428 : vector<16xf32> to vector<16xi32>
        %convert_element_type3A_439 = arith.fptosi %div3A_431 : vector<16xf32> to vector<16xi32>
        %convert_element_type3A_440 = arith.fptosi %div3A_434 : vector<16xf32> to vector<16xi32>
        %convert_element_type3A_441 = arith.fptosi %div3A_437 : vector<16xf32> to vector<16xi32>
        %convert_element_type3A_442 = arith.sitofp %convert_element_type3A_438 : vector<16xi32> to vector<16xf32>
        %convert_element_type3A_443 = arith.sitofp %convert_element_type3A_439 : vector<16xi32> to vector<16xf32>
        %convert_element_type3A_444 = arith.sitofp %convert_element_type3A_440 : vector<16xi32> to vector<16xf32>
        %convert_element_type3A_445 = arith.sitofp %convert_element_type3A_441 : vector<16xi32> to vector<16xf32>
        %sub3A_446 = arith.subf %div3A_428, %convert_element_type3A_442 : vector<16xf32>
        %sub3A_447 = arith.subf %div3A_431, %convert_element_type3A_443 : vector<16xf32>
        %sub3A_448 = arith.subf %div3A_434, %convert_element_type3A_444 : vector<16xf32>
        %sub3A_449 = arith.subf %div3A_437, %convert_element_type3A_445 : vector<16xf32>
        %min3A = arith.constant 999999 : i32
        %min3A_450 = vector.broadcast %min3A : i32 to vector<16xi32>
        %min3A_451 = arith.minsi %convert_element_type3A_438, %min3A_450 : vector<16xi32>
        %min3A_452 = arith.constant 999999 : i32
        %min3A_453 = vector.broadcast %min3A_452 : i32 to vector<16xi32>
        %min3A_454 = arith.minsi %convert_element_type3A_439, %min3A_453 : vector<16xi32>
        %min3A_455 = arith.constant 999999 : i32
        %min3A_456 = vector.broadcast %min3A_455 : i32 to vector<16xi32>
        %min3A_457 = arith.minsi %convert_element_type3A_440, %min3A_456 : vector<16xi32>
        %min3A_458 = arith.constant 999999 : i32
        %min3A_459 = vector.broadcast %min3A_458 : i32 to vector<16xi32>
        %min3A_460 = arith.minsi %convert_element_type3A_441, %min3A_459 : vector<16xi32>
        %shift_right_arithmetic3A = arith.constant 2 : i32
        %shift_right_arithmetic3A_461 = vector.broadcast %shift_right_arithmetic3A : i32 to vector<16xi32>
        %shift_right_arithmetic3A_462 = arith.shrsi %min3A_451, %shift_right_arithmetic3A_461 : vector<16xi32>
        %swap3A = arith.index_cast %mul3A_378 : i32 to index
        %swap3A_463 = tpu.vector_load %arg10[%swap3A] {strides = array<i32>} : memref<2048xi32, #tpu.memory_space<vmem>>, vector<16xi32>,
        tpu.vector_store %arg10[%swap3A], %shift_right_arithmetic3A_462 {strides = array<i32>} : memref<2048xi32, #tpu.memory_space<vmem>>, vector<16xi32>,
        %shift_right_arithmetic3A_464 = arith.constant 2 : i32
        %shift_right_arithmetic3A_465 = vector.broadcast %shift_right_arithmetic3A_464 : i32 to vector<16xi32>
        %shift_right_arithmetic3A_466 = arith.shrsi %min3A_454, %shift_right_arithmetic3A_465 : vector<16xi32>
        %swap3A_467 = arith.index_cast %mul3A_384 : i32 to index
        %swap3A_468 = tpu.vector_load %arg10[%swap3A_467] {strides = array<i32>} : memref<2048xi32, #tpu.memory_space<vmem>>, vector<16xi32>,
        tpu.vector_store %arg10[%swap3A_467], %shift_right_arithmetic3A_466 {strides = array<i32>} : memref<2048xi32, #tpu.memory_space<vmem>>, vector<16xi32>,
        %shift_right_arithmetic3A_469 = arith.constant 2 : i32
        %shift_right_arithmetic3A_470 = vector.broadcast %shift_right_arithmetic3A_469 : i32 to vector<16xi32>
        %shift_right_arithmetic3A_471 = arith.shrsi %min3A_457, %shift_right_arithmetic3A_470 : vector<16xi32>
        %swap3A_472 = arith.index_cast %mul3A_390 : i32 to index
        %swap3A_473 = tpu.vector_load %arg10[%swap3A_472] {strides = array<i32>} : memref<2048xi32, #tpu.memory_space<vmem>>, vector<16xi32>,
        tpu.vector_store %arg10[%swap3A_472], %shift_right_arithmetic3A_471 {strides = array<i32>} : memref<2048xi32, #tpu.memory_space<vmem>>, vector<16xi32>,
        %shift_right_arithmetic3A_474 = arith.constant 2 : i32
        %shift_right_arithmetic3A_475 = vector.broadcast %shift_right_arithmetic3A_474 : i32 to vector<16xi32>
        %shift_right_arithmetic3A_476 = arith.shrsi %min3A_460, %shift_right_arithmetic3A_475 : vector<16xi32>
        %swap3A_477 = arith.index_cast %mul3A_396 : i32 to index
        %swap3A_478 = tpu.vector_load %arg10[%swap3A_477] {strides = array<i32>} : memref<2048xi32, #tpu.memory_space<vmem>>, vector<16xi32>,
        tpu.vector_store %arg10[%swap3A_477], %shift_right_arithmetic3A_476 {strides = array<i32>} : memref<2048xi32, #tpu.memory_space<vmem>>, vector<16xi32>,
        %mul3A_479 = arith.constant 512 : i32
        %mul3A_480 = arith.muli %add3A_372, %mul3A_479 : i32
        %add3A_481 = arith.constant 0 : i32
        %add3A_482 = arith.addi %mul3A_480, %add3A_481 : i32
        %add3A_483 = vector.broadcast %add3A_482 : i32 to vector<16xi32>
        %add3A_484 = arith.addi %add3A_483, %mul3A_5 : vector<16xi32>
        %mul3A_485 = arith.constant 512 : i32
        %mul3A_486 = arith.muli %add3A_372, %mul3A_485 : i32
        %add3A_487 = arith.constant 128 : i32
        %add3A_488 = arith.addi %mul3A_486, %add3A_487 : i32
        %add3A_489 = vector.broadcast %add3A_488 : i32 to vector<16xi32>
        %add3A_490 = arith.addi %add3A_489, %mul3A_5 : vector<16xi32>
        %mul3A_491 = arith.constant 512 : i32
        %mul3A_492 = arith.muli %add3A_372, %mul3A_491 : i32
        %add3A_493 = arith.constant 256 : i32
        %add3A_494 = arith.addi %mul3A_492, %add3A_493 : i32
        %add3A_495 = vector.broadcast %add3A_494 : i32 to vector<16xi32>
        %add3A_496 = arith.addi %add3A_495, %mul3A_5 : vector<16xi32>
        %mul3A_497 = arith.constant 512 : i32
        %mul3A_498 = arith.muli %add3A_372, %mul3A_497 : i32
        %add3A_499 = arith.constant 384 : i32
        %add3A_500 = arith.addi %mul3A_498, %add3A_499 : i32
        %add3A_501 = vector.broadcast %add3A_500 : i32 to vector<16xi32>
        %add3A_502 = arith.addi %add3A_501, %mul3A_5 : vector<16xi32>
        %and3A = arith.constant 3 : i32
        %and3A_503 = vector.broadcast %and3A : i32 to vector<16xi32>
        %and3A_504 = arith.andi %min3A_451, %and3A_503 : vector<16xi32>
        %add3A_505 = arith.addi %add3A_484, %and3A_504 : vector<16xi32>
        %swap3A_506 = arith.index_cast %mul3A_378 : i32 to index
        %swap3A_507 = tpu.vector_load %arg12[%swap3A_506] {strides = array<i32>} : memref<2048xi32, #tpu.memory_space<vmem>>, vector<16xi32>,
        tpu.vector_store %arg12[%swap3A_506], %add3A_505 {strides = array<i32>} : memref<2048xi32, #tpu.memory_space<vmem>>, vector<16xi32>,
        %and3A_508 = arith.constant 3 : i32
        %and3A_509 = vector.broadcast %and3A_508 : i32 to vector<16xi32>
        %and3A_510 = arith.andi %min3A_454, %and3A_509 : vector<16xi32>
        %add3A_511 = arith.addi %add3A_490, %and3A_510 : vector<16xi32>
        %swap3A_512 = arith.index_cast %mul3A_384 : i32 to index
        %swap3A_513 = tpu.vector_load %arg12[%swap3A_512] {strides = array<i32>} : memref<2048xi32, #tpu.memory_space<vmem>>, vector<16xi32>,
        tpu.vector_store %arg12[%swap3A_512], %add3A_511 {strides = array<i32>} : memref<2048xi32, #tpu.memory_space<vmem>>, vector<16xi32>,
        %and3A_514 = arith.constant 3 : i32
        %and3A_515 = vector.broadcast %and3A_514 : i32 to vector<16xi32>
        %and3A_516 = arith.andi %min3A_457, %and3A_515 : vector<16xi32>
        %add3A_517 = arith.addi %add3A_496, %and3A_516 : vector<16xi32>
        %swap3A_518 = arith.index_cast %mul3A_390 : i32 to index
        %swap3A_519 = tpu.vector_load %arg12[%swap3A_518] {strides = array<i32>} : memref<2048xi32, #tpu.memory_space<vmem>>, vector<16xi32>,
        tpu.vector_store %arg12[%swap3A_518], %add3A_517 {strides = array<i32>} : memref<2048xi32, #tpu.memory_space<vmem>>, vector<16xi32>,
        %and3A_520 = arith.constant 3 : i32
        %and3A_521 = vector.broadcast %and3A_520 : i32 to vector<16xi32>
        %and3A_522 = arith.andi %min3A_460, %and3A_521 : vector<16xi32>
        %add3A_523 = arith.addi %add3A_502, %and3A_522 : vector<16xi32>
        %swap3A_524 = arith.index_cast %mul3A_396 : i32 to index
        %swap3A_525 = tpu.vector_load %arg12[%swap3A_524] {strides = array<i32>} : memref<2048xi32, #tpu.memory_space<vmem>>, vector<16xi32>,
        tpu.vector_store %arg12[%swap3A_524], %add3A_523 {strides = array<i32>} : memref<2048xi32, #tpu.memory_space<vmem>>, vector<16xi32>,
        %swap3A_526 = arith.index_cast %mul3A_378 : i32 to index
        %swap3A_527 = tpu.vector_load %arg8[%swap3A_526] {strides = array<i32>} : memref<2048xf32, #tpu.memory_space<vmem>>, vector<16xf32>,
        tpu.vector_store %arg8[%swap3A_526], %sub3A_446 {strides = array<i32>} : memref<2048xf32, #tpu.memory_space<vmem>>, vector<16xf32>,
        %swap3A_528 = arith.index_cast %mul3A_384 : i32 to index
        %swap3A_529 = tpu.vector_load %arg8[%swap3A_528] {strides = array<i32>} : memref<2048xf32, #tpu.memory_space<vmem>>, vector<16xf32>,
        tpu.vector_store %arg8[%swap3A_528], %sub3A_447 {strides = array<i32>} : memref<2048xf32, #tpu.memory_space<vmem>>, vector<16xf32>,
        %swap3A_530 = arith.index_cast %mul3A_390 : i32 to index
        %swap3A_531 = tpu.vector_load %arg8[%swap3A_530] {strides = array<i32>} : memref<2048xf32, #tpu.memory_space<vmem>>, vector<16xf32>,
        tpu.vector_store %arg8[%swap3A_530], %sub3A_448 {strides = array<i32>} : memref<2048xf32, #tpu.memory_space<vmem>>, vector<16xf32>,
        %swap3A_532 = arith.index_cast %mul3A_396 : i32 to index
        %swap3A_533 = tpu.vector_load %arg8[%swap3A_532] {strides = array<i32>} : memref<2048xf32, #tpu.memory_space<vmem>>, vector<16xf32>,
        tpu.vector_store %arg8[%swap3A_532], %sub3A_449 {strides = array<i32>} : memref<2048xf32, #tpu.memory_space<vmem>>, vector<16xf32>,
      }
      %scan3A_179 = arith.constant 32 : i32
      %dma_start3A_180 = arith.constant 0 : i32
      %dma_start3A_181 = arith.constant 0 : i32
      %dma_start3A_182 = tpu.memref_slice %arg14[%dma_start3A_180, %dma_start3A_181] : memref<2048x8xf32, #tpu.memory_space<vmem>> -> memref<128x8xf32, #tpu.memory_space<vmem>>
      %dma_start3A_183 = arith.constant 0 : i32
      %dma_start3A_184 = tpu.memref_slice %arg10[%dma_start3A_183] : memref<2048xi32, #tpu.memory_space<vmem>> -> memref<128xi32, #tpu.memory_space<vmem>>
      %dma_start3A_185 = arith.constant 0 : i32
      %dma_start3A_186 = arith.constant 0 : i32
      %dma_start3A_187 = tpu.memref_slice %arg3[%dma_start3A_185, %dma_start3A_186] : memref<262144x8xf32, #tpu.memory_space<hbm>> -> memref<262144x8xf32, #tpu.memory_space<hbm>>
      tpu.enqueue_indirect_dma source(%dma_start3A_187 : memref<262144x8xf32, #tpu.memory_space<hbm>>) target(%dma_start3A_182 : memref<128x8xf32, #tpu.memory_space<vmem>>) offsets(%dma_start3A_184 : memref<128xi32, #tpu.memory_space<vmem>>) semaphore(%arg20 : memref<!tpu.dma_semaphore, #tpu.memory_space<semaphore_mem>>)
      %dma_start3A_188 = arith.constant 128 : i32
      %dma_start3A_189 = arith.constant 0 : i32
      %dma_start3A_190 = tpu.memref_slice %arg14[%dma_start3A_188, %dma_start3A_189] : memref<2048x8xf32, #tpu.memory_space<vmem>> -> memref<128x8xf32, #tpu.memory_space<vmem>>
      %dma_start3A_191 = arith.constant 128 : i32
      %dma_start3A_192 = tpu.memref_slice %arg10[%dma_start3A_191] : memref<2048xi32, #tpu.memory_space<vmem>> -> memref<128xi32, #tpu.memory_space<vmem>>
      %dma_start3A_193 = arith.constant 0 : i32
      %dma_start3A_194 = arith.constant 0 : i32
      %dma_start3A_195 = tpu.memref_slice %arg3[%dma_start3A_193, %dma_start3A_194] : memref<262144x8xf32, #tpu.memory_space<hbm>> -> memref<262144x8xf32, #tpu.memory_space<hbm>>
      tpu.enqueue_indirect_dma source(%dma_start3A_195 : memref<262144x8xf32, #tpu.memory_space<hbm>>) target(%dma_start3A_190 : memref<128x8xf32, #tpu.memory_space<vmem>>) offsets(%dma_start3A_192 : memref<128xi32, #tpu.memory_space<vmem>>) semaphore(%arg20 : memref<!tpu.dma_semaphore, #tpu.memory_space<semaphore_mem>>)
      %dma_start3A_196 = arith.constant 256 : i32
      %dma_start3A_197 = arith.constant 0 : i32
      %dma_start3A_198 = tpu.memref_slice %arg14[%dma_start3A_196, %dma_start3A_197] : memref<2048x8xf32, #tpu.memory_space<vmem>> -> memref<128x8xf32, #tpu.memory_space<vmem>>
      %dma_start3A_199 = arith.constant 256 : i32
      %dma_start3A_200 = tpu.memref_slice %arg10[%dma_start3A_199] : memref<2048xi32, #tpu.memory_space<vmem>> -> memref<128xi32, #tpu.memory_space<vmem>>
      %dma_start3A_201 = arith.constant 0 : i32
      %dma_start3A_202 = arith.constant 0 : i32
      %dma_start3A_203 = tpu.memref_slice %arg3[%dma_start3A_201, %dma_start3A_202] : memref<262144x8xf32, #tpu.memory_space<hbm>> -> memref<262144x8xf32, #tpu.memory_space<hbm>>
      tpu.enqueue_indirect_dma source(%dma_start3A_203 : memref<262144x8xf32, #tpu.memory_space<hbm>>) target(%dma_start3A_198 : memref<128x8xf32, #tpu.memory_space<vmem>>) offsets(%dma_start3A_200 : memref<128xi32, #tpu.memory_space<vmem>>) semaphore(%arg20 : memref<!tpu.dma_semaphore, #tpu.memory_space<semaphore_mem>>)
      %dma_start3A_204 = arith.constant 384 : i32
      %dma_start3A_205 = arith.constant 0 : i32
      %dma_start3A_206 = tpu.memref_slice %arg14[%dma_start3A_204, %dma_start3A_205] : memref<2048x8xf32, #tpu.memory_space<vmem>> -> memref<128x8xf32, #tpu.memory_space<vmem>>
      %dma_start3A_207 = arith.constant 384 : i32
      %dma_start3A_208 = tpu.memref_slice %arg10[%dma_start3A_207] : memref<2048xi32, #tpu.memory_space<vmem>> -> memref<128xi32, #tpu.memory_space<vmem>>
      %dma_start3A_209 = arith.constant 0 : i32
      %dma_start3A_210 = arith.constant 0 : i32
      %dma_start3A_211 = tpu.memref_slice %arg3[%dma_start3A_209, %dma_start3A_210] : memref<262144x8xf32, #tpu.memory_space<hbm>> -> memref<262144x8xf32, #tpu.memory_space<hbm>>
      tpu.enqueue_indirect_dma source(%dma_start3A_211 : memref<262144x8xf32, #tpu.memory_space<hbm>>) target(%dma_start3A_206 : memref<128x8xf32, #tpu.memory_space<vmem>>) offsets(%dma_start3A_208 : memref<128xi32, #tpu.memory_space<vmem>>) semaphore(%arg20 : memref<!tpu.dma_semaphore, #tpu.memory_space<semaphore_mem>>)
      %dma_start3A_212 = arith.constant 512 : i32
      %dma_start3A_213 = arith.constant 0 : i32
      %dma_start3A_214 = tpu.memref_slice %arg14[%dma_start3A_212, %dma_start3A_213] : memref<2048x8xf32, #tpu.memory_space<vmem>> -> memref<128x8xf32, #tpu.memory_space<vmem>>
      %dma_start3A_215 = arith.constant 512 : i32
      %dma_start3A_216 = tpu.memref_slice %arg10[%dma_start3A_215] : memref<2048xi32, #tpu.memory_space<vmem>> -> memref<128xi32, #tpu.memory_space<vmem>>
      %dma_start3A_217 = arith.constant 0 : i32
      %dma_start3A_218 = arith.constant 0 : i32
      %dma_start3A_219 = tpu.memref_slice %arg3[%dma_start3A_217, %dma_start3A_218] : memref<262144x8xf32, #tpu.memory_space<hbm>> -> memref<262144x8xf32, #tpu.memory_space<hbm>>
      tpu.enqueue_indirect_dma source(%dma_start3A_219 : memref<262144x8xf32, #tpu.memory_space<hbm>>) target(%dma_start3A_214 : memref<128x8xf32, #tpu.memory_space<vmem>>) offsets(%dma_start3A_216 : memref<128xi32, #tpu.memory_space<vmem>>) semaphore(%arg20 : memref<!tpu.dma_semaphore, #tpu.memory_space<semaphore_mem>>)
      %dma_start3A_220 = arith.constant 640 : i32
      %dma_start3A_221 = arith.constant 0 : i32
      %dma_start3A_222 = tpu.memref_slice %arg14[%dma_start3A_220, %dma_start3A_221] : memref<2048x8xf32, #tpu.memory_space<vmem>> -> memref<128x8xf32, #tpu.memory_space<vmem>>
      %dma_start3A_223 = arith.constant 640 : i32
      %dma_start3A_224 = tpu.memref_slice %arg10[%dma_start3A_223] : memref<2048xi32, #tpu.memory_space<vmem>> -> memref<128xi32, #tpu.memory_space<vmem>>
      %dma_start3A_225 = arith.constant 0 : i32
      %dma_start3A_226 = arith.constant 0 : i32
      %dma_start3A_227 = tpu.memref_slice %arg3[%dma_start3A_225, %dma_start3A_226] : memref<262144x8xf32, #tpu.memory_space<hbm>> -> memref<262144x8xf32, #tpu.memory_space<hbm>>
      tpu.enqueue_indirect_dma source(%dma_start3A_227 : memref<262144x8xf32, #tpu.memory_space<hbm>>) target(%dma_start3A_222 : memref<128x8xf32, #tpu.memory_space<vmem>>) offsets(%dma_start3A_224 : memref<128xi32, #tpu.memory_space<vmem>>) semaphore(%arg20 : memref<!tpu.dma_semaphore, #tpu.memory_space<semaphore_mem>>)
      %dma_start3A_228 = arith.constant 768 : i32
      %dma_start3A_229 = arith.constant 0 : i32
      %dma_start3A_230 = tpu.memref_slice %arg14[%dma_start3A_228, %dma_start3A_229] : memref<2048x8xf32, #tpu.memory_space<vmem>> -> memref<128x8xf32, #tpu.memory_space<vmem>>
      %dma_start3A_231 = arith.constant 768 : i32
      %dma_start3A_232 = tpu.memref_slice %arg10[%dma_start3A_231] : memref<2048xi32, #tpu.memory_space<vmem>> -> memref<128xi32, #tpu.memory_space<vmem>>
      %dma_start3A_233 = arith.constant 0 : i32
      %dma_start3A_234 = arith.constant 0 : i32
      %dma_start3A_235 = tpu.memref_slice %arg3[%dma_start3A_233, %dma_start3A_234] : memref<262144x8xf32, #tpu.memory_space<hbm>> -> memref<262144x8xf32, #tpu.memory_space<hbm>>
      tpu.enqueue_indirect_dma source(%dma_start3A_235 : memref<262144x8xf32, #tpu.memory_space<hbm>>) target(%dma_start3A_230 : memref<128x8xf32, #tpu.memory_space<vmem>>) offsets(%dma_start3A_232 : memref<128xi32, #tpu.memory_space<vmem>>) semaphore(%arg20 : memref<!tpu.dma_semaphore, #tpu.memory_space<semaphore_mem>>)
      %dma_start3A_236 = arith.constant 896 : i32
      %dma_start3A_237 = arith.constant 0 : i32
      %dma_start3A_238 = tpu.memref_slice %arg14[%dma_start3A_236, %dma_start3A_237] : memref<2048x8xf32, #tpu.memory_space<vmem>> -> memref<128x8xf32, #tpu.memory_space<vmem>>
      %dma_start3A_239 = arith.constant 896 : i32
      %dma_start3A_240 = tpu.memref_slice %arg10[%dma_start3A_239] : memref<2048xi32, #tpu.memory_space<vmem>> -> memref<128xi32, #tpu.memory_space<vmem>>
      %dma_start3A_241 = arith.constant 0 : i32
      %dma_start3A_242 = arith.constant 0 : i32
      %dma_start3A_243 = tpu.memref_slice %arg3[%dma_start3A_241, %dma_start3A_242] : memref<262144x8xf32, #tpu.memory_space<hbm>> -> memref<262144x8xf32, #tpu.memory_space<hbm>>
      tpu.enqueue_indirect_dma source(%dma_start3A_243 : memref<262144x8xf32, #tpu.memory_space<hbm>>) target(%dma_start3A_238 : memref<128x8xf32, #tpu.memory_space<vmem>>) offsets(%dma_start3A_240 : memref<128xi32, #tpu.memory_space<vmem>>) semaphore(%arg20 : memref<!tpu.dma_semaphore, #tpu.memory_space<semaphore_mem>>)
      %dma_start3A_244 = arith.constant 1024 : i32
      %dma_start3A_245 = arith.constant 0 : i32
      %dma_start3A_246 = tpu.memref_slice %arg14[%dma_start3A_244, %dma_start3A_245] : memref<2048x8xf32, #tpu.memory_space<vmem>> -> memref<128x8xf32, #tpu.memory_space<vmem>>
      %dma_start3A_247 = arith.constant 1024 : i32
      %dma_start3A_248 = tpu.memref_slice %arg10[%dma_start3A_247] : memref<2048xi32, #tpu.memory_space<vmem>> -> memref<128xi32, #tpu.memory_space<vmem>>
      %dma_start3A_249 = arith.constant 0 : i32
      %dma_start3A_250 = arith.constant 0 : i32
      %dma_start3A_251 = tpu.memref_slice %arg3[%dma_start3A_249, %dma_start3A_250] : memref<262144x8xf32, #tpu.memory_space<hbm>> -> memref<262144x8xf32, #tpu.memory_space<hbm>>
      tpu.enqueue_indirect_dma source(%dma_start3A_251 : memref<262144x8xf32, #tpu.memory_space<hbm>>) target(%dma_start3A_246 : memref<128x8xf32, #tpu.memory_space<vmem>>) offsets(%dma_start3A_248 : memref<128xi32, #tpu.memory_space<vmem>>) semaphore(%arg20 : memref<!tpu.dma_semaphore, #tpu.memory_space<semaphore_mem>>)
      %dma_start3A_252 = arith.constant 1152 : i32
      %dma_start3A_253 = arith.constant 0 : i32
      %dma_start3A_254 = tpu.memref_slice %arg14[%dma_start3A_252, %dma_start3A_253] : memref<2048x8xf32, #tpu.memory_space<vmem>> -> memref<128x8xf32, #tpu.memory_space<vmem>>
      %dma_start3A_255 = arith.constant 1152 : i32
      %dma_start3A_256 = tpu.memref_slice %arg10[%dma_start3A_255] : memref<2048xi32, #tpu.memory_space<vmem>> -> memref<128xi32, #tpu.memory_space<vmem>>
      %dma_start3A_257 = arith.constant 0 : i32
      %dma_start3A_258 = arith.constant 0 : i32
      %dma_start3A_259 = tpu.memref_slice %arg3[%dma_start3A_257, %dma_start3A_258] : memref<262144x8xf32, #tpu.memory_space<hbm>> -> memref<262144x8xf32, #tpu.memory_space<hbm>>
      tpu.enqueue_indirect_dma source(%dma_start3A_259 : memref<262144x8xf32, #tpu.memory_space<hbm>>) target(%dma_start3A_254 : memref<128x8xf32, #tpu.memory_space<vmem>>) offsets(%dma_start3A_256 : memref<128xi32, #tpu.memory_space<vmem>>) semaphore(%arg20 : memref<!tpu.dma_semaphore, #tpu.memory_space<semaphore_mem>>)
      %dma_start3A_260 = arith.constant 1280 : i32
      %dma_start3A_261 = arith.constant 0 : i32
      %dma_start3A_262 = tpu.memref_slice %arg14[%dma_start3A_260, %dma_start3A_261] : memref<2048x8xf32, #tpu.memory_space<vmem>> -> memref<128x8xf32, #tpu.memory_space<vmem>>
      %dma_start3A_263 = arith.constant 1280 : i32
      %dma_start3A_264 = tpu.memref_slice %arg10[%dma_start3A_263] : memref<2048xi32, #tpu.memory_space<vmem>> -> memref<128xi32, #tpu.memory_space<vmem>>
      %dma_start3A_265 = arith.constant 0 : i32
      %dma_start3A_266 = arith.constant 0 : i32
      %dma_start3A_267 = tpu.memref_slice %arg3[%dma_start3A_265, %dma_start3A_266] : memref<262144x8xf32, #tpu.memory_space<hbm>> -> memref<262144x8xf32, #tpu.memory_space<hbm>>
      tpu.enqueue_indirect_dma source(%dma_start3A_267 : memref<262144x8xf32, #tpu.memory_space<hbm>>) target(%dma_start3A_262 : memref<128x8xf32, #tpu.memory_space<vmem>>) offsets(%dma_start3A_264 : memref<128xi32, #tpu.memory_space<vmem>>) semaphore(%arg20 : memref<!tpu.dma_semaphore, #tpu.memory_space<semaphore_mem>>)
      %dma_start3A_268 = arith.constant 1408 : i32
      %dma_start3A_269 = arith.constant 0 : i32
      %dma_start3A_270 = tpu.memref_slice %arg14[%dma_start3A_268, %dma_start3A_269] : memref<2048x8xf32, #tpu.memory_space<vmem>> -> memref<128x8xf32, #tpu.memory_space<vmem>>
      %dma_start3A_271 = arith.constant 1408 : i32
      %dma_start3A_272 = tpu.memref_slice %arg10[%dma_start3A_271] : memref<2048xi32, #tpu.memory_space<vmem>> -> memref<128xi32, #tpu.memory_space<vmem>>
      %dma_start3A_273 = arith.constant 0 : i32
      %dma_start3A_274 = arith.constant 0 : i32
      %dma_start3A_275 = tpu.memref_slice %arg3[%dma_start3A_273, %dma_start3A_274] : memref<262144x8xf32, #tpu.memory_space<hbm>> -> memref<262144x8xf32, #tpu.memory_space<hbm>>
      tpu.enqueue_indirect_dma source(%dma_start3A_275 : memref<262144x8xf32, #tpu.memory_space<hbm>>) target(%dma_start3A_270 : memref<128x8xf32, #tpu.memory_space<vmem>>) offsets(%dma_start3A_272 : memref<128xi32, #tpu.memory_space<vmem>>) semaphore(%arg20 : memref<!tpu.dma_semaphore, #tpu.memory_space<semaphore_mem>>)
      %dma_start3A_276 = arith.constant 1536 : i32
      %dma_start3A_277 = arith.constant 0 : i32
      %dma_start3A_278 = tpu.memref_slice %arg14[%dma_start3A_276, %dma_start3A_277] : memref<2048x8xf32, #tpu.memory_space<vmem>> -> memref<128x8xf32, #tpu.memory_space<vmem>>
      %dma_start3A_279 = arith.constant 1536 : i32
      %dma_start3A_280 = tpu.memref_slice %arg10[%dma_start3A_279] : memref<2048xi32, #tpu.memory_space<vmem>> -> memref<128xi32, #tpu.memory_space<vmem>>
      %dma_start3A_281 = arith.constant 0 : i32
      %dma_start3A_282 = arith.constant 0 : i32
      %dma_start3A_283 = tpu.memref_slice %arg3[%dma_start3A_281, %dma_start3A_282] : memref<262144x8xf32, #tpu.memory_space<hbm>> -> memref<262144x8xf32, #tpu.memory_space<hbm>>
      tpu.enqueue_indirect_dma source(%dma_start3A_283 : memref<262144x8xf32, #tpu.memory_space<hbm>>) target(%dma_start3A_278 : memref<128x8xf32, #tpu.memory_space<vmem>>) offsets(%dma_start3A_280 : memref<128xi32, #tpu.memory_space<vmem>>) semaphore(%arg20 : memref<!tpu.dma_semaphore, #tpu.memory_space<semaphore_mem>>)
      %dma_start3A_284 = arith.constant 1664 : i32
      %dma_start3A_285 = arith.constant 0 : i32
      %dma_start3A_286 = tpu.memref_slice %arg14[%dma_start3A_284, %dma_start3A_285] : memref<2048x8xf32, #tpu.memory_space<vmem>> -> memref<128x8xf32, #tpu.memory_space<vmem>>
      %dma_start3A_287 = arith.constant 1664 : i32
      %dma_start3A_288 = tpu.memref_slice %arg10[%dma_start3A_287] : memref<2048xi32, #tpu.memory_space<vmem>> -> memref<128xi32, #tpu.memory_space<vmem>>
      %dma_start3A_289 = arith.constant 0 : i32
      %dma_start3A_290 = arith.constant 0 : i32
      %dma_start3A_291 = tpu.memref_slice %arg3[%dma_start3A_289, %dma_start3A_290] : memref<262144x8xf32, #tpu.memory_space<hbm>> -> memref<262144x8xf32, #tpu.memory_space<hbm>>
      tpu.enqueue_indirect_dma source(%dma_start3A_291 : memref<262144x8xf32, #tpu.memory_space<hbm>>) target(%dma_start3A_286 : memref<128x8xf32, #tpu.memory_space<vmem>>) offsets(%dma_start3A_288 : memref<128xi32, #tpu.memory_space<vmem>>) semaphore(%arg20 : memref<!tpu.dma_semaphore, #tpu.memory_space<semaphore_mem>>)
      %dma_start3A_292 = arith.constant 1792 : i32
      %dma_start3A_293 = arith.constant 0 : i32
      %dma_start3A_294 = tpu.memref_slice %arg14[%dma_start3A_292, %dma_start3A_293] : memref<2048x8xf32, #tpu.memory_space<vmem>> -> memref<128x8xf32, #tpu.memory_space<vmem>>
      %dma_start3A_295 = arith.constant 1792 : i32
      %dma_start3A_296 = tpu.memref_slice %arg10[%dma_start3A_295] : memref<2048xi32, #tpu.memory_space<vmem>> -> memref<128xi32, #tpu.memory_space<vmem>>
      %dma_start3A_297 = arith.constant 0 : i32
      %dma_start3A_298 = arith.constant 0 : i32
      %dma_start3A_299 = tpu.memref_slice %arg3[%dma_start3A_297, %dma_start3A_298] : memref<262144x8xf32, #tpu.memory_space<hbm>> -> memref<262144x8xf32, #tpu.memory_space<hbm>>
      tpu.enqueue_indirect_dma source(%dma_start3A_299 : memref<262144x8xf32, #tpu.memory_space<hbm>>) target(%dma_start3A_294 : memref<128x8xf32, #tpu.memory_space<vmem>>) offsets(%dma_start3A_296 : memref<128xi32, #tpu.memory_space<vmem>>) semaphore(%arg20 : memref<!tpu.dma_semaphore, #tpu.memory_space<semaphore_mem>>)
      %dma_start3A_300 = arith.constant 1920 : i32
      %dma_start3A_301 = arith.constant 0 : i32
      %dma_start3A_302 = tpu.memref_slice %arg14[%dma_start3A_300, %dma_start3A_301] : memref<2048x8xf32, #tpu.memory_space<vmem>> -> memref<128x8xf32, #tpu.memory_space<vmem>>
      %dma_start3A_303 = arith.constant 1920 : i32
      %dma_start3A_304 = tpu.memref_slice %arg10[%dma_start3A_303] : memref<2048xi32, #tpu.memory_space<vmem>> -> memref<128xi32, #tpu.memory_space<vmem>>
      %dma_start3A_305 = arith.constant 0 : i32
      %dma_start3A_306 = arith.constant 0 : i32
      %dma_start3A_307 = tpu.memref_slice %arg3[%dma_start3A_305, %dma_start3A_306] : memref<262144x8xf32, #tpu.memory_space<hbm>> -> memref<262144x8xf32, #tpu.memory_space<hbm>>
      tpu.enqueue_indirect_dma source(%dma_start3A_307 : memref<262144x8xf32, #tpu.memory_space<hbm>>) target(%dma_start3A_302 : memref<128x8xf32, #tpu.memory_space<vmem>>) offsets(%dma_start3A_304 : memref<128xi32, #tpu.memory_space<vmem>>) semaphore(%arg20 : memref<!tpu.dma_semaphore, #tpu.memory_space<semaphore_mem>>)
      %lt3A = arith.constant 31 : i32
      %lt3A_308 = arith.cmpi slt, %add3A_165, %lt3A : i32
      %convert_element_type3A = arith.extui %lt3A_308 : i1 to i32
      %cond3A = arith.constant 0 : i32
      %cond3A_309 = arith.cmpi ne, %convert_element_type3A, %cond3A : i32
      scf.if %cond3A_309 {
        %add3A_368 = arith.constant 2 : i32
        %add3A_369 = arith.addi %mul3A_167, %add3A_368 : i32
        %mul3A_370 = arith.constant 2048 : i32
        %mul3A_371 = arith.muli %add3A_369, %mul3A_370 : i32
        %add3A_372 = arith.addi %mul3A_2, %mul3A_371 : i32
        %dma_start3A_373 = tpu.memref_slice %arg2[%add3A_372] : memref<4194304xf32, #tpu.memory_space<hbm>> -> memref<2048xf32, #tpu.memory_space<hbm>>
        %dma_start3A_374 = tpu.memref_slice %arg2[%add3A_372] : memref<4194304xf32, #tpu.memory_space<hbm>> -> memref<2048xf32, #tpu.memory_space<hbm>>
        tpu.enqueue_dma source(%dma_start3A_374 : memref<2048xf32, #tpu.memory_space<hbm>>) target(%arg5 : memref<2048xf32, #tpu.memory_space<vmem>>) target_semaphore(%arg17 : memref<!tpu.dma_semaphore, #tpu.memory_space<semaphore_mem>>)
      } else {
      }
      %dma_wait3A_310 = arith.constant 0 : i32
      %dma_wait3A_311 = arith.constant 0 : i32
      %dma_wait3A_312 = tpu.memref_slice %arg3[%dma_wait3A_310, %dma_wait3A_311] : memref<262144x8xf32, #tpu.memory_space<hbm>> -> memref<2048x8xf32, #tpu.memory_space<hbm>>
      %dma_wait3A_313 = arith.constant 0 : i32
      %dma_wait3A_314 = arith.constant 0 : i32
      %dma_wait3A_315 = tpu.memref_slice %arg3[%dma_wait3A_313, %dma_wait3A_314] : memref<262144x8xf32, #tpu.memory_space<hbm>> -> memref<2048x8xf32, #tpu.memory_space<hbm>>
      tpu.wait_dma2 semaphore(%arg19 : memref<!tpu.dma_semaphore, #tpu.memory_space<semaphore_mem>>) src(%dma_wait3A_315 : memref<2048x8xf32, #tpu.memory_space<hbm>>) dst(%arg13 : memref<2048x8xf32, #tpu.memory_space<vmem>>)
      %ge3A = arith.constant 1 : i32
      %ge3A_316 = arith.cmpi sge, %add3A_165, %ge3A : i32
      %convert_element_type3A_317 = arith.extui %ge3A_316 : i1 to i32
      %cond3A_318 = arith.constant 0 : i32
      %cond3A_319 = arith.cmpi ne, %convert_element_type3A_317, %cond3A_318 : i32
      scf.if %cond3A_319 {
        %sub3A = arith.constant 2 : i32
        %sub3A_368 = arith.subi %mul3A_167, %sub3A : i32
        %mul3A_369 = arith.constant 2048 : i32
        %mul3A_370 = arith.muli %sub3A_368, %mul3A_369 : i32
        %add3A_371 = arith.addi %mul3A_2, %mul3A_370 : i32
        %dma_wait3A_372 = tpu.memref_slice %arg4[%add3A_371] : memref<4194304xf32, #tpu.memory_space<hbm>> -> memref<2048xf32, #tpu.memory_space<hbm>>
        %dma_wait3A_373 = tpu.memref_slice %arg4[%add3A_371] : memref<4194304xf32, #tpu.memory_space<hbm>> -> memref<2048xf32, #tpu.memory_space<hbm>>
        tpu.wait_dma2 semaphore(%arg21 : memref<!tpu.dma_semaphore, #tpu.memory_space<semaphore_mem>>) src(%arg15 : memref<2048xf32, #tpu.memory_space<vmem>>) dst(%dma_wait3A_373 : memref<2048xf32, #tpu.memory_space<hbm>>)
      } else {
      }
      %broadcast_in_dim3A = arith.constant 0 : i32
      %broadcast_in_dim3A_320 = vector.broadcast %broadcast_in_dim3A : i32 to vector<16xi32>
      %scan3A_321 = arith.constant 0 : i32
      %scan3A_322 = arith.constant 32 : i32
      %scan3A_323 = arith.addi %scan3A_321, %scan3A_322 : i32
      %scan3A_324 = arith.constant 1 : i32
      scf.for %scan3A_368 = %scan3A_321 to %scan3A_323 step %scan3A_324  : i32 {
        %mul3A_369 = arith.constant 1 : i32
        %mul3A_370 = arith.muli %scan3A_368, %mul3A_369 : i32
        %add3A_371 = arith.constant 0 : i32
        %add3A_372 = arith.addi %add3A_371, %mul3A_370 : i32
        %mul3A_373 = arith.constant 4 : i32
        %mul3A_374 = arith.muli %add3A_372, %mul3A_373 : i32
        %add3A_375 = arith.constant 0 : i32
        %add3A_376 = arith.addi %mul3A_374, %add3A_375 : i32
        %mul3A_377 = arith.constant 16 : i32
        %mul3A_378 = arith.muli %add3A_376, %mul3A_377 : i32
        %mul3A_379 = arith.constant 4 : i32
        %mul3A_380 = arith.muli %add3A_372, %mul3A_379 : i32
        %add3A_381 = arith.constant 1 : i32
        %add3A_382 = arith.addi %mul3A_380, %add3A_381 : i32
        %mul3A_383 = arith.constant 16 : i32
        %mul3A_384 = arith.muli %add3A_382, %mul3A_383 : i32
        %mul3A_385 = arith.constant 4 : i32
        %mul3A_386 = arith.muli %add3A_372, %mul3A_385 : i32
        %add3A_387 = arith.constant 2 : i32
        %add3A_388 = arith.addi %mul3A_386, %add3A_387 : i32
        %mul3A_389 = arith.constant 16 : i32
        %mul3A_390 = arith.muli %add3A_388, %mul3A_389 : i32
        %mul3A_391 = arith.constant 4 : i32
        %mul3A_392 = arith.muli %add3A_372, %mul3A_391 : i32
        %add3A_393 = arith.constant 3 : i32
        %add3A_394 = arith.addi %mul3A_392, %add3A_393 : i32
        %mul3A_395 = arith.constant 16 : i32
        %mul3A_396 = arith.muli %add3A_394, %mul3A_395 : i32
        %get3A = arith.index_cast %mul3A_378 : i32 to index
        %get3A_397 = tpu.vector_load %arg7[%get3A] {strides = array<i32>} : memref<2048xf32, #tpu.memory_space<vmem>>, vector<16xf32>,
        %get3A_398 = arith.index_cast %mul3A_384 : i32 to index
        %get3A_399 = tpu.vector_load %arg7[%get3A_398] {strides = array<i32>} : memref<2048xf32, #tpu.memory_space<vmem>>, vector<16xf32>,
        %get3A_400 = arith.index_cast %mul3A_390 : i32 to index
        %get3A_401 = tpu.vector_load %arg7[%get3A_400] {strides = array<i32>} : memref<2048xf32, #tpu.memory_space<vmem>>, vector<16xf32>,
        %get3A_402 = arith.index_cast %mul3A_396 : i32 to index
        %get3A_403 = tpu.vector_load %arg7[%get3A_402] {strides = array<i32>} : memref<2048xf32, #tpu.memory_space<vmem>>, vector<16xf32>,
        %get3A_404 = arith.index_cast %mul3A_378 : i32 to index
        %get3A_405 = tpu.vector_load %arg11[%get3A_404] {strides = array<i32>} : memref<2048xi32, #tpu.memory_space<vmem>>, vector<16xi32>,
        %get3A_406 = arith.index_cast %mul3A_384 : i32 to index
        %get3A_407 = tpu.vector_load %arg11[%get3A_406] {strides = array<i32>} : memref<2048xi32, #tpu.memory_space<vmem>>, vector<16xi32>,
        %get3A_408 = arith.index_cast %mul3A_390 : i32 to index
        %get3A_409 = tpu.vector_load %arg11[%get3A_408] {strides = array<i32>} : memref<2048xi32, #tpu.memory_space<vmem>>, vector<16xi32>,
        %get3A_410 = arith.index_cast %mul3A_396 : i32 to index
        %get3A_411 = tpu.vector_load %arg11[%get3A_410] {strides = array<i32>} : memref<2048xi32, #tpu.memory_space<vmem>>, vector<16xi32>,
        %gather3A = tpu.vector_load_idx %arg13[%broadcast_in_dim3A_320, %get3A_405] : memref<2048x8xf32, #tpu.memory_space<vmem>>[vector<16xi32>, vector<16xi32>], vector<16xf32>,
        %gather3A_412 = tpu.vector_load_idx %arg13[%broadcast_in_dim3A_320, %get3A_407] : memref<2048x8xf32, #tpu.memory_space<vmem>>[vector<16xi32>, vector<16xi32>], vector<16xf32>,
        %gather3A_413 = tpu.vector_load_idx %arg13[%broadcast_in_dim3A_320, %get3A_409] : memref<2048x8xf32, #tpu.memory_space<vmem>>[vector<16xi32>, vector<16xi32>], vector<16xf32>,
        %gather3A_414 = tpu.vector_load_idx %arg13[%broadcast_in_dim3A_320, %get3A_411] : memref<2048x8xf32, #tpu.memory_space<vmem>>[vector<16xi32>, vector<16xi32>], vector<16xf32>,
        %add3A_415 = arith.constant 1 : i32
        %add3A_416 = vector.broadcast %add3A_415 : i32 to vector<16xi32>
        %add3A_417 = arith.addi %get3A_405, %add3A_416 : vector<16xi32>
        %gather3A_418 = tpu.vector_load_idx %arg13[%broadcast_in_dim3A_320, %add3A_417] : memref<2048x8xf32, #tpu.memory_space<vmem>>[vector<16xi32>, vector<16xi32>], vector<16xf32>,
        %add3A_419 = arith.constant 1 : i32
        %add3A_420 = vector.broadcast %add3A_419 : i32 to vector<16xi32>
        %add3A_421 = arith.addi %get3A_407, %add3A_420 : vector<16xi32>
        %gather3A_422 = tpu.vector_load_idx %arg13[%broadcast_in_dim3A_320, %add3A_421] : memref<2048x8xf32, #tpu.memory_space<vmem>>[vector<16xi32>, vector<16xi32>], vector<16xf32>,
        %add3A_423 = arith.constant 1 : i32
        %add3A_424 = vector.broadcast %add3A_423 : i32 to vector<16xi32>
        %add3A_425 = arith.addi %get3A_409, %add3A_424 : vector<16xi32>
        %gather3A_426 = tpu.vector_load_idx %arg13[%broadcast_in_dim3A_320, %add3A_425] : memref<2048x8xf32, #tpu.memory_space<vmem>>[vector<16xi32>, vector<16xi32>], vector<16xf32>,
        %add3A_427 = arith.constant 1 : i32
        %add3A_428 = vector.broadcast %add3A_427 : i32 to vector<16xi32>
        %add3A_429 = arith.addi %get3A_411, %add3A_428 : vector<16xi32>
        %gather3A_430 = tpu.vector_load_idx %arg13[%broadcast_in_dim3A_320, %add3A_429] : memref<2048x8xf32, #tpu.memory_space<vmem>>[vector<16xi32>, vector<16xi32>], vector<16xf32>,
        %add3A_431 = arith.constant 2 : i32
        %add3A_432 = vector.broadcast %add3A_431 : i32 to vector<16xi32>
        %add3A_433 = arith.addi %get3A_405, %add3A_432 : vector<16xi32>
        %gather3A_434 = tpu.vector_load_idx %arg13[%broadcast_in_dim3A_320, %add3A_433] : memref<2048x8xf32, #tpu.memory_space<vmem>>[vector<16xi32>, vector<16xi32>], vector<16xf32>,
        %add3A_435 = arith.constant 2 : i32
        %add3A_436 = vector.broadcast %add3A_435 : i32 to vector<16xi32>
        %add3A_437 = arith.addi %get3A_407, %add3A_436 : vector<16xi32>
        %gather3A_438 = tpu.vector_load_idx %arg13[%broadcast_in_dim3A_320, %add3A_437] : memref<2048x8xf32, #tpu.memory_space<vmem>>[vector<16xi32>, vector<16xi32>], vector<16xf32>,
        %add3A_439 = arith.constant 2 : i32
        %add3A_440 = vector.broadcast %add3A_439 : i32 to vector<16xi32>
        %add3A_441 = arith.addi %get3A_409, %add3A_440 : vector<16xi32>
        %gather3A_442 = tpu.vector_load_idx %arg13[%broadcast_in_dim3A_320, %add3A_441] : memref<2048x8xf32, #tpu.memory_space<vmem>>[vector<16xi32>, vector<16xi32>], vector<16xf32>,
        %add3A_443 = arith.constant 2 : i32
        %add3A_444 = vector.broadcast %add3A_443 : i32 to vector<16xi32>
        %add3A_445 = arith.addi %get3A_411, %add3A_444 : vector<16xi32>
        %gather3A_446 = tpu.vector_load_idx %arg13[%broadcast_in_dim3A_320, %add3A_445] : memref<2048x8xf32, #tpu.memory_space<vmem>>[vector<16xi32>, vector<16xi32>], vector<16xf32>,
        %add3A_447 = arith.constant 3 : i32
        %add3A_448 = vector.broadcast %add3A_447 : i32 to vector<16xi32>
        %add3A_449 = arith.addi %get3A_405, %add3A_448 : vector<16xi32>
        %gather3A_450 = tpu.vector_load_idx %arg13[%broadcast_in_dim3A_320, %add3A_449] : memref<2048x8xf32, #tpu.memory_space<vmem>>[vector<16xi32>, vector<16xi32>], vector<16xf32>,
        %add3A_451 = arith.constant 3 : i32
        %add3A_452 = vector.broadcast %add3A_451 : i32 to vector<16xi32>
        %add3A_453 = arith.addi %get3A_407, %add3A_452 : vector<16xi32>
        %gather3A_454 = tpu.vector_load_idx %arg13[%broadcast_in_dim3A_320, %add3A_453] : memref<2048x8xf32, #tpu.memory_space<vmem>>[vector<16xi32>, vector<16xi32>], vector<16xf32>,
        %add3A_455 = arith.constant 3 : i32
        %add3A_456 = vector.broadcast %add3A_455 : i32 to vector<16xi32>
        %add3A_457 = arith.addi %get3A_409, %add3A_456 : vector<16xi32>
        %gather3A_458 = tpu.vector_load_idx %arg13[%broadcast_in_dim3A_320, %add3A_457] : memref<2048x8xf32, #tpu.memory_space<vmem>>[vector<16xi32>, vector<16xi32>], vector<16xf32>,
        %add3A_459 = arith.constant 3 : i32
        %add3A_460 = vector.broadcast %add3A_459 : i32 to vector<16xi32>
        %add3A_461 = arith.addi %get3A_411, %add3A_460 : vector<16xi32>
        %gather3A_462 = tpu.vector_load_idx %arg13[%broadcast_in_dim3A_320, %add3A_461] : memref<2048x8xf32, #tpu.memory_space<vmem>>[vector<16xi32>, vector<16xi32>], vector<16xf32>,
        %sub3A = arith.constant 1.000000e+00 : f32
        %sub3A_463 = vector.broadcast %sub3A : f32 to vector<16xf32>
        %sub3A_464 = arith.subf %sub3A_463, %get3A_397 : vector<16xf32>
        %sub3A_465 = arith.constant 1.000000e+00 : f32
        %sub3A_466 = vector.broadcast %sub3A_465 : f32 to vector<16xf32>
        %sub3A_467 = arith.subf %sub3A_466, %get3A_399 : vector<16xf32>
        %sub3A_468 = arith.constant 1.000000e+00 : f32
        %sub3A_469 = vector.broadcast %sub3A_468 : f32 to vector<16xf32>
        %sub3A_470 = arith.subf %sub3A_469, %get3A_401 : vector<16xf32>
        %sub3A_471 = arith.constant 1.000000e+00 : f32
        %sub3A_472 = vector.broadcast %sub3A_471 : f32 to vector<16xf32>
        %sub3A_473 = arith.subf %sub3A_472, %get3A_403 : vector<16xf32>
        %mul3A_474 = arith.mulf %get3A_397, %get3A_397 : vector<16xf32>
        %mul3A_475 = arith.mulf %get3A_399, %get3A_399 : vector<16xf32>
        %mul3A_476 = arith.mulf %get3A_401, %get3A_401 : vector<16xf32>
        %mul3A_477 = arith.mulf %get3A_403, %get3A_403 : vector<16xf32>
        %mul3A_478 = arith.mulf %sub3A_464, %sub3A_464 : vector<16xf32>
        %mul3A_479 = arith.mulf %sub3A_467, %sub3A_467 : vector<16xf32>
        %mul3A_480 = arith.mulf %sub3A_470, %sub3A_470 : vector<16xf32>
        %mul3A_481 = arith.mulf %sub3A_473, %sub3A_473 : vector<16xf32>
        %mul3A_482 = arith.mulf %mul3A_474, %get3A_397 : vector<16xf32>
        %mul3A_483 = arith.mulf %mul3A_475, %get3A_399 : vector<16xf32>
        %mul3A_484 = arith.mulf %mul3A_476, %get3A_401 : vector<16xf32>
        %mul3A_485 = arith.mulf %mul3A_477, %get3A_403 : vector<16xf32>
        %mul3A_486 = arith.mulf %mul3A_478, %sub3A_464 : vector<16xf32>
        %mul3A_487 = arith.mulf %mul3A_479, %sub3A_467 : vector<16xf32>
        %mul3A_488 = arith.mulf %mul3A_480, %sub3A_470 : vector<16xf32>
        %mul3A_489 = arith.mulf %mul3A_481, %sub3A_473 : vector<16xf32>
        %mul3A_490 = arith.constant 3.000000e+00 : f32
        %mul3A_491 = vector.broadcast %mul3A_490 : f32 to vector<16xf32>
        %mul3A_492 = arith.mulf %mul3A_491, %mul3A_482 : vector<16xf32>
        %mul3A_493 = arith.constant 6.000000e+00 : f32
        %mul3A_494 = vector.broadcast %mul3A_493 : f32 to vector<16xf32>
        %mul3A_495 = arith.mulf %mul3A_494, %mul3A_474 : vector<16xf32>
        %sub3A_496 = arith.subf %mul3A_492, %mul3A_495 : vector<16xf32>
        %add3A_497 = arith.constant 4.000000e+00 : f32
        %add3A_498 = vector.broadcast %add3A_497 : f32 to vector<16xf32>
        %add3A_499 = arith.addf %sub3A_496, %add3A_498 : vector<16xf32>
        %mul3A_500 = arith.constant 3.000000e+00 : f32
        %mul3A_501 = vector.broadcast %mul3A_500 : f32 to vector<16xf32>
        %mul3A_502 = arith.mulf %mul3A_501, %mul3A_483 : vector<16xf32>
        %mul3A_503 = arith.constant 6.000000e+00 : f32
        %mul3A_504 = vector.broadcast %mul3A_503 : f32 to vector<16xf32>
        %mul3A_505 = arith.mulf %mul3A_504, %mul3A_475 : vector<16xf32>
        %sub3A_506 = arith.subf %mul3A_502, %mul3A_505 : vector<16xf32>
        %add3A_507 = arith.constant 4.000000e+00 : f32
        %add3A_508 = vector.broadcast %add3A_507 : f32 to vector<16xf32>
        %add3A_509 = arith.addf %sub3A_506, %add3A_508 : vector<16xf32>
        %mul3A_510 = arith.constant 3.000000e+00 : f32
        %mul3A_511 = vector.broadcast %mul3A_510 : f32 to vector<16xf32>
        %mul3A_512 = arith.mulf %mul3A_511, %mul3A_484 : vector<16xf32>
        %mul3A_513 = arith.constant 6.000000e+00 : f32
        %mul3A_514 = vector.broadcast %mul3A_513 : f32 to vector<16xf32>
        %mul3A_515 = arith.mulf %mul3A_514, %mul3A_476 : vector<16xf32>
        %sub3A_516 = arith.subf %mul3A_512, %mul3A_515 : vector<16xf32>
        %add3A_517 = arith.constant 4.000000e+00 : f32
        %add3A_518 = vector.broadcast %add3A_517 : f32 to vector<16xf32>
        %add3A_519 = arith.addf %sub3A_516, %add3A_518 : vector<16xf32>
        %mul3A_520 = arith.constant 3.000000e+00 : f32
        %mul3A_521 = vector.broadcast %mul3A_520 : f32 to vector<16xf32>
        %mul3A_522 = arith.mulf %mul3A_521, %mul3A_485 : vector<16xf32>
        %mul3A_523 = arith.constant 6.000000e+00 : f32
        %mul3A_524 = vector.broadcast %mul3A_523 : f32 to vector<16xf32>
        %mul3A_525 = arith.mulf %mul3A_524, %mul3A_477 : vector<16xf32>
        %sub3A_526 = arith.subf %mul3A_522, %mul3A_525 : vector<16xf32>
        %add3A_527 = arith.constant 4.000000e+00 : f32
        %add3A_528 = vector.broadcast %add3A_527 : f32 to vector<16xf32>
        %add3A_529 = arith.addf %sub3A_526, %add3A_528 : vector<16xf32>
        %sub3A_530 = arith.constant 6.000000e+00 : f32
        %sub3A_531 = vector.broadcast %sub3A_530 : f32 to vector<16xf32>
        %sub3A_532 = arith.subf %sub3A_531, %mul3A_486 : vector<16xf32>
        %sub3A_533 = arith.subf %sub3A_532, %add3A_499 : vector<16xf32>
        %sub3A_534 = arith.subf %sub3A_533, %mul3A_482 : vector<16xf32>
        %sub3A_535 = arith.constant 6.000000e+00 : f32
        %sub3A_536 = vector.broadcast %sub3A_535 : f32 to vector<16xf32>
        %sub3A_537 = arith.subf %sub3A_536, %mul3A_487 : vector<16xf32>
        %sub3A_538 = arith.subf %sub3A_537, %add3A_509 : vector<16xf32>
        %sub3A_539 = arith.subf %sub3A_538, %mul3A_483 : vector<16xf32>
        %sub3A_540 = arith.constant 6.000000e+00 : f32
        %sub3A_541 = vector.broadcast %sub3A_540 : f32 to vector<16xf32>
        %sub3A_542 = arith.subf %sub3A_541, %mul3A_488 : vector<16xf32>
        %sub3A_543 = arith.subf %sub3A_542, %add3A_519 : vector<16xf32>
        %sub3A_544 = arith.subf %sub3A_543, %mul3A_484 : vector<16xf32>
        %sub3A_545 = arith.constant 6.000000e+00 : f32
        %sub3A_546 = vector.broadcast %sub3A_545 : f32 to vector<16xf32>
        %sub3A_547 = arith.subf %sub3A_546, %mul3A_489 : vector<16xf32>
        %sub3A_548 = arith.subf %sub3A_547, %add3A_529 : vector<16xf32>
        %sub3A_549 = arith.subf %sub3A_548, %mul3A_485 : vector<16xf32>
        %mul3A_550 = arith.mulf %mul3A_486, %gather3A : vector<16xf32>
        %mul3A_551 = arith.mulf %add3A_499, %gather3A_418 : vector<16xf32>
        %add3A_552 = arith.addf %mul3A_550, %mul3A_551 : vector<16xf32>
        %mul3A_553 = arith.mulf %mul3A_487, %gather3A_412 : vector<16xf32>
        %mul3A_554 = arith.mulf %add3A_509, %gather3A_422 : vector<16xf32>
        %add3A_555 = arith.addf %mul3A_553, %mul3A_554 : vector<16xf32>
        %mul3A_556 = arith.mulf %mul3A_488, %gather3A_413 : vector<16xf32>
        %mul3A_557 = arith.mulf %add3A_519, %gather3A_426 : vector<16xf32>
        %add3A_558 = arith.addf %mul3A_556, %mul3A_557 : vector<16xf32>
        %mul3A_559 = arith.mulf %mul3A_489, %gather3A_414 : vector<16xf32>
        %mul3A_560 = arith.mulf %add3A_529, %gather3A_430 : vector<16xf32>
        %add3A_561 = arith.addf %mul3A_559, %mul3A_560 : vector<16xf32>
        %mul3A_562 = arith.mulf %sub3A_534, %gather3A_434 : vector<16xf32>
        %mul3A_563 = arith.mulf %mul3A_482, %gather3A_450 : vector<16xf32>
        %add3A_564 = arith.addf %mul3A_562, %mul3A_563 : vector<16xf32>
        %mul3A_565 = arith.mulf %sub3A_539, %gather3A_438 : vector<16xf32>
        %mul3A_566 = arith.mulf %mul3A_483, %gather3A_454 : vector<16xf32>
        %add3A_567 = arith.addf %mul3A_565, %mul3A_566 : vector<16xf32>
        %mul3A_568 = arith.mulf %sub3A_544, %gather3A_442 : vector<16xf32>
        %mul3A_569 = arith.mulf %mul3A_484, %gather3A_458 : vector<16xf32>
        %add3A_570 = arith.addf %mul3A_568, %mul3A_569 : vector<16xf32>
        %mul3A_571 = arith.mulf %sub3A_549, %gather3A_446 : vector<16xf32>
        %mul3A_572 = arith.mulf %mul3A_485, %gather3A_462 : vector<16xf32>
        %add3A_573 = arith.addf %mul3A_571, %mul3A_572 : vector<16xf32>
        %add3A_574 = arith.addf %add3A_552, %add3A_564 : vector<16xf32>
        %mul3A_575 = arith.constant 0.166666672 : f32
        %mul3A_576 = vector.broadcast %mul3A_575 : f32 to vector<16xf32>
        %mul3A_577 = arith.mulf %add3A_574, %mul3A_576 : vector<16xf32>
        %swap3A = arith.index_cast %mul3A_378 : i32 to index
        %swap3A_578 = tpu.vector_load %arg15[%swap3A] {strides = array<i32>} : memref<2048xf32, #tpu.memory_space<vmem>>, vector<16xf32>,
        tpu.vector_store %arg15[%swap3A], %mul3A_577 {strides = array<i32>} : memref<2048xf32, #tpu.memory_space<vmem>>, vector<16xf32>,
        %add3A_579 = arith.addf %add3A_555, %add3A_567 : vector<16xf32>
        %mul3A_580 = arith.constant 0.166666672 : f32
        %mul3A_581 = vector.broadcast %mul3A_580 : f32 to vector<16xf32>
        %mul3A_582 = arith.mulf %add3A_579, %mul3A_581 : vector<16xf32>
        %swap3A_583 = arith.index_cast %mul3A_384 : i32 to index
        %swap3A_584 = tpu.vector_load %arg15[%swap3A_583] {strides = array<i32>} : memref<2048xf32, #tpu.memory_space<vmem>>, vector<16xf32>,
        tpu.vector_store %arg15[%swap3A_583], %mul3A_582 {strides = array<i32>} : memref<2048xf32, #tpu.memory_space<vmem>>, vector<16xf32>,
        %add3A_585 = arith.addf %add3A_558, %add3A_570 : vector<16xf32>
        %mul3A_586 = arith.constant 0.166666672 : f32
        %mul3A_587 = vector.broadcast %mul3A_586 : f32 to vector<16xf32>
        %mul3A_588 = arith.mulf %add3A_585, %mul3A_587 : vector<16xf32>
        %swap3A_589 = arith.index_cast %mul3A_390 : i32 to index
        %swap3A_590 = tpu.vector_load %arg15[%swap3A_589] {strides = array<i32>} : memref<2048xf32, #tpu.memory_space<vmem>>, vector<16xf32>,
        tpu.vector_store %arg15[%swap3A_589], %mul3A_588 {strides = array<i32>} : memref<2048xf32, #tpu.memory_space<vmem>>, vector<16xf32>,
        %add3A_591 = arith.addf %add3A_561, %add3A_573 : vector<16xf32>
        %mul3A_592 = arith.constant 0.166666672 : f32
        %mul3A_593 = vector.broadcast %mul3A_592 : f32 to vector<16xf32>
        %mul3A_594 = arith.mulf %add3A_591, %mul3A_593 : vector<16xf32>
        %swap3A_595 = arith.index_cast %mul3A_396 : i32 to index
        %swap3A_596 = tpu.vector_load %arg15[%swap3A_595] {strides = array<i32>} : memref<2048xf32, #tpu.memory_space<vmem>>, vector<16xf32>,
        tpu.vector_store %arg15[%swap3A_595], %mul3A_594 {strides = array<i32>} : memref<2048xf32, #tpu.memory_space<vmem>>, vector<16xf32>,
      }
      %scan3A_325 = arith.constant 32 : i32
      %mul3A_326 = arith.constant 2048 : i32
      %mul3A_327 = arith.muli %mul3A_167, %mul3A_326 : i32
      %add3A_328 = arith.addi %mul3A_2, %mul3A_327 : i32
      %dma_start3A_329 = tpu.memref_slice %arg4[%add3A_328] : memref<4194304xf32, #tpu.memory_space<hbm>> -> memref<2048xf32, #tpu.memory_space<hbm>>
      %dma_start3A_330 = tpu.memref_slice %arg4[%add3A_328] : memref<4194304xf32, #tpu.memory_space<hbm>> -> memref<2048xf32, #tpu.memory_space<hbm>>
      tpu.enqueue_dma source(%arg15 : memref<2048xf32, #tpu.memory_space<vmem>>) target(%dma_start3A_330 : memref<2048xf32, #tpu.memory_space<hbm>>) target_semaphore(%arg21 : memref<!tpu.dma_semaphore, #tpu.memory_space<semaphore_mem>>)
      %mul3A_331 = arith.constant 2 : i32
      %mul3A_332 = arith.muli %mul3A_331, %add3A_165 : i32
      %add3A_333 = arith.constant 1 : i32
      %add3A_334 = arith.addi %mul3A_332, %add3A_333 : i32
      %lt3A_335 = arith.constant 31 : i32
      %lt3A_336 = arith.cmpi slt, %add3A_165, %lt3A_335 : i32
      %convert_element_type3A_337 = arith.extui %lt3A_336 : i1 to i32
      %cond3A_338 = arith.constant 0 : i32
      %cond3A_339 = arith.cmpi ne, %convert_element_type3A_337, %cond3A_338 : i32
      scf.if %cond3A_339 {
        %add3A_368 = arith.constant 1 : i32
        %add3A_369 = arith.addi %add3A_334, %add3A_368 : i32
        %mul3A_370 = arith.constant 2048 : i32
        %mul3A_371 = arith.muli %add3A_369, %mul3A_370 : i32
        %add3A_372 = arith.addi %mul3A_2, %mul3A_371 : i32
        %dma_wait3A_373 = tpu.memref_slice %arg2[%add3A_372] : memref<4194304xf32, #tpu.memory_space<hbm>> -> memref<2048xf32, #tpu.memory_space<hbm>>
        %dma_wait3A_374 = tpu.memref_slice %arg2[%add3A_372] : memref<4194304xf32, #tpu.memory_space<hbm>> -> memref<2048xf32, #tpu.memory_space<hbm>>
        tpu.wait_dma2 semaphore(%arg17 : memref<!tpu.dma_semaphore, #tpu.memory_space<semaphore_mem>>) src(%dma_wait3A_374 : memref<2048xf32, #tpu.memory_space<hbm>>) dst(%arg5 : memref<2048xf32, #tpu.memory_space<vmem>>)
        %scan3A_375 = arith.constant 0 : i32
        %scan3A_376 = arith.constant 32 : i32
        %scan3A_377 = arith.addi %scan3A_375, %scan3A_376 : i32
        %scan3A_378 = arith.constant 1 : i32
        scf.for %scan3A_508 = %scan3A_375 to %scan3A_377 step %scan3A_378  : i32 {
          %mul3A_509 = arith.constant 1 : i32
          %mul3A_510 = arith.muli %scan3A_508, %mul3A_509 : i32
          %add3A_511 = arith.constant 0 : i32
          %add3A_512 = arith.addi %add3A_511, %mul3A_510 : i32
          %mul3A_513 = arith.constant 4 : i32
          %mul3A_514 = arith.muli %add3A_512, %mul3A_513 : i32
          %add3A_515 = arith.constant 0 : i32
          %add3A_516 = arith.addi %mul3A_514, %add3A_515 : i32
          %mul3A_517 = arith.constant 16 : i32
          %mul3A_518 = arith.muli %add3A_516, %mul3A_517 : i32
          %mul3A_519 = arith.constant 4 : i32
          %mul3A_520 = arith.muli %add3A_512, %mul3A_519 : i32
          %add3A_521 = arith.constant 1 : i32
          %add3A_522 = arith.addi %mul3A_520, %add3A_521 : i32
          %mul3A_523 = arith.constant 16 : i32
          %mul3A_524 = arith.muli %add3A_522, %mul3A_523 : i32
          %mul3A_525 = arith.constant 4 : i32
          %mul3A_526 = arith.muli %add3A_512, %mul3A_525 : i32
          %add3A_527 = arith.constant 2 : i32
          %add3A_528 = arith.addi %mul3A_526, %add3A_527 : i32
          %mul3A_529 = arith.constant 16 : i32
          %mul3A_530 = arith.muli %add3A_528, %mul3A_529 : i32
          %mul3A_531 = arith.constant 4 : i32
          %mul3A_532 = arith.muli %add3A_512, %mul3A_531 : i32
          %add3A_533 = arith.constant 3 : i32
          %add3A_534 = arith.addi %mul3A_532, %add3A_533 : i32
          %mul3A_535 = arith.constant 16 : i32
          %mul3A_536 = arith.muli %add3A_534, %mul3A_535 : i32
          %get3A = arith.index_cast %mul3A_518 : i32 to index
          %get3A_537 = tpu.vector_load %arg5[%get3A] {strides = array<i32>} : memref<2048xf32, #tpu.memory_space<vmem>>, vector<16xf32>,
          %get3A_538 = arith.index_cast %mul3A_524 : i32 to index
          %get3A_539 = tpu.vector_load %arg5[%get3A_538] {strides = array<i32>} : memref<2048xf32, #tpu.memory_space<vmem>>, vector<16xf32>,
          %get3A_540 = arith.index_cast %mul3A_530 : i32 to index
          %get3A_541 = tpu.vector_load %arg5[%get3A_540] {strides = array<i32>} : memref<2048xf32, #tpu.memory_space<vmem>>, vector<16xf32>,
          %get3A_542 = arith.index_cast %mul3A_536 : i32 to index
          %get3A_543 = tpu.vector_load %arg5[%get3A_542] {strides = array<i32>} : memref<2048xf32, #tpu.memory_space<vmem>>, vector<16xf32>,
          %sub3A = arith.constant -1.00000203 : f32
          %sub3A_544 = vector.broadcast %sub3A : f32 to vector<16xf32>
          %sub3A_545 = arith.subf %get3A_537, %sub3A_544 : vector<16xf32>
          %sub3A_546 = arith.constant 2.00000591E-6 : f32
          %sub3A_547 = vector.broadcast %sub3A_546 : f32 to vector<16xf32>
          %sub3A_548 = arith.subf %sub3A_545, %sub3A_547 : vector<16xf32>
          %sub3A_549 = arith.constant -1.00000203 : f32
          %sub3A_550 = vector.broadcast %sub3A_549 : f32 to vector<16xf32>
          %sub3A_551 = arith.subf %get3A_539, %sub3A_550 : vector<16xf32>
          %sub3A_552 = arith.constant 2.00000591E-6 : f32
          %sub3A_553 = vector.broadcast %sub3A_552 : f32 to vector<16xf32>
          %sub3A_554 = arith.subf %sub3A_551, %sub3A_553 : vector<16xf32>
          %sub3A_555 = arith.constant -1.00000203 : f32
          %sub3A_556 = vector.broadcast %sub3A_555 : f32 to vector<16xf32>
          %sub3A_557 = arith.subf %get3A_541, %sub3A_556 : vector<16xf32>
          %sub3A_558 = arith.constant 2.00000591E-6 : f32
          %sub3A_559 = vector.broadcast %sub3A_558 : f32 to vector<16xf32>
          %sub3A_560 = arith.subf %sub3A_557, %sub3A_559 : vector<16xf32>
          %sub3A_561 = arith.constant -1.00000203 : f32
          %sub3A_562 = vector.broadcast %sub3A_561 : f32 to vector<16xf32>
          %sub3A_563 = arith.subf %get3A_543, %sub3A_562 : vector<16xf32>
          %sub3A_564 = arith.constant 2.00000591E-6 : f32
          %sub3A_565 = vector.broadcast %sub3A_564 : f32 to vector<16xf32>
          %sub3A_566 = arith.subf %sub3A_563, %sub3A_565 : vector<16xf32>
          %div3A = arith.constant 2.00000591E-6 : f32
          %div3A_567 = vector.broadcast %div3A : f32 to vector<16xf32>
          %div3A_568 = arith.divf %sub3A_548, %div3A_567 : vector<16xf32>
          %div3A_569 = arith.constant 2.00000591E-6 : f32
          %div3A_570 = vector.broadcast %div3A_569 : f32 to vector<16xf32>
          %div3A_571 = arith.divf %sub3A_554, %div3A_570 : vector<16xf32>
          %div3A_572 = arith.constant 2.00000591E-6 : f32
          %div3A_573 = vector.broadcast %div3A_572 : f32 to vector<16xf32>
          %div3A_574 = arith.divf %sub3A_560, %div3A_573 : vector<16xf32>
          %div3A_575 = arith.constant 2.00000591E-6 : f32
          %div3A_576 = vector.broadcast %div3A_575 : f32 to vector<16xf32>
          %div3A_577 = arith.divf %sub3A_566, %div3A_576 : vector<16xf32>
          %convert_element_type3A_578 = arith.fptosi %div3A_568 : vector<16xf32> to vector<16xi32>
          %convert_element_type3A_579 = arith.fptosi %div3A_571 : vector<16xf32> to vector<16xi32>
          %convert_element_type3A_580 = arith.fptosi %div3A_574 : vector<16xf32> to vector<16xi32>
          %convert_element_type3A_581 = arith.fptosi %div3A_577 : vector<16xf32> to vector<16xi32>
          %convert_element_type3A_582 = arith.sitofp %convert_element_type3A_578 : vector<16xi32> to vector<16xf32>
          %convert_element_type3A_583 = arith.sitofp %convert_element_type3A_579 : vector<16xi32> to vector<16xf32>
          %convert_element_type3A_584 = arith.sitofp %convert_element_type3A_580 : vector<16xi32> to vector<16xf32>
          %convert_element_type3A_585 = arith.sitofp %convert_element_type3A_581 : vector<16xi32> to vector<16xf32>
          %sub3A_586 = arith.subf %div3A_568, %convert_element_type3A_582 : vector<16xf32>
          %sub3A_587 = arith.subf %div3A_571, %convert_element_type3A_583 : vector<16xf32>
          %sub3A_588 = arith.subf %div3A_574, %convert_element_type3A_584 : vector<16xf32>
          %sub3A_589 = arith.subf %div3A_577, %convert_element_type3A_585 : vector<16xf32>
          %min3A = arith.constant 999999 : i32
          %min3A_590 = vector.broadcast %min3A : i32 to vector<16xi32>
          %min3A_591 = arith.minsi %convert_element_type3A_578, %min3A_590 : vector<16xi32>
          %min3A_592 = arith.constant 999999 : i32
          %min3A_593 = vector.broadcast %min3A_592 : i32 to vector<16xi32>
          %min3A_594 = arith.minsi %convert_element_type3A_579, %min3A_593 : vector<16xi32>
          %min3A_595 = arith.constant 999999 : i32
          %min3A_596 = vector.broadcast %min3A_595 : i32 to vector<16xi32>
          %min3A_597 = arith.minsi %convert_element_type3A_580, %min3A_596 : vector<16xi32>
          %min3A_598 = arith.constant 999999 : i32
          %min3A_599 = vector.broadcast %min3A_598 : i32 to vector<16xi32>
          %min3A_600 = arith.minsi %convert_element_type3A_581, %min3A_599 : vector<16xi32>
          %shift_right_arithmetic3A = arith.constant 2 : i32
          %shift_right_arithmetic3A_601 = vector.broadcast %shift_right_arithmetic3A : i32 to vector<16xi32>
          %shift_right_arithmetic3A_602 = arith.shrsi %min3A_591, %shift_right_arithmetic3A_601 : vector<16xi32>
          %swap3A = arith.index_cast %mul3A_518 : i32 to index
          %swap3A_603 = tpu.vector_load %arg9[%swap3A] {strides = array<i32>} : memref<2048xi32, #tpu.memory_space<vmem>>, vector<16xi32>,
          tpu.vector_store %arg9[%swap3A], %shift_right_arithmetic3A_602 {strides = array<i32>} : memref<2048xi32, #tpu.memory_space<vmem>>, vector<16xi32>,
          %shift_right_arithmetic3A_604 = arith.constant 2 : i32
          %shift_right_arithmetic3A_605 = vector.broadcast %shift_right_arithmetic3A_604 : i32 to vector<16xi32>
          %shift_right_arithmetic3A_606 = arith.shrsi %min3A_594, %shift_right_arithmetic3A_605 : vector<16xi32>
          %swap3A_607 = arith.index_cast %mul3A_524 : i32 to index
          %swap3A_608 = tpu.vector_load %arg9[%swap3A_607] {strides = array<i32>} : memref<2048xi32, #tpu.memory_space<vmem>>, vector<16xi32>,
          tpu.vector_store %arg9[%swap3A_607], %shift_right_arithmetic3A_606 {strides = array<i32>} : memref<2048xi32, #tpu.memory_space<vmem>>, vector<16xi32>,
          %shift_right_arithmetic3A_609 = arith.constant 2 : i32
          %shift_right_arithmetic3A_610 = vector.broadcast %shift_right_arithmetic3A_609 : i32 to vector<16xi32>
          %shift_right_arithmetic3A_611 = arith.shrsi %min3A_597, %shift_right_arithmetic3A_610 : vector<16xi32>
          %swap3A_612 = arith.index_cast %mul3A_530 : i32 to index
          %swap3A_613 = tpu.vector_load %arg9[%swap3A_612] {strides = array<i32>} : memref<2048xi32, #tpu.memory_space<vmem>>, vector<16xi32>,
          tpu.vector_store %arg9[%swap3A_612], %shift_right_arithmetic3A_611 {strides = array<i32>} : memref<2048xi32, #tpu.memory_space<vmem>>, vector<16xi32>,
          %shift_right_arithmetic3A_614 = arith.constant 2 : i32
          %shift_right_arithmetic3A_615 = vector.broadcast %shift_right_arithmetic3A_614 : i32 to vector<16xi32>
          %shift_right_arithmetic3A_616 = arith.shrsi %min3A_600, %shift_right_arithmetic3A_615 : vector<16xi32>
          %swap3A_617 = arith.index_cast %mul3A_536 : i32 to index
          %swap3A_618 = tpu.vector_load %arg9[%swap3A_617] {strides = array<i32>} : memref<2048xi32, #tpu.memory_space<vmem>>, vector<16xi32>,
          tpu.vector_store %arg9[%swap3A_617], %shift_right_arithmetic3A_616 {strides = array<i32>} : memref<2048xi32, #tpu.memory_space<vmem>>, vector<16xi32>,
          %mul3A_619 = arith.constant 512 : i32
          %mul3A_620 = arith.muli %add3A_512, %mul3A_619 : i32
          %add3A_621 = arith.constant 0 : i32
          %add3A_622 = arith.addi %mul3A_620, %add3A_621 : i32
          %add3A_623 = vector.broadcast %add3A_622 : i32 to vector<16xi32>
          %add3A_624 = arith.addi %add3A_623, %mul3A_5 : vector<16xi32>
          %mul3A_625 = arith.constant 512 : i32
          %mul3A_626 = arith.muli %add3A_512, %mul3A_625 : i32
          %add3A_627 = arith.constant 128 : i32
          %add3A_628 = arith.addi %mul3A_626, %add3A_627 : i32
          %add3A_629 = vector.broadcast %add3A_628 : i32 to vector<16xi32>
          %add3A_630 = arith.addi %add3A_629, %mul3A_5 : vector<16xi32>
          %mul3A_631 = arith.constant 512 : i32
          %mul3A_632 = arith.muli %add3A_512, %mul3A_631 : i32
          %add3A_633 = arith.constant 256 : i32
          %add3A_634 = arith.addi %mul3A_632, %add3A_633 : i32
          %add3A_635 = vector.broadcast %add3A_634 : i32 to vector<16xi32>
          %add3A_636 = arith.addi %add3A_635, %mul3A_5 : vector<16xi32>
          %mul3A_637 = arith.constant 512 : i32
          %mul3A_638 = arith.muli %add3A_512, %mul3A_637 : i32
          %add3A_639 = arith.constant 384 : i32
          %add3A_640 = arith.addi %mul3A_638, %add3A_639 : i32
          %add3A_641 = vector.broadcast %add3A_640 : i32 to vector<16xi32>
          %add3A_642 = arith.addi %add3A_641, %mul3A_5 : vector<16xi32>
          %and3A = arith.constant 3 : i32
          %and3A_643 = vector.broadcast %and3A : i32 to vector<16xi32>
          %and3A_644 = arith.andi %min3A_591, %and3A_643 : vector<16xi32>
          %add3A_645 = arith.addi %add3A_624, %and3A_644 : vector<16xi32>
          %swap3A_646 = arith.index_cast %mul3A_518 : i32 to index
          %swap3A_647 = tpu.vector_load %arg11[%swap3A_646] {strides = array<i32>} : memref<2048xi32, #tpu.memory_space<vmem>>, vector<16xi32>,
          tpu.vector_store %arg11[%swap3A_646], %add3A_645 {strides = array<i32>} : memref<2048xi32, #tpu.memory_space<vmem>>, vector<16xi32>,
          %and3A_648 = arith.constant 3 : i32
          %and3A_649 = vector.broadcast %and3A_648 : i32 to vector<16xi32>
          %and3A_650 = arith.andi %min3A_594, %and3A_649 : vector<16xi32>
          %add3A_651 = arith.addi %add3A_630, %and3A_650 : vector<16xi32>
          %swap3A_652 = arith.index_cast %mul3A_524 : i32 to index
          %swap3A_653 = tpu.vector_load %arg11[%swap3A_652] {strides = array<i32>} : memref<2048xi32, #tpu.memory_space<vmem>>, vector<16xi32>,
          tpu.vector_store %arg11[%swap3A_652], %add3A_651 {strides = array<i32>} : memref<2048xi32, #tpu.memory_space<vmem>>, vector<16xi32>,
          %and3A_654 = arith.constant 3 : i32
          %and3A_655 = vector.broadcast %and3A_654 : i32 to vector<16xi32>
          %and3A_656 = arith.andi %min3A_597, %and3A_655 : vector<16xi32>
          %add3A_657 = arith.addi %add3A_636, %and3A_656 : vector<16xi32>
          %swap3A_658 = arith.index_cast %mul3A_530 : i32 to index
          %swap3A_659 = tpu.vector_load %arg11[%swap3A_658] {strides = array<i32>} : memref<2048xi32, #tpu.memory_space<vmem>>, vector<16xi32>,
          tpu.vector_store %arg11[%swap3A_658], %add3A_657 {strides = array<i32>} : memref<2048xi32, #tpu.memory_space<vmem>>, vector<16xi32>,
          %and3A_660 = arith.constant 3 : i32
          %and3A_661 = vector.broadcast %and3A_660 : i32 to vector<16xi32>
          %and3A_662 = arith.andi %min3A_600, %and3A_661 : vector<16xi32>
          %add3A_663 = arith.addi %add3A_642, %and3A_662 : vector<16xi32>
          %swap3A_664 = arith.index_cast %mul3A_536 : i32 to index
          %swap3A_665 = tpu.vector_load %arg11[%swap3A_664] {strides = array<i32>} : memref<2048xi32, #tpu.memory_space<vmem>>, vector<16xi32>,
          tpu.vector_store %arg11[%swap3A_664], %add3A_663 {strides = array<i32>} : memref<2048xi32, #tpu.memory_space<vmem>>, vector<16xi32>,
          %swap3A_666 = arith.index_cast %mul3A_518 : i32 to index
          %swap3A_667 = tpu.vector_load %arg7[%swap3A_666] {strides = array<i32>} : memref<2048xf32, #tpu.memory_space<vmem>>, vector<16xf32>,
          tpu.vector_store %arg7[%swap3A_666], %sub3A_586 {strides = array<i32>} : memref<2048xf32, #tpu.memory_space<vmem>>, vector<16xf32>,
          %swap3A_668 = arith.index_cast %mul3A_524 : i32 to index
          %swap3A_669 = tpu.vector_load %arg7[%swap3A_668] {strides = array<i32>} : memref<2048xf32, #tpu.memory_space<vmem>>, vector<16xf32>,
          tpu.vector_store %arg7[%swap3A_668], %sub3A_587 {strides = array<i32>} : memref<2048xf32, #tpu.memory_space<vmem>>, vector<16xf32>,
          %swap3A_670 = arith.index_cast %mul3A_530 : i32 to index
          %swap3A_671 = tpu.vector_load %arg7[%swap3A_670] {strides = array<i32>} : memref<2048xf32, #tpu.memory_space<vmem>>, vector<16xf32>,
          tpu.vector_store %arg7[%swap3A_670], %sub3A_588 {strides = array<i32>} : memref<2048xf32, #tpu.memory_space<vmem>>, vector<16xf32>,
          %swap3A_672 = arith.index_cast %mul3A_536 : i32 to index
          %swap3A_673 = tpu.vector_load %arg7[%swap3A_672] {strides = array<i32>} : memref<2048xf32, #tpu.memory_space<vmem>>, vector<16xf32>,
          tpu.vector_store %arg7[%swap3A_672], %sub3A_589 {strides = array<i32>} : memref<2048xf32, #tpu.memory_space<vmem>>, vector<16xf32>,
        }
        %scan3A_379 = arith.constant 32 : i32
        %dma_start3A_380 = arith.constant 0 : i32
        %dma_start3A_381 = arith.constant 0 : i32
        %dma_start3A_382 = tpu.memref_slice %arg13[%dma_start3A_380, %dma_start3A_381] : memref<2048x8xf32, #tpu.memory_space<vmem>> -> memref<128x8xf32, #tpu.memory_space<vmem>>
        %dma_start3A_383 = arith.constant 0 : i32
        %dma_start3A_384 = tpu.memref_slice %arg9[%dma_start3A_383] : memref<2048xi32, #tpu.memory_space<vmem>> -> memref<128xi32, #tpu.memory_space<vmem>>
        %dma_start3A_385 = arith.constant 0 : i32
        %dma_start3A_386 = arith.constant 0 : i32
        %dma_start3A_387 = tpu.memref_slice %arg3[%dma_start3A_385, %dma_start3A_386] : memref<262144x8xf32, #tpu.memory_space<hbm>> -> memref<262144x8xf32, #tpu.memory_space<hbm>>
        tpu.enqueue_indirect_dma source(%dma_start3A_387 : memref<262144x8xf32, #tpu.memory_space<hbm>>) target(%dma_start3A_382 : memref<128x8xf32, #tpu.memory_space<vmem>>) offsets(%dma_start3A_384 : memref<128xi32, #tpu.memory_space<vmem>>) semaphore(%arg19 : memref<!tpu.dma_semaphore, #tpu.memory_space<semaphore_mem>>)
        %dma_start3A_388 = arith.constant 128 : i32
        %dma_start3A_389 = arith.constant 0 : i32
        %dma_start3A_390 = tpu.memref_slice %arg13[%dma_start3A_388, %dma_start3A_389] : memref<2048x8xf32, #tpu.memory_space<vmem>> -> memref<128x8xf32, #tpu.memory_space<vmem>>
        %dma_start3A_391 = arith.constant 128 : i32
        %dma_start3A_392 = tpu.memref_slice %arg9[%dma_start3A_391] : memref<2048xi32, #tpu.memory_space<vmem>> -> memref<128xi32, #tpu.memory_space<vmem>>
        %dma_start3A_393 = arith.constant 0 : i32
        %dma_start3A_394 = arith.constant 0 : i32
        %dma_start3A_395 = tpu.memref_slice %arg3[%dma_start3A_393, %dma_start3A_394] : memref<262144x8xf32, #tpu.memory_space<hbm>> -> memref<262144x8xf32, #tpu.memory_space<hbm>>
        tpu.enqueue_indirect_dma source(%dma_start3A_395 : memref<262144x8xf32, #tpu.memory_space<hbm>>) target(%dma_start3A_390 : memref<128x8xf32, #tpu.memory_space<vmem>>) offsets(%dma_start3A_392 : memref<128xi32, #tpu.memory_space<vmem>>) semaphore(%arg19 : memref<!tpu.dma_semaphore, #tpu.memory_space<semaphore_mem>>)
        %dma_start3A_396 = arith.constant 256 : i32
        %dma_start3A_397 = arith.constant 0 : i32
        %dma_start3A_398 = tpu.memref_slice %arg13[%dma_start3A_396, %dma_start3A_397] : memref<2048x8xf32, #tpu.memory_space<vmem>> -> memref<128x8xf32, #tpu.memory_space<vmem>>
        %dma_start3A_399 = arith.constant 256 : i32
        %dma_start3A_400 = tpu.memref_slice %arg9[%dma_start3A_399] : memref<2048xi32, #tpu.memory_space<vmem>> -> memref<128xi32, #tpu.memory_space<vmem>>
        %dma_start3A_401 = arith.constant 0 : i32
        %dma_start3A_402 = arith.constant 0 : i32
        %dma_start3A_403 = tpu.memref_slice %arg3[%dma_start3A_401, %dma_start3A_402] : memref<262144x8xf32, #tpu.memory_space<hbm>> -> memref<262144x8xf32, #tpu.memory_space<hbm>>
        tpu.enqueue_indirect_dma source(%dma_start3A_403 : memref<262144x8xf32, #tpu.memory_space<hbm>>) target(%dma_start3A_398 : memref<128x8xf32, #tpu.memory_space<vmem>>) offsets(%dma_start3A_400 : memref<128xi32, #tpu.memory_space<vmem>>) semaphore(%arg19 : memref<!tpu.dma_semaphore, #tpu.memory_space<semaphore_mem>>)
        %dma_start3A_404 = arith.constant 384 : i32
        %dma_start3A_405 = arith.constant 0 : i32
        %dma_start3A_406 = tpu.memref_slice %arg13[%dma_start3A_404, %dma_start3A_405] : memref<2048x8xf32, #tpu.memory_space<vmem>> -> memref<128x8xf32, #tpu.memory_space<vmem>>
        %dma_start3A_407 = arith.constant 384 : i32
        %dma_start3A_408 = tpu.memref_slice %arg9[%dma_start3A_407] : memref<2048xi32, #tpu.memory_space<vmem>> -> memref<128xi32, #tpu.memory_space<vmem>>
        %dma_start3A_409 = arith.constant 0 : i32
        %dma_start3A_410 = arith.constant 0 : i32
        %dma_start3A_411 = tpu.memref_slice %arg3[%dma_start3A_409, %dma_start3A_410] : memref<262144x8xf32, #tpu.memory_space<hbm>> -> memref<262144x8xf32, #tpu.memory_space<hbm>>
        tpu.enqueue_indirect_dma source(%dma_start3A_411 : memref<262144x8xf32, #tpu.memory_space<hbm>>) target(%dma_start3A_406 : memref<128x8xf32, #tpu.memory_space<vmem>>) offsets(%dma_start3A_408 : memref<128xi32, #tpu.memory_space<vmem>>) semaphore(%arg19 : memref<!tpu.dma_semaphore, #tpu.memory_space<semaphore_mem>>)
        %dma_start3A_412 = arith.constant 512 : i32
        %dma_start3A_413 = arith.constant 0 : i32
        %dma_start3A_414 = tpu.memref_slice %arg13[%dma_start3A_412, %dma_start3A_413] : memref<2048x8xf32, #tpu.memory_space<vmem>> -> memref<128x8xf32, #tpu.memory_space<vmem>>
        %dma_start3A_415 = arith.constant 512 : i32
        %dma_start3A_416 = tpu.memref_slice %arg9[%dma_start3A_415] : memref<2048xi32, #tpu.memory_space<vmem>> -> memref<128xi32, #tpu.memory_space<vmem>>
        %dma_start3A_417 = arith.constant 0 : i32
        %dma_start3A_418 = arith.constant 0 : i32
        %dma_start3A_419 = tpu.memref_slice %arg3[%dma_start3A_417, %dma_start3A_418] : memref<262144x8xf32, #tpu.memory_space<hbm>> -> memref<262144x8xf32, #tpu.memory_space<hbm>>
        tpu.enqueue_indirect_dma source(%dma_start3A_419 : memref<262144x8xf32, #tpu.memory_space<hbm>>) target(%dma_start3A_414 : memref<128x8xf32, #tpu.memory_space<vmem>>) offsets(%dma_start3A_416 : memref<128xi32, #tpu.memory_space<vmem>>) semaphore(%arg19 : memref<!tpu.dma_semaphore, #tpu.memory_space<semaphore_mem>>)
        %dma_start3A_420 = arith.constant 640 : i32
        %dma_start3A_421 = arith.constant 0 : i32
        %dma_start3A_422 = tpu.memref_slice %arg13[%dma_start3A_420, %dma_start3A_421] : memref<2048x8xf32, #tpu.memory_space<vmem>> -> memref<128x8xf32, #tpu.memory_space<vmem>>
        %dma_start3A_423 = arith.constant 640 : i32
        %dma_start3A_424 = tpu.memref_slice %arg9[%dma_start3A_423] : memref<2048xi32, #tpu.memory_space<vmem>> -> memref<128xi32, #tpu.memory_space<vmem>>
        %dma_start3A_425 = arith.constant 0 : i32
        %dma_start3A_426 = arith.constant 0 : i32
        %dma_start3A_427 = tpu.memref_slice %arg3[%dma_start3A_425, %dma_start3A_426] : memref<262144x8xf32, #tpu.memory_space<hbm>> -> memref<262144x8xf32, #tpu.memory_space<hbm>>
        tpu.enqueue_indirect_dma source(%dma_start3A_427 : memref<262144x8xf32, #tpu.memory_space<hbm>>) target(%dma_start3A_422 : memref<128x8xf32, #tpu.memory_space<vmem>>) offsets(%dma_start3A_424 : memref<128xi32, #tpu.memory_space<vmem>>) semaphore(%arg19 : memref<!tpu.dma_semaphore, #tpu.memory_space<semaphore_mem>>)
        %dma_start3A_428 = arith.constant 768 : i32
        %dma_start3A_429 = arith.constant 0 : i32
        %dma_start3A_430 = tpu.memref_slice %arg13[%dma_start3A_428, %dma_start3A_429] : memref<2048x8xf32, #tpu.memory_space<vmem>> -> memref<128x8xf32, #tpu.memory_space<vmem>>
        %dma_start3A_431 = arith.constant 768 : i32
        %dma_start3A_432 = tpu.memref_slice %arg9[%dma_start3A_431] : memref<2048xi32, #tpu.memory_space<vmem>> -> memref<128xi32, #tpu.memory_space<vmem>>
        %dma_start3A_433 = arith.constant 0 : i32
        %dma_start3A_434 = arith.constant 0 : i32
        %dma_start3A_435 = tpu.memref_slice %arg3[%dma_start3A_433, %dma_start3A_434] : memref<262144x8xf32, #tpu.memory_space<hbm>> -> memref<262144x8xf32, #tpu.memory_space<hbm>>
        tpu.enqueue_indirect_dma source(%dma_start3A_435 : memref<262144x8xf32, #tpu.memory_space<hbm>>) target(%dma_start3A_430 : memref<128x8xf32, #tpu.memory_space<vmem>>) offsets(%dma_start3A_432 : memref<128xi32, #tpu.memory_space<vmem>>) semaphore(%arg19 : memref<!tpu.dma_semaphore, #tpu.memory_space<semaphore_mem>>)
        %dma_start3A_436 = arith.constant 896 : i32
        %dma_start3A_437 = arith.constant 0 : i32
        %dma_start3A_438 = tpu.memref_slice %arg13[%dma_start3A_436, %dma_start3A_437] : memref<2048x8xf32, #tpu.memory_space<vmem>> -> memref<128x8xf32, #tpu.memory_space<vmem>>
        %dma_start3A_439 = arith.constant 896 : i32
        %dma_start3A_440 = tpu.memref_slice %arg9[%dma_start3A_439] : memref<2048xi32, #tpu.memory_space<vmem>> -> memref<128xi32, #tpu.memory_space<vmem>>
        %dma_start3A_441 = arith.constant 0 : i32
        %dma_start3A_442 = arith.constant 0 : i32
        %dma_start3A_443 = tpu.memref_slice %arg3[%dma_start3A_441, %dma_start3A_442] : memref<262144x8xf32, #tpu.memory_space<hbm>> -> memref<262144x8xf32, #tpu.memory_space<hbm>>
        tpu.enqueue_indirect_dma source(%dma_start3A_443 : memref<262144x8xf32, #tpu.memory_space<hbm>>) target(%dma_start3A_438 : memref<128x8xf32, #tpu.memory_space<vmem>>) offsets(%dma_start3A_440 : memref<128xi32, #tpu.memory_space<vmem>>) semaphore(%arg19 : memref<!tpu.dma_semaphore, #tpu.memory_space<semaphore_mem>>)
        %dma_start3A_444 = arith.constant 1024 : i32
        %dma_start3A_445 = arith.constant 0 : i32
        %dma_start3A_446 = tpu.memref_slice %arg13[%dma_start3A_444, %dma_start3A_445] : memref<2048x8xf32, #tpu.memory_space<vmem>> -> memref<128x8xf32, #tpu.memory_space<vmem>>
        %dma_start3A_447 = arith.constant 1024 : i32
        %dma_start3A_448 = tpu.memref_slice %arg9[%dma_start3A_447] : memref<2048xi32, #tpu.memory_space<vmem>> -> memref<128xi32, #tpu.memory_space<vmem>>
        %dma_start3A_449 = arith.constant 0 : i32
        %dma_start3A_450 = arith.constant 0 : i32
        %dma_start3A_451 = tpu.memref_slice %arg3[%dma_start3A_449, %dma_start3A_450] : memref<262144x8xf32, #tpu.memory_space<hbm>> -> memref<262144x8xf32, #tpu.memory_space<hbm>>
        tpu.enqueue_indirect_dma source(%dma_start3A_451 : memref<262144x8xf32, #tpu.memory_space<hbm>>) target(%dma_start3A_446 : memref<128x8xf32, #tpu.memory_space<vmem>>) offsets(%dma_start3A_448 : memref<128xi32, #tpu.memory_space<vmem>>) semaphore(%arg19 : memref<!tpu.dma_semaphore, #tpu.memory_space<semaphore_mem>>)
        %dma_start3A_452 = arith.constant 1152 : i32
        %dma_start3A_453 = arith.constant 0 : i32
        %dma_start3A_454 = tpu.memref_slice %arg13[%dma_start3A_452, %dma_start3A_453] : memref<2048x8xf32, #tpu.memory_space<vmem>> -> memref<128x8xf32, #tpu.memory_space<vmem>>
        %dma_start3A_455 = arith.constant 1152 : i32
        %dma_start3A_456 = tpu.memref_slice %arg9[%dma_start3A_455] : memref<2048xi32, #tpu.memory_space<vmem>> -> memref<128xi32, #tpu.memory_space<vmem>>
        %dma_start3A_457 = arith.constant 0 : i32
        %dma_start3A_458 = arith.constant 0 : i32
        %dma_start3A_459 = tpu.memref_slice %arg3[%dma_start3A_457, %dma_start3A_458] : memref<262144x8xf32, #tpu.memory_space<hbm>> -> memref<262144x8xf32, #tpu.memory_space<hbm>>
        tpu.enqueue_indirect_dma source(%dma_start3A_459 : memref<262144x8xf32, #tpu.memory_space<hbm>>) target(%dma_start3A_454 : memref<128x8xf32, #tpu.memory_space<vmem>>) offsets(%dma_start3A_456 : memref<128xi32, #tpu.memory_space<vmem>>) semaphore(%arg19 : memref<!tpu.dma_semaphore, #tpu.memory_space<semaphore_mem>>)
        %dma_start3A_460 = arith.constant 1280 : i32
        %dma_start3A_461 = arith.constant 0 : i32
        %dma_start3A_462 = tpu.memref_slice %arg13[%dma_start3A_460, %dma_start3A_461] : memref<2048x8xf32, #tpu.memory_space<vmem>> -> memref<128x8xf32, #tpu.memory_space<vmem>>
        %dma_start3A_463 = arith.constant 1280 : i32
        %dma_start3A_464 = tpu.memref_slice %arg9[%dma_start3A_463] : memref<2048xi32, #tpu.memory_space<vmem>> -> memref<128xi32, #tpu.memory_space<vmem>>
        %dma_start3A_465 = arith.constant 0 : i32
        %dma_start3A_466 = arith.constant 0 : i32
        %dma_start3A_467 = tpu.memref_slice %arg3[%dma_start3A_465, %dma_start3A_466] : memref<262144x8xf32, #tpu.memory_space<hbm>> -> memref<262144x8xf32, #tpu.memory_space<hbm>>
        tpu.enqueue_indirect_dma source(%dma_start3A_467 : memref<262144x8xf32, #tpu.memory_space<hbm>>) target(%dma_start3A_462 : memref<128x8xf32, #tpu.memory_space<vmem>>) offsets(%dma_start3A_464 : memref<128xi32, #tpu.memory_space<vmem>>) semaphore(%arg19 : memref<!tpu.dma_semaphore, #tpu.memory_space<semaphore_mem>>)
        %dma_start3A_468 = arith.constant 1408 : i32
        %dma_start3A_469 = arith.constant 0 : i32
        %dma_start3A_470 = tpu.memref_slice %arg13[%dma_start3A_468, %dma_start3A_469] : memref<2048x8xf32, #tpu.memory_space<vmem>> -> memref<128x8xf32, #tpu.memory_space<vmem>>
        %dma_start3A_471 = arith.constant 1408 : i32
        %dma_start3A_472 = tpu.memref_slice %arg9[%dma_start3A_471] : memref<2048xi32, #tpu.memory_space<vmem>> -> memref<128xi32, #tpu.memory_space<vmem>>
        %dma_start3A_473 = arith.constant 0 : i32
        %dma_start3A_474 = arith.constant 0 : i32
        %dma_start3A_475 = tpu.memref_slice %arg3[%dma_start3A_473, %dma_start3A_474] : memref<262144x8xf32, #tpu.memory_space<hbm>> -> memref<262144x8xf32, #tpu.memory_space<hbm>>
        tpu.enqueue_indirect_dma source(%dma_start3A_475 : memref<262144x8xf32, #tpu.memory_space<hbm>>) target(%dma_start3A_470 : memref<128x8xf32, #tpu.memory_space<vmem>>) offsets(%dma_start3A_472 : memref<128xi32, #tpu.memory_space<vmem>>) semaphore(%arg19 : memref<!tpu.dma_semaphore, #tpu.memory_space<semaphore_mem>>)
        %dma_start3A_476 = arith.constant 1536 : i32
        %dma_start3A_477 = arith.constant 0 : i32
        %dma_start3A_478 = tpu.memref_slice %arg13[%dma_start3A_476, %dma_start3A_477] : memref<2048x8xf32, #tpu.memory_space<vmem>> -> memref<128x8xf32, #tpu.memory_space<vmem>>
        %dma_start3A_479 = arith.constant 1536 : i32
        %dma_start3A_480 = tpu.memref_slice %arg9[%dma_start3A_479] : memref<2048xi32, #tpu.memory_space<vmem>> -> memref<128xi32, #tpu.memory_space<vmem>>
        %dma_start3A_481 = arith.constant 0 : i32
        %dma_start3A_482 = arith.constant 0 : i32
        %dma_start3A_483 = tpu.memref_slice %arg3[%dma_start3A_481, %dma_start3A_482] : memref<262144x8xf32, #tpu.memory_space<hbm>> -> memref<262144x8xf32, #tpu.memory_space<hbm>>
        tpu.enqueue_indirect_dma source(%dma_start3A_483 : memref<262144x8xf32, #tpu.memory_space<hbm>>) target(%dma_start3A_478 : memref<128x8xf32, #tpu.memory_space<vmem>>) offsets(%dma_start3A_480 : memref<128xi32, #tpu.memory_space<vmem>>) semaphore(%arg19 : memref<!tpu.dma_semaphore, #tpu.memory_space<semaphore_mem>>)
        %dma_start3A_484 = arith.constant 1664 : i32
        %dma_start3A_485 = arith.constant 0 : i32
        %dma_start3A_486 = tpu.memref_slice %arg13[%dma_start3A_484, %dma_start3A_485] : memref<2048x8xf32, #tpu.memory_space<vmem>> -> memref<128x8xf32, #tpu.memory_space<vmem>>
        %dma_start3A_487 = arith.constant 1664 : i32
        %dma_start3A_488 = tpu.memref_slice %arg9[%dma_start3A_487] : memref<2048xi32, #tpu.memory_space<vmem>> -> memref<128xi32, #tpu.memory_space<vmem>>
        %dma_start3A_489 = arith.constant 0 : i32
        %dma_start3A_490 = arith.constant 0 : i32
        %dma_start3A_491 = tpu.memref_slice %arg3[%dma_start3A_489, %dma_start3A_490] : memref<262144x8xf32, #tpu.memory_space<hbm>> -> memref<262144x8xf32, #tpu.memory_space<hbm>>
        tpu.enqueue_indirect_dma source(%dma_start3A_491 : memref<262144x8xf32, #tpu.memory_space<hbm>>) target(%dma_start3A_486 : memref<128x8xf32, #tpu.memory_space<vmem>>) offsets(%dma_start3A_488 : memref<128xi32, #tpu.memory_space<vmem>>) semaphore(%arg19 : memref<!tpu.dma_semaphore, #tpu.memory_space<semaphore_mem>>)
        %dma_start3A_492 = arith.constant 1792 : i32
        %dma_start3A_493 = arith.constant 0 : i32
        %dma_start3A_494 = tpu.memref_slice %arg13[%dma_start3A_492, %dma_start3A_493] : memref<2048x8xf32, #tpu.memory_space<vmem>> -> memref<128x8xf32, #tpu.memory_space<vmem>>
        %dma_start3A_495 = arith.constant 1792 : i32
        %dma_start3A_496 = tpu.memref_slice %arg9[%dma_start3A_495] : memref<2048xi32, #tpu.memory_space<vmem>> -> memref<128xi32, #tpu.memory_space<vmem>>
        %dma_start3A_497 = arith.constant 0 : i32
        %dma_start3A_498 = arith.constant 0 : i32
        %dma_start3A_499 = tpu.memref_slice %arg3[%dma_start3A_497, %dma_start3A_498] : memref<262144x8xf32, #tpu.memory_space<hbm>> -> memref<262144x8xf32, #tpu.memory_space<hbm>>
        tpu.enqueue_indirect_dma source(%dma_start3A_499 : memref<262144x8xf32, #tpu.memory_space<hbm>>) target(%dma_start3A_494 : memref<128x8xf32, #tpu.memory_space<vmem>>) offsets(%dma_start3A_496 : memref<128xi32, #tpu.memory_space<vmem>>) semaphore(%arg19 : memref<!tpu.dma_semaphore, #tpu.memory_space<semaphore_mem>>)
        %dma_start3A_500 = arith.constant 1920 : i32
        %dma_start3A_501 = arith.constant 0 : i32
        %dma_start3A_502 = tpu.memref_slice %arg13[%dma_start3A_500, %dma_start3A_501] : memref<2048x8xf32, #tpu.memory_space<vmem>> -> memref<128x8xf32, #tpu.memory_space<vmem>>
        %dma_start3A_503 = arith.constant 1920 : i32
        %dma_start3A_504 = tpu.memref_slice %arg9[%dma_start3A_503] : memref<2048xi32, #tpu.memory_space<vmem>> -> memref<128xi32, #tpu.memory_space<vmem>>
        %dma_start3A_505 = arith.constant 0 : i32
        %dma_start3A_506 = arith.constant 0 : i32
        %dma_start3A_507 = tpu.memref_slice %arg3[%dma_start3A_505, %dma_start3A_506] : memref<262144x8xf32, #tpu.memory_space<hbm>> -> memref<262144x8xf32, #tpu.memory_space<hbm>>
        tpu.enqueue_indirect_dma source(%dma_start3A_507 : memref<262144x8xf32, #tpu.memory_space<hbm>>) target(%dma_start3A_502 : memref<128x8xf32, #tpu.memory_space<vmem>>) offsets(%dma_start3A_504 : memref<128xi32, #tpu.memory_space<vmem>>) semaphore(%arg19 : memref<!tpu.dma_semaphore, #tpu.memory_space<semaphore_mem>>)
      } else {
      }
      %lt3A_340 = arith.constant 31 : i32
      %lt3A_341 = arith.cmpi slt, %add3A_165, %lt3A_340 : i32
      %convert_element_type3A_342 = arith.extui %lt3A_341 : i1 to i32
      %cond3A_343 = arith.constant 0 : i32
      %cond3A_344 = arith.cmpi ne, %convert_element_type3A_342, %cond3A_343 : i32
      scf.if %cond3A_344 {
        %add3A_368 = arith.constant 2 : i32
        %add3A_369 = arith.addi %add3A_334, %add3A_368 : i32
        %mul3A_370 = arith.constant 2048 : i32
        %mul3A_371 = arith.muli %add3A_369, %mul3A_370 : i32
        %add3A_372 = arith.addi %mul3A_2, %mul3A_371 : i32
        %dma_start3A_373 = tpu.memref_slice %arg2[%add3A_372] : memref<4194304xf32, #tpu.memory_space<hbm>> -> memref<2048xf32, #tpu.memory_space<hbm>>
        %dma_start3A_374 = tpu.memref_slice %arg2[%add3A_372] : memref<4194304xf32, #tpu.memory_space<hbm>> -> memref<2048xf32, #tpu.memory_space<hbm>>
        tpu.enqueue_dma source(%dma_start3A_374 : memref<2048xf32, #tpu.memory_space<hbm>>) target(%arg6 : memref<2048xf32, #tpu.memory_space<vmem>>) target_semaphore(%arg18 : memref<!tpu.dma_semaphore, #tpu.memory_space<semaphore_mem>>)
      } else {
      }
      %dma_wait3A_345 = arith.constant 0 : i32
      %dma_wait3A_346 = arith.constant 0 : i32
      %dma_wait3A_347 = tpu.memref_slice %arg3[%dma_wait3A_345, %dma_wait3A_346] : memref<262144x8xf32, #tpu.memory_space<hbm>> -> memref<2048x8xf32, #tpu.memory_space<hbm>>
      %dma_wait3A_348 = arith.constant 0 : i32
      %dma_wait3A_349 = arith.constant 0 : i32
      %dma_wait3A_350 = tpu.memref_slice %arg3[%dma_wait3A_348, %dma_wait3A_349] : memref<262144x8xf32, #tpu.memory_space<hbm>> -> memref<2048x8xf32, #tpu.memory_space<hbm>>
      tpu.wait_dma2 semaphore(%arg20 : memref<!tpu.dma_semaphore, #tpu.memory_space<semaphore_mem>>) src(%dma_wait3A_350 : memref<2048x8xf32, #tpu.memory_space<hbm>>) dst(%arg14 : memref<2048x8xf32, #tpu.memory_space<vmem>>)
      %ge3A_351 = arith.constant 1 : i32
      %ge3A_352 = arith.cmpi sge, %add3A_165, %ge3A_351 : i32
      %convert_element_type3A_353 = arith.extui %ge3A_352 : i1 to i32
      %cond3A_354 = arith.constant 0 : i32
      %cond3A_355 = arith.cmpi ne, %convert_element_type3A_353, %cond3A_354 : i32
      scf.if %cond3A_355 {
        %sub3A = arith.constant 2 : i32
        %sub3A_368 = arith.subi %add3A_334, %sub3A : i32
        %mul3A_369 = arith.constant 2048 : i32
        %mul3A_370 = arith.muli %sub3A_368, %mul3A_369 : i32
        %add3A_371 = arith.addi %mul3A_2, %mul3A_370 : i32
        %dma_wait3A_372 = tpu.memref_slice %arg4[%add3A_371] : memref<4194304xf32, #tpu.memory_space<hbm>> -> memref<2048xf32, #tpu.memory_space<hbm>>
        %dma_wait3A_373 = tpu.memref_slice %arg4[%add3A_371] : memref<4194304xf32, #tpu.memory_space<hbm>> -> memref<2048xf32, #tpu.memory_space<hbm>>
        tpu.wait_dma2 semaphore(%arg22 : memref<!tpu.dma_semaphore, #tpu.memory_space<semaphore_mem>>) src(%arg16 : memref<2048xf32, #tpu.memory_space<vmem>>) dst(%dma_wait3A_373 : memref<2048xf32, #tpu.memory_space<hbm>>)
      } else {
      }
      %broadcast_in_dim3A_356 = arith.constant 0 : i32
      %broadcast_in_dim3A_357 = vector.broadcast %broadcast_in_dim3A_356 : i32 to vector<16xi32>
      %scan3A_358 = arith.constant 0 : i32
      %scan3A_359 = arith.constant 32 : i32
      %scan3A_360 = arith.addi %scan3A_358, %scan3A_359 : i32
      %scan3A_361 = arith.constant 1 : i32
      scf.for %scan3A_368 = %scan3A_358 to %scan3A_360 step %scan3A_361  : i32 {
        %mul3A_369 = arith.constant 1 : i32
        %mul3A_370 = arith.muli %scan3A_368, %mul3A_369 : i32
        %add3A_371 = arith.constant 0 : i32
        %add3A_372 = arith.addi %add3A_371, %mul3A_370 : i32
        %mul3A_373 = arith.constant 4 : i32
        %mul3A_374 = arith.muli %add3A_372, %mul3A_373 : i32
        %add3A_375 = arith.constant 0 : i32
        %add3A_376 = arith.addi %mul3A_374, %add3A_375 : i32
        %mul3A_377 = arith.constant 16 : i32
        %mul3A_378 = arith.muli %add3A_376, %mul3A_377 : i32
        %mul3A_379 = arith.constant 4 : i32
        %mul3A_380 = arith.muli %add3A_372, %mul3A_379 : i32
        %add3A_381 = arith.constant 1 : i32
        %add3A_382 = arith.addi %mul3A_380, %add3A_381 : i32
        %mul3A_383 = arith.constant 16 : i32
        %mul3A_384 = arith.muli %add3A_382, %mul3A_383 : i32
        %mul3A_385 = arith.constant 4 : i32
        %mul3A_386 = arith.muli %add3A_372, %mul3A_385 : i32
        %add3A_387 = arith.constant 2 : i32
        %add3A_388 = arith.addi %mul3A_386, %add3A_387 : i32
        %mul3A_389 = arith.constant 16 : i32
        %mul3A_390 = arith.muli %add3A_388, %mul3A_389 : i32
        %mul3A_391 = arith.constant 4 : i32
        %mul3A_392 = arith.muli %add3A_372, %mul3A_391 : i32
        %add3A_393 = arith.constant 3 : i32
        %add3A_394 = arith.addi %mul3A_392, %add3A_393 : i32
        %mul3A_395 = arith.constant 16 : i32
        %mul3A_396 = arith.muli %add3A_394, %mul3A_395 : i32
        %get3A = arith.index_cast %mul3A_378 : i32 to index
        %get3A_397 = tpu.vector_load %arg8[%get3A] {strides = array<i32>} : memref<2048xf32, #tpu.memory_space<vmem>>, vector<16xf32>,
        %get3A_398 = arith.index_cast %mul3A_384 : i32 to index
        %get3A_399 = tpu.vector_load %arg8[%get3A_398] {strides = array<i32>} : memref<2048xf32, #tpu.memory_space<vmem>>, vector<16xf32>,
        %get3A_400 = arith.index_cast %mul3A_390 : i32 to index
        %get3A_401 = tpu.vector_load %arg8[%get3A_400] {strides = array<i32>} : memref<2048xf32, #tpu.memory_space<vmem>>, vector<16xf32>,
        %get3A_402 = arith.index_cast %mul3A_396 : i32 to index
        %get3A_403 = tpu.vector_load %arg8[%get3A_402] {strides = array<i32>} : memref<2048xf32, #tpu.memory_space<vmem>>, vector<16xf32>,
        %get3A_404 = arith.index_cast %mul3A_378 : i32 to index
        %get3A_405 = tpu.vector_load %arg12[%get3A_404] {strides = array<i32>} : memref<2048xi32, #tpu.memory_space<vmem>>, vector<16xi32>,
        %get3A_406 = arith.index_cast %mul3A_384 : i32 to index
        %get3A_407 = tpu.vector_load %arg12[%get3A_406] {strides = array<i32>} : memref<2048xi32, #tpu.memory_space<vmem>>, vector<16xi32>,
        %get3A_408 = arith.index_cast %mul3A_390 : i32 to index
        %get3A_409 = tpu.vector_load %arg12[%get3A_408] {strides = array<i32>} : memref<2048xi32, #tpu.memory_space<vmem>>, vector<16xi32>,
        %get3A_410 = arith.index_cast %mul3A_396 : i32 to index
        %get3A_411 = tpu.vector_load %arg12[%get3A_410] {strides = array<i32>} : memref<2048xi32, #tpu.memory_space<vmem>>, vector<16xi32>,
        %gather3A = tpu.vector_load_idx %arg14[%broadcast_in_dim3A_357, %get3A_405] : memref<2048x8xf32, #tpu.memory_space<vmem>>[vector<16xi32>, vector<16xi32>], vector<16xf32>,
        %gather3A_412 = tpu.vector_load_idx %arg14[%broadcast_in_dim3A_357, %get3A_407] : memref<2048x8xf32, #tpu.memory_space<vmem>>[vector<16xi32>, vector<16xi32>], vector<16xf32>,
        %gather3A_413 = tpu.vector_load_idx %arg14[%broadcast_in_dim3A_357, %get3A_409] : memref<2048x8xf32, #tpu.memory_space<vmem>>[vector<16xi32>, vector<16xi32>], vector<16xf32>,
        %gather3A_414 = tpu.vector_load_idx %arg14[%broadcast_in_dim3A_357, %get3A_411] : memref<2048x8xf32, #tpu.memory_space<vmem>>[vector<16xi32>, vector<16xi32>], vector<16xf32>,
        %add3A_415 = arith.constant 1 : i32
        %add3A_416 = vector.broadcast %add3A_415 : i32 to vector<16xi32>
        %add3A_417 = arith.addi %get3A_405, %add3A_416 : vector<16xi32>
        %gather3A_418 = tpu.vector_load_idx %arg14[%broadcast_in_dim3A_357, %add3A_417] : memref<2048x8xf32, #tpu.memory_space<vmem>>[vector<16xi32>, vector<16xi32>], vector<16xf32>,
        %add3A_419 = arith.constant 1 : i32
        %add3A_420 = vector.broadcast %add3A_419 : i32 to vector<16xi32>
        %add3A_421 = arith.addi %get3A_407, %add3A_420 : vector<16xi32>
        %gather3A_422 = tpu.vector_load_idx %arg14[%broadcast_in_dim3A_357, %add3A_421] : memref<2048x8xf32, #tpu.memory_space<vmem>>[vector<16xi32>, vector<16xi32>], vector<16xf32>,
        %add3A_423 = arith.constant 1 : i32
        %add3A_424 = vector.broadcast %add3A_423 : i32 to vector<16xi32>
        %add3A_425 = arith.addi %get3A_409, %add3A_424 : vector<16xi32>
        %gather3A_426 = tpu.vector_load_idx %arg14[%broadcast_in_dim3A_357, %add3A_425] : memref<2048x8xf32, #tpu.memory_space<vmem>>[vector<16xi32>, vector<16xi32>], vector<16xf32>,
        %add3A_427 = arith.constant 1 : i32
        %add3A_428 = vector.broadcast %add3A_427 : i32 to vector<16xi32>
        %add3A_429 = arith.addi %get3A_411, %add3A_428 : vector<16xi32>
        %gather3A_430 = tpu.vector_load_idx %arg14[%broadcast_in_dim3A_357, %add3A_429] : memref<2048x8xf32, #tpu.memory_space<vmem>>[vector<16xi32>, vector<16xi32>], vector<16xf32>,
        %add3A_431 = arith.constant 2 : i32
        %add3A_432 = vector.broadcast %add3A_431 : i32 to vector<16xi32>
        %add3A_433 = arith.addi %get3A_405, %add3A_432 : vector<16xi32>
        %gather3A_434 = tpu.vector_load_idx %arg14[%broadcast_in_dim3A_357, %add3A_433] : memref<2048x8xf32, #tpu.memory_space<vmem>>[vector<16xi32>, vector<16xi32>], vector<16xf32>,
        %add3A_435 = arith.constant 2 : i32
        %add3A_436 = vector.broadcast %add3A_435 : i32 to vector<16xi32>
        %add3A_437 = arith.addi %get3A_407, %add3A_436 : vector<16xi32>
        %gather3A_438 = tpu.vector_load_idx %arg14[%broadcast_in_dim3A_357, %add3A_437] : memref<2048x8xf32, #tpu.memory_space<vmem>>[vector<16xi32>, vector<16xi32>], vector<16xf32>,
        %add3A_439 = arith.constant 2 : i32
        %add3A_440 = vector.broadcast %add3A_439 : i32 to vector<16xi32>
        %add3A_441 = arith.addi %get3A_409, %add3A_440 : vector<16xi32>
        %gather3A_442 = tpu.vector_load_idx %arg14[%broadcast_in_dim3A_357, %add3A_441] : memref<2048x8xf32, #tpu.memory_space<vmem>>[vector<16xi32>, vector<16xi32>], vector<16xf32>,
        %add3A_443 = arith.constant 2 : i32
        %add3A_444 = vector.broadcast %add3A_443 : i32 to vector<16xi32>
        %add3A_445 = arith.addi %get3A_411, %add3A_444 : vector<16xi32>
        %gather3A_446 = tpu.vector_load_idx %arg14[%broadcast_in_dim3A_357, %add3A_445] : memref<2048x8xf32, #tpu.memory_space<vmem>>[vector<16xi32>, vector<16xi32>], vector<16xf32>,
        %add3A_447 = arith.constant 3 : i32
        %add3A_448 = vector.broadcast %add3A_447 : i32 to vector<16xi32>
        %add3A_449 = arith.addi %get3A_405, %add3A_448 : vector<16xi32>
        %gather3A_450 = tpu.vector_load_idx %arg14[%broadcast_in_dim3A_357, %add3A_449] : memref<2048x8xf32, #tpu.memory_space<vmem>>[vector<16xi32>, vector<16xi32>], vector<16xf32>,
        %add3A_451 = arith.constant 3 : i32
        %add3A_452 = vector.broadcast %add3A_451 : i32 to vector<16xi32>
        %add3A_453 = arith.addi %get3A_407, %add3A_452 : vector<16xi32>
        %gather3A_454 = tpu.vector_load_idx %arg14[%broadcast_in_dim3A_357, %add3A_453] : memref<2048x8xf32, #tpu.memory_space<vmem>>[vector<16xi32>, vector<16xi32>], vector<16xf32>,
        %add3A_455 = arith.constant 3 : i32
        %add3A_456 = vector.broadcast %add3A_455 : i32 to vector<16xi32>
        %add3A_457 = arith.addi %get3A_409, %add3A_456 : vector<16xi32>
        %gather3A_458 = tpu.vector_load_idx %arg14[%broadcast_in_dim3A_357, %add3A_457] : memref<2048x8xf32, #tpu.memory_space<vmem>>[vector<16xi32>, vector<16xi32>], vector<16xf32>,
        %add3A_459 = arith.constant 3 : i32
        %add3A_460 = vector.broadcast %add3A_459 : i32 to vector<16xi32>
        %add3A_461 = arith.addi %get3A_411, %add3A_460 : vector<16xi32>
        %gather3A_462 = tpu.vector_load_idx %arg14[%broadcast_in_dim3A_357, %add3A_461] : memref<2048x8xf32, #tpu.memory_space<vmem>>[vector<16xi32>, vector<16xi32>], vector<16xf32>,
        %sub3A = arith.constant 1.000000e+00 : f32
        %sub3A_463 = vector.broadcast %sub3A : f32 to vector<16xf32>
        %sub3A_464 = arith.subf %sub3A_463, %get3A_397 : vector<16xf32>
        %sub3A_465 = arith.constant 1.000000e+00 : f32
        %sub3A_466 = vector.broadcast %sub3A_465 : f32 to vector<16xf32>
        %sub3A_467 = arith.subf %sub3A_466, %get3A_399 : vector<16xf32>
        %sub3A_468 = arith.constant 1.000000e+00 : f32
        %sub3A_469 = vector.broadcast %sub3A_468 : f32 to vector<16xf32>
        %sub3A_470 = arith.subf %sub3A_469, %get3A_401 : vector<16xf32>
        %sub3A_471 = arith.constant 1.000000e+00 : f32
        %sub3A_472 = vector.broadcast %sub3A_471 : f32 to vector<16xf32>
        %sub3A_473 = arith.subf %sub3A_472, %get3A_403 : vector<16xf32>
        %mul3A_474 = arith.mulf %get3A_397, %get3A_397 : vector<16xf32>
        %mul3A_475 = arith.mulf %get3A_399, %get3A_399 : vector<16xf32>
        %mul3A_476 = arith.mulf %get3A_401, %get3A_401 : vector<16xf32>
        %mul3A_477 = arith.mulf %get3A_403, %get3A_403 : vector<16xf32>
        %mul3A_478 = arith.mulf %sub3A_464, %sub3A_464 : vector<16xf32>
        %mul3A_479 = arith.mulf %sub3A_467, %sub3A_467 : vector<16xf32>
        %mul3A_480 = arith.mulf %sub3A_470, %sub3A_470 : vector<16xf32>
        %mul3A_481 = arith.mulf %sub3A_473, %sub3A_473 : vector<16xf32>
        %mul3A_482 = arith.mulf %mul3A_474, %get3A_397 : vector<16xf32>
        %mul3A_483 = arith.mulf %mul3A_475, %get3A_399 : vector<16xf32>
        %mul3A_484 = arith.mulf %mul3A_476, %get3A_401 : vector<16xf32>
        %mul3A_485 = arith.mulf %mul3A_477, %get3A_403 : vector<16xf32>
        %mul3A_486 = arith.mulf %mul3A_478, %sub3A_464 : vector<16xf32>
        %mul3A_487 = arith.mulf %mul3A_479, %sub3A_467 : vector<16xf32>
        %mul3A_488 = arith.mulf %mul3A_480, %sub3A_470 : vector<16xf32>
        %mul3A_489 = arith.mulf %mul3A_481, %sub3A_473 : vector<16xf32>
        %mul3A_490 = arith.constant 3.000000e+00 : f32
        %mul3A_491 = vector.broadcast %mul3A_490 : f32 to vector<16xf32>
        %mul3A_492 = arith.mulf %mul3A_491, %mul3A_482 : vector<16xf32>
        %mul3A_493 = arith.constant 6.000000e+00 : f32
        %mul3A_494 = vector.broadcast %mul3A_493 : f32 to vector<16xf32>
        %mul3A_495 = arith.mulf %mul3A_494, %mul3A_474 : vector<16xf32>
        %sub3A_496 = arith.subf %mul3A_492, %mul3A_495 : vector<16xf32>
        %add3A_497 = arith.constant 4.000000e+00 : f32
        %add3A_498 = vector.broadcast %add3A_497 : f32 to vector<16xf32>
        %add3A_499 = arith.addf %sub3A_496, %add3A_498 : vector<16xf32>
        %mul3A_500 = arith.constant 3.000000e+00 : f32
        %mul3A_501 = vector.broadcast %mul3A_500 : f32 to vector<16xf32>
        %mul3A_502 = arith.mulf %mul3A_501, %mul3A_483 : vector<16xf32>
        %mul3A_503 = arith.constant 6.000000e+00 : f32
        %mul3A_504 = vector.broadcast %mul3A_503 : f32 to vector<16xf32>
        %mul3A_505 = arith.mulf %mul3A_504, %mul3A_475 : vector<16xf32>
        %sub3A_506 = arith.subf %mul3A_502, %mul3A_505 : vector<16xf32>
        %add3A_507 = arith.constant 4.000000e+00 : f32
        %add3A_508 = vector.broadcast %add3A_507 : f32 to vector<16xf32>
        %add3A_509 = arith.addf %sub3A_506, %add3A_508 : vector<16xf32>
        %mul3A_510 = arith.constant 3.000000e+00 : f32
        %mul3A_511 = vector.broadcast %mul3A_510 : f32 to vector<16xf32>
        %mul3A_512 = arith.mulf %mul3A_511, %mul3A_484 : vector<16xf32>
        %mul3A_513 = arith.constant 6.000000e+00 : f32
        %mul3A_514 = vector.broadcast %mul3A_513 : f32 to vector<16xf32>
        %mul3A_515 = arith.mulf %mul3A_514, %mul3A_476 : vector<16xf32>
        %sub3A_516 = arith.subf %mul3A_512, %mul3A_515 : vector<16xf32>
        %add3A_517 = arith.constant 4.000000e+00 : f32
        %add3A_518 = vector.broadcast %add3A_517 : f32 to vector<16xf32>
        %add3A_519 = arith.addf %sub3A_516, %add3A_518 : vector<16xf32>
        %mul3A_520 = arith.constant 3.000000e+00 : f32
        %mul3A_521 = vector.broadcast %mul3A_520 : f32 to vector<16xf32>
        %mul3A_522 = arith.mulf %mul3A_521, %mul3A_485 : vector<16xf32>
        %mul3A_523 = arith.constant 6.000000e+00 : f32
        %mul3A_524 = vector.broadcast %mul3A_523 : f32 to vector<16xf32>
        %mul3A_525 = arith.mulf %mul3A_524, %mul3A_477 : vector<16xf32>
        %sub3A_526 = arith.subf %mul3A_522, %mul3A_525 : vector<16xf32>
        %add3A_527 = arith.constant 4.000000e+00 : f32
        %add3A_528 = vector.broadcast %add3A_527 : f32 to vector<16xf32>
        %add3A_529 = arith.addf %sub3A_526, %add3A_528 : vector<16xf32>
        %sub3A_530 = arith.constant 6.000000e+00 : f32
        %sub3A_531 = vector.broadcast %sub3A_530 : f32 to vector<16xf32>
        %sub3A_532 = arith.subf %sub3A_531, %mul3A_486 : vector<16xf32>
        %sub3A_533 = arith.subf %sub3A_532, %add3A_499 : vector<16xf32>
        %sub3A_534 = arith.subf %sub3A_533, %mul3A_482 : vector<16xf32>
        %sub3A_535 = arith.constant 6.000000e+00 : f32
        %sub3A_536 = vector.broadcast %sub3A_535 : f32 to vector<16xf32>
        %sub3A_537 = arith.subf %sub3A_536, %mul3A_487 : vector<16xf32>
        %sub3A_538 = arith.subf %sub3A_537, %add3A_509 : vector<16xf32>
        %sub3A_539 = arith.subf %sub3A_538, %mul3A_483 : vector<16xf32>
        %sub3A_540 = arith.constant 6.000000e+00 : f32
        %sub3A_541 = vector.broadcast %sub3A_540 : f32 to vector<16xf32>
        %sub3A_542 = arith.subf %sub3A_541, %mul3A_488 : vector<16xf32>
        %sub3A_543 = arith.subf %sub3A_542, %add3A_519 : vector<16xf32>
        %sub3A_544 = arith.subf %sub3A_543, %mul3A_484 : vector<16xf32>
        %sub3A_545 = arith.constant 6.000000e+00 : f32
        %sub3A_546 = vector.broadcast %sub3A_545 : f32 to vector<16xf32>
        %sub3A_547 = arith.subf %sub3A_546, %mul3A_489 : vector<16xf32>
        %sub3A_548 = arith.subf %sub3A_547, %add3A_529 : vector<16xf32>
        %sub3A_549 = arith.subf %sub3A_548, %mul3A_485 : vector<16xf32>
        %mul3A_550 = arith.mulf %mul3A_486, %gather3A : vector<16xf32>
        %mul3A_551 = arith.mulf %add3A_499, %gather3A_418 : vector<16xf32>
        %add3A_552 = arith.addf %mul3A_550, %mul3A_551 : vector<16xf32>
        %mul3A_553 = arith.mulf %mul3A_487, %gather3A_412 : vector<16xf32>
        %mul3A_554 = arith.mulf %add3A_509, %gather3A_422 : vector<16xf32>
        %add3A_555 = arith.addf %mul3A_553, %mul3A_554 : vector<16xf32>
        %mul3A_556 = arith.mulf %mul3A_488, %gather3A_413 : vector<16xf32>
        %mul3A_557 = arith.mulf %add3A_519, %gather3A_426 : vector<16xf32>
        %add3A_558 = arith.addf %mul3A_556, %mul3A_557 : vector<16xf32>
        %mul3A_559 = arith.mulf %mul3A_489, %gather3A_414 : vector<16xf32>
        %mul3A_560 = arith.mulf %add3A_529, %gather3A_430 : vector<16xf32>
        %add3A_561 = arith.addf %mul3A_559, %mul3A_560 : vector<16xf32>
        %mul3A_562 = arith.mulf %sub3A_534, %gather3A_434 : vector<16xf32>
        %mul3A_563 = arith.mulf %mul3A_482, %gather3A_450 : vector<16xf32>
        %add3A_564 = arith.addf %mul3A_562, %mul3A_563 : vector<16xf32>
        %mul3A_565 = arith.mulf %sub3A_539, %gather3A_438 : vector<16xf32>
        %mul3A_566 = arith.mulf %mul3A_483, %gather3A_454 : vector<16xf32>
        %add3A_567 = arith.addf %mul3A_565, %mul3A_566 : vector<16xf32>
        %mul3A_568 = arith.mulf %sub3A_544, %gather3A_442 : vector<16xf32>
        %mul3A_569 = arith.mulf %mul3A_484, %gather3A_458 : vector<16xf32>
        %add3A_570 = arith.addf %mul3A_568, %mul3A_569 : vector<16xf32>
        %mul3A_571 = arith.mulf %sub3A_549, %gather3A_446 : vector<16xf32>
        %mul3A_572 = arith.mulf %mul3A_485, %gather3A_462 : vector<16xf32>
        %add3A_573 = arith.addf %mul3A_571, %mul3A_572 : vector<16xf32>
        %add3A_574 = arith.addf %add3A_552, %add3A_564 : vector<16xf32>
        %mul3A_575 = arith.constant 0.166666672 : f32
        %mul3A_576 = vector.broadcast %mul3A_575 : f32 to vector<16xf32>
        %mul3A_577 = arith.mulf %add3A_574, %mul3A_576 : vector<16xf32>
        %swap3A = arith.index_cast %mul3A_378 : i32 to index
        %swap3A_578 = tpu.vector_load %arg16[%swap3A] {strides = array<i32>} : memref<2048xf32, #tpu.memory_space<vmem>>, vector<16xf32>,
        tpu.vector_store %arg16[%swap3A], %mul3A_577 {strides = array<i32>} : memref<2048xf32, #tpu.memory_space<vmem>>, vector<16xf32>,
        %add3A_579 = arith.addf %add3A_555, %add3A_567 : vector<16xf32>
        %mul3A_580 = arith.constant 0.166666672 : f32
        %mul3A_581 = vector.broadcast %mul3A_580 : f32 to vector<16xf32>
        %mul3A_582 = arith.mulf %add3A_579, %mul3A_581 : vector<16xf32>
        %swap3A_583 = arith.index_cast %mul3A_384 : i32 to index
        %swap3A_584 = tpu.vector_load %arg16[%swap3A_583] {strides = array<i32>} : memref<2048xf32, #tpu.memory_space<vmem>>, vector<16xf32>,
        tpu.vector_store %arg16[%swap3A_583], %mul3A_582 {strides = array<i32>} : memref<2048xf32, #tpu.memory_space<vmem>>, vector<16xf32>,
        %add3A_585 = arith.addf %add3A_558, %add3A_570 : vector<16xf32>
        %mul3A_586 = arith.constant 0.166666672 : f32
        %mul3A_587 = vector.broadcast %mul3A_586 : f32 to vector<16xf32>
        %mul3A_588 = arith.mulf %add3A_585, %mul3A_587 : vector<16xf32>
        %swap3A_589 = arith.index_cast %mul3A_390 : i32 to index
        %swap3A_590 = tpu.vector_load %arg16[%swap3A_589] {strides = array<i32>} : memref<2048xf32, #tpu.memory_space<vmem>>, vector<16xf32>,
        tpu.vector_store %arg16[%swap3A_589], %mul3A_588 {strides = array<i32>} : memref<2048xf32, #tpu.memory_space<vmem>>, vector<16xf32>,
        %add3A_591 = arith.addf %add3A_561, %add3A_573 : vector<16xf32>
        %mul3A_592 = arith.constant 0.166666672 : f32
        %mul3A_593 = vector.broadcast %mul3A_592 : f32 to vector<16xf32>
        %mul3A_594 = arith.mulf %add3A_591, %mul3A_593 : vector<16xf32>
        %swap3A_595 = arith.index_cast %mul3A_396 : i32 to index
        %swap3A_596 = tpu.vector_load %arg16[%swap3A_595] {strides = array<i32>} : memref<2048xf32, #tpu.memory_space<vmem>>, vector<16xf32>,
        tpu.vector_store %arg16[%swap3A_595], %mul3A_594 {strides = array<i32>} : memref<2048xf32, #tpu.memory_space<vmem>>, vector<16xf32>,
      }
      %scan3A_362 = arith.constant 32 : i32
      %mul3A_363 = arith.constant 2048 : i32
      %mul3A_364 = arith.muli %add3A_334, %mul3A_363 : i32
      %add3A_365 = arith.addi %mul3A_2, %mul3A_364 : i32
      %dma_start3A_366 = tpu.memref_slice %arg4[%add3A_365] : memref<4194304xf32, #tpu.memory_space<hbm>> -> memref<2048xf32, #tpu.memory_space<hbm>>
      %dma_start3A_367 = tpu.memref_slice %arg4[%add3A_365] : memref<4194304xf32, #tpu.memory_space<hbm>> -> memref<2048xf32, #tpu.memory_space<hbm>>
      tpu.enqueue_dma source(%arg16 : memref<2048xf32, #tpu.memory_space<vmem>>) target(%dma_start3A_367 : memref<2048xf32, #tpu.memory_space<hbm>>) target_semaphore(%arg22 : memref<!tpu.dma_semaphore, #tpu.memory_space<semaphore_mem>>)
    }
    %scan3A_152 = arith.constant 32 : i32
    %add3A_153 = arith.constant 126976 : i32
    %add3A_154 = arith.addi %mul3A_2, %add3A_153 : i32
    %dma_wait3A_155 = tpu.memref_slice %arg4[%add3A_154] : memref<4194304xf32, #tpu.memory_space<hbm>> -> memref<2048xf32, #tpu.memory_space<hbm>>
    %dma_wait3A_156 = tpu.memref_slice %arg4[%add3A_154] : memref<4194304xf32, #tpu.memory_space<hbm>> -> memref<2048xf32, #tpu.memory_space<hbm>>
    tpu.wait_dma2 semaphore(%arg21 : memref<!tpu.dma_semaphore, #tpu.memory_space<semaphore_mem>>) src(%arg15 : memref<2048xf32, #tpu.memory_space<vmem>>) dst(%dma_wait3A_156 : memref<2048xf32, #tpu.memory_space<hbm>>)
    %add3A_157 = arith.constant 129024 : i32
    %add3A_158 = arith.addi %mul3A_2, %add3A_157 : i32
    %dma_wait3A_159 = tpu.memref_slice %arg4[%add3A_158] : memref<4194304xf32, #tpu.memory_space<hbm>> -> memref<2048xf32, #tpu.memory_space<hbm>>
    %dma_wait3A_160 = tpu.memref_slice %arg4[%add3A_158] : memref<4194304xf32, #tpu.memory_space<hbm>> -> memref<2048xf32, #tpu.memory_space<hbm>>
    tpu.wait_dma2 semaphore(%arg22 : memref<!tpu.dma_semaphore, #tpu.memory_space<semaphore_mem>>) src(%arg16 : memref<2048xf32, #tpu.memory_space<vmem>>) dst(%dma_wait3A_160 : memref<2048xf32, #tpu.memory_space<hbm>>)
    return
  }
}

</mosaic_0001>

<sc_bundles>
// kernel: kernel.4.cloned.1.call-start
scs
__scs_entry_jumppad:
0x0: {  	(pc) =	sbr.rel $0x88, $3  }
0x1: {  	(tag) =	ssettag $0x0;
	lr =	simm.s32 $0x1  }
0x2: {  	[smem:$0x3F9F] =	sst lr;
	_ =	strace $0xD0000000  }
0x3: {  	_ = 	snop  }
0x4: {  	_ = 	snop  }
0x5: {  	_ = 	snop  }
0x6: {  	_ = 	snop  }
0x7: {  	_ = 	snop  }
__scs_overlays_trampoline_lowered:
0x8: {  	[smem:$0x3FAE] =	sst s0  }
0x9: {  	[smem:$0x3FAF] =	sst s1  }
0xa: {  	[smem:$0x3FB0] =	sst s2  }
0xb: {  	[smem:$0x3FB1] =	sst s3  }
0xc: {  	[smem:$0x3FB2] =	sst s4  }
0xd: {  	[smem:$0x3FB3] =	sst s5  }
0xe: {  	[smem:$0x3FB4] =	sst s6  }
0xf: {  	[smem:$0x3FB5] =	sst s7  }
0x10: {  	[smem:$0x3FB6] =	sst s8  }
0x11: {  	[smem:$0x3FB7] =	sst s9;
	s0 =	simm.s32 @!p0 $0x0  }
0x12: {  	s1 =	sld [smem:$0x3F9D];
	s0 =	simm.s32 @p0 $0x1  }
0x13: {  	[smem:$0x3FB8] =	sst s0;
	s0 =	simm.s32 @!p1 $0x0  }
0x14: {  	s2 =	sld [smem:$0x3F9C];
	s0 =	simm.s32 @p1 $0x1  }
0x15: {  	[smem:$0x3FB9] =	sst s0;
	s0 =	simm.s32 @!p2 $0x0  }
0x16: {  	s3 =	sld [smem:$0x3FDB];
	s0 =	simm.s32 @p2 $0x1  }
0x17: {  	s4 =	simm.s32 $0x1BF5;
	[smem:$0x3FBB] =	sst s0  }
0x18: {  	s0 =	sld [smem:$0x3F9E];
	_ =	swait.ge [sflag:s4], $0x0  }
0x19: {  	s7 =	sld [smem:$0x3F9F]  }
0x1a: {  	s8 =	sadd.s32 $0xFFFFE003, lr  }
0x1b: {  	s9 =	sadd.s32 $0xFFFFFEF7, lr;
	s5 =	simm.s32 $0xFFFFFFFF;
	p2 =	slt.u32 s8, $0xFFFFF086  }
0x1c: {  	p1 =	slt.u32 s9, $0xF7A;
	s5 =	simm.s32 @!p2 $0x0  }
0x1d: {  	s5 =	simm.s32 @p1 $0x1;
	p0 =	seq.s32 s7, s2  }
0x1e: {  	s7 =	smul.u32 @!p0 $0xF7A, s2;
	p2 =	seq.s32 @!p0 s5, $0x0  }
0x1f: {  	s9 =	smul.u32 $0xF7A, s1;
	s8 =	simm.s32 @!p0 $0x1BF5;
	p2 =	por !p2, p0  }
0x20: {  	[sflag:s8] =	ssyncset.s32 @!p0 $0xFFFFF086;
	s6 =	sadd.s32 @!p0 s3, s7;
	s7 =	simm.s32 @!p0 $0x108  }
0x21: {  	s3 =	sadd.s32 s3, s9;
	s6 =	sadd.s32 @!p0 $0x88, s6;
	s7 =	simm.s32 @p2 $0x1082  }
0x22: {  	[simem:s7], [sflag:s8] =	dma.local @!p0 [hbm:s6], $0xF7A  }
0x23: {  	s9 =	sor.u32 $0xD0000000, s2;
	s6 =	simm.s32 $0x108;
	_ =	swait.ge @!p0 [sflag:s8], $0x0  }
0x24: {  	s3 =	sadd.s32 $0x88, s3;
	s6 =	simm.s32 @!p1 $0x1082;
	[sflag:s4] =	ssyncset.s32 $0xFFFFF086  }
0x25: {  	[simem:s6], [sflag:s4] =	dma.local [hbm:s3], $0xF7A  }
0x26: {  	[smem:$0x3F9F] =	sst s1;
	(tag) =	ssettag s2;
	_ =	strace s9  }
0x27: {  	s1 =	sld [smem:$0x3FAF]  }
0x28: {  	s2 =	sld [smem:$0x3FB0]  }
0x29: {  	s4 =	sld [smem:$0x3FB2]  }
0x2a: {  	p0 =	seq.s32 s5, $0x0;
	s5 =	sld [smem:$0x3FB3]  }
0x2b: {  	s6 =	sld [smem:$0x3FB4]  }
0x2c: {  	s7 =	sld [smem:$0x3FB5]  }
0x2d: {  	s3 =	simm.s32 $0x108;
	s8 =	sld [smem:$0x3FB6]  }
0x2e: {  	s3 =	simm.s32 @!p0 $0x1082;
	s9 =	sld [smem:$0x3FB7]  }
0x2f: {  	lr =	sadd.s32 s0, s3;
	s0 =	sld [smem:$0x3FAE]  }
0x30: {  	s3 =	sld [smem:$0x3FB1]  }
0x31: {  	[smem:$0x3FBA] =	sst s10  }
0x32: {  	s10 =	sld [smem:$0x3FB8];
	_ =	sdelay $0x3  }
0x33: {  	p0 =	seq.s32 s10, $0x1;
	s10 =	sld [smem:$0x3FBA];
	_ =	sdelay $0x3  }
0x34: {  	[smem:$0x3FBA] =	sst s10  }
0x35: {  	s10 =	sld [smem:$0x3FB9];
	_ =	sdelay $0x3  }
0x36: {  	p1 =	seq.s32 s10, $0x1;
	s10 =	sld [smem:$0x3FBA];
	_ =	sdelay $0x3  }
0x37: {  	[smem:$0x3FBA] =	sst s10  }
0x38: {  	s10 =	sld [smem:$0x3FBB]  }
0x39: {  	_ = 	snop;
	(pc) =	sbr.ind lr, $3  }
0x3a: {  	_ = 	snop  }
0x3b: {  	_ = 	snop  }
0x3c: {  	p2 =	seq.s32 s10, $0x1;
	s10 =	sld [smem:$0x3FBA]  }
0x3d: {  	_ =	shalt  }
0x3e: {  	_ =	shalt  }
0x3f: {  	_ =	shalt  }
0x40: {  	_ =	shalt  }
0x41: {  	_ =	shalt  }
0x42: {  	_ =	shalt  }
0x43: {  	_ =	shalt  }
0x44: {  	_ =	shalt  }
0x45: {  	_ =	shalt  }
0x46: {  	_ =	shalt  }
0x47: {  	_ =	shalt  }
0x48: {  	_ =	shalt  }
0x49: {  	_ =	shalt  }
0x4a: {  	_ =	shalt  }
0x4b: {  	_ =	shalt  }
0x4c: {  	_ =	shalt  }
0x4d: {  	_ =	shalt  }
0x4e: {  	_ =	shalt  }
0x4f: {  	_ =	shalt  }
0x50: {  	_ =	shalt  }
0x51: {  	_ =	shalt  }
0x52: {  	_ =	shalt  }
0x53: {  	_ =	shalt  }
0x54: {  	_ =	shalt  }
0x55: {  	_ =	shalt  }
0x56: {  	_ =	shalt  }
0x57: {  	_ =	shalt  }
0x58: {  	_ =	shalt  }
0x59: {  	_ =	shalt  }
0x5a: {  	_ =	shalt  }
0x5b: {  	_ =	shalt  }
0x5c: {  	_ =	shalt  }
0x5d: {  	_ =	shalt  }
0x5e: {  	_ =	shalt  }
0x5f: {  	_ =	shalt  }
0x60: {  	_ =	shalt  }
0x61: {  	_ =	shalt  }
0x62: {  	_ =	shalt  }
0x63: {  	_ =	shalt  }
0x64: {  	_ =	shalt  }
0x65: {  	_ =	shalt  }
0x66: {  	_ =	shalt  }
0x67: {  	_ =	shalt  }
0x68: {  	_ =	shalt  }
0x69: {  	_ =	shalt  }
0x6a: {  	_ =	shalt  }
0x6b: {  	_ =	shalt  }
0x6c: {  	_ =	shalt  }
0x6d: {  	_ =	shalt  }
0x6e: {  	_ =	shalt  }
0x6f: {  	_ =	shalt  }
0x70: {  	_ =	shalt  }
0x71: {  	_ =	shalt  }
0x72: {  	_ =	shalt  }
0x73: {  	_ =	shalt  }
0x74: {  	_ =	shalt  }
0x75: {  	_ =	shalt  }
0x76: {  	_ =	shalt  }
0x77: {  	_ =	shalt  }
0x78: {  	_ =	shalt  }
0x79: {  	_ =	shalt  }
0x7a: {  	_ =	shalt  }
0x7b: {  	_ =	shalt  }
0x7c: {  	_ =	shalt  }
0x7d: {  	_ =	shalt  }
0x7e: {  	_ =	shalt  }
0x7f: {  	_ =	shalt  }
0x80: {  	_ =	shalt  }
0x81: {  	_ =	shalt  }
0x82: {  	_ =	shalt  }
0x83: {  	_ =	shalt  }
0x84: {  	_ =	shalt  }
0x85: {  	_ =	shalt  }
0x86: {  	_ =	shalt  }
0x87: {  	_ =	shalt  }
.Lfunc_end0:
.L_simem_size_0:
called_computation_lowered:
.L_overlay_start_0:
0x88: {  	s2 =	sld [smem:$0x3FD9]  }
0x89: {  	s3 =	sld [smem:$0x3FFE];
	_ =	sdelay $0x1  }
0x8a: {  	s1 =	srdreg.scid  }
0x8b: {  	s0 =	sand.u32 $0x1, s1  }
0x8c: {  	s17 =	sshll.u32 s0, $0xA;
	s2 =	sadd.s32 s3, s2  }
0x8d: {  	s2 =	sadd.s32 s2, s17  }
0x8e: {  	[smem:$0x3FC6] =	sst s2  }
0x8f: {  	_ = 	snop  }
0x90: {  	s2 =	sld [smem:$0x3FC8];
	(tm) =	ssettm $0x1  }
0x91: {  	s18 =	sld [smem:$0x3FFB];
	_ =	sdelay $0x3  }
0x92: {  	_ =	strace s18  }
0x93: {  	s3 =	sld [smem:$0x3FFC];
	_ =	sdelay $0x3  }
0x94: {  	_ =	strace s3  }
0x95: {  	s3 =	sld [smem:$0x3FFD];
	_ =	sdelay $0x3  }
0x96: {  	_ =	strace s3  }
0x97: {  	_ =	strace $0x8FFFFFFF  }
0x98: {  	s19 =	sld [smem:$0x3FDB];
	_ =	sdelay $0x1  }
0x99: {  	s4 =	simm.s32 $_scs_section_size  }
0x9a: {  	s5 =	simm.s32 $_size__tile_overlayer_lowered;
	s6 =	simm.s32 $_tile_overlayer_lowered  }
0x9b: {  	s22 =	simm.s32 $0x1BFF;
	s21 =	sshll.u32 s6, $0x1;
	s3 =	sadd.s32 s4, s19  }
0x9c: {  	s7 =	simm.s32 $0x0;
	s20 =	sshll.u32 s5, $0x1;
	s5 =	sadd.s32 s21, s3  }
0x9d: {  	[timem:s7], [sflag:s22] =	dma.local [hbm:s5], s20  }
0x9e: {  	_ =	swait.ge [sflag:s22], s20  }
0x9f: {  	s4 =	ssub.s32 $0x0, s20;
	[sflag:s22] =	ssyncset.done $0x0  }
0xa0: {  	[sflag:s22] =	ssyncadd.s32 s4;
	_ =	sdelay $0x1  }
0xa1: {  	s23 =	simm.s32 $0x1B8B  }
0xa2: {  	_ =	swait.ge [sflag:s23], $0x1  }
0xa3: {  	[sflag:s23] =	ssyncset.done $0x0  }
0xa4: {  	s25 =	simm.s32 $0x1B8E;
	s24 =	sld [smem:$0x3FFE];
	[sflag:s23] =	ssyncadd.s32 $0xFFFFFFFF  }
0xa5: {  	s26 =	simm.s32 $execute0_lowered;
	[smem:$0x3FD2] =	sst s25  }
0xa6: {  	s5 =	sshll.u32 s26, $0x1;
	_ =	strace $0x80000046;
	[dreg:$0x1] =	wrdreg $0xFFFFFFFF  }
0xa7: {  	s28 =	simm.s32 $_size_execute0_lowered;
	s3 =	sadd.s32 s3, s5;
	[dreg:$0x0] =	wrdreg $0x0  }
0xa8: {  	s5 =	sshll.u32 s28, $0x1;
	[dreg:$0x2] =	wrdreg s3  }
0xa9: {  	[dreg:$0x3] =	wrdreg s5  }
0xaa: {  	[dreg:$0x4] =	wrdreg $0xC0  }
0xab: {  	_ =	task [dreg:s7], $0x5FFFF  }
0xac: {  	[dreg:$0x1] =	wrdreg $0xFFFFFFFF  }
0xad: {  	[dreg:$0x0] =	wrdreg $0x60  }
0xae: {  	[dreg:$0x2] =	wrdreg s2  }
0xaf: {  	[dreg:$0x3] =	wrdreg s24  }
0xb0: {  	[dreg:$0x4] =	wrdreg $0x9  }
0xb1: {  	_ =	task.clear_ibuf [dreg:s7], $0x5FFFF;
	_ =	strace $0x90000046  }
0xb2: {  	s29 =	simm.s32 $0x9;
	_ =	strace $0x80000048  }
0xb3: {  	_ =	swait.ge [sflag:s29], $0x1  }
0xb4: {  	[sflag:s29] =	ssyncadd.s32 $0xFFFFFFFF  }
0xb5: {  	_ =	strace $0x90000048  }
0xb6: {  	_ =	sfence  }
0xb7: {  	s30 =	sld [smem:$0x0];
	_ =	sdelay $0x2  }
0xb8: {  	s31 =	sshll.u32 s1, $0xD;
	s1 =	sshrl.u32 s1, $0x2  }
0xb9: {  	s3 =	sand.u32 $0x4000, s31;
	s1 =	sadd.s32 s1, s30  }
0xba: {  	s0 =	sor.u32 s3, s0;
	s1 =	sshll.u32 s1, $0x11  }
0xbb: {  	s0 =	sor.u32 s1, s0  }
0xbc: {  	s0 =	sadd.s32 $0x8F2B, s0  }
0xbd: {  	[sflag:s0] =	ssyncadd.remote.s32 $0x1  }
0xbe: {  	_ =	sfence.sel $0xFFFF  }
0xbf: {  	[dreg:$0x0] =	wrdreg $0xFFFFFFFF;
	(pc) =	sbr.abs _section_cstart, $3  }
0xc0: {  	[dreg:$0x1] =	wrdreg $0xFFFFFFFF  }
0xc1: {  	_ =	task.clear_ibuf [dreg:s7], $0x2FFFF;
	_ =	strace $0x9FFFFFFF  }
0xc2: {  	(tm) =	ssettm $0x7FFFFFFF  }
0xc3: {  	_ =	shalt  }
tec
execute0_lowered:
.L_overlay_start_1:
0x0: {  	(tag) =	ssettag $0x1  }
0x1: {  	s1 =	rddreg [dreg:$0x0]  }
0x2: {  	s4 =	rddreg [dreg:$0x1]  }
0x3: {  	s0 =	rddreg [dreg:$0x2]  }
0x4: {  	s3 =	simm.s32 $0x0;
	s5 =	srdreg.scid;
	s2 =	stileid.u32  }
0x5: {  	s11 =	simm.s32 $0x1010;
	s12 =	simm.s32 $0x1;
	s13 =	simm.s32 $0x2020  }
0x6: {  	s14 =	simm.s32 $0x2;
	s15 =	simm.s32 $0x4020;
	s16 =	simm.s32 $0x3  }
0x7: {  	v0 =	vimm.s32 $0xBA987654;
	s17 =	simm.s32 $0x4;
	s18 =	simm.s32 $0x0;
	[smem:$0x7FF] =	sst s3  }
0x8: {  	v1 =	vimm.s32 $0x76543210;
	s5 =	sand.u32 $0x1, s5;
	s6 =	sshll.u32 s2, $0x1;
	s4 =	sadd.s32 $0x800, s4;
	v0 =	vunpack.c.l.s4.s8 v0  }
0x9: {  	v1 =	vunpack.c.l.s4.s8 v1;
	_ =	strace $0x80000047;
	s6 =	sor.u32 s5, s6;
	s5 =	ssub.s32 $0x2, s5  }
.Ltmp0:
0xa: {  	s7 =	sshll.u32 s6, $0xF;
	s8 =	sshrl.u32 s5, $0x1;
	v0 =	vunpack.c.0.s8.s32 v0;
	(pc) =	sbr.rel .LBB2_1-.Ltmp0, $4  }
0xb: {  	v2 =	vlaneseq.u32;
	v1 =	vunpack.c.0.s8.s32 v1;
	s9 =	smin.u32 s7, $0xF3230;
	s7 =	sor.u32 $0x1000, s7;
	s10 =	ssub.s32 s5, s8  }
0xc: {  	v3 =	vshrl.u32 v2, $0x3;
	s5 =	sshll.u32 s6, $0xD;
	s31 =	sshrl.u32 s9, $0x3;
	s7 =	smin.u32 s7, $0xF3230;
	v0 =	vand.u32 $0xF, v0  }
0xd: {  	s8 =	sor.u32 $0x800, s5;
	s9 =	sor.u32 $0xC00, s5;
	s7 =	sshrl.u32 s7, $0x3;
	v0 =	vcombine.low v1, v0;
	v1 =	vmul.u32 $0x8, v3  }
0xe: {  	v2 =	vand.u32 $0x7, v2;
	s10 =	smax.u32 s10, $0x1;
	s6 =	sadd.s32 s1, s31;
	s7 =	sadd.s32 s1, s7  }
.LBB2_8:
0xf: {  	s18 =	sadd.s32 $0x1, s18  }
0x10: {  	_ =	swait.ge [sflag:s16], $0x2000;
	p0 =	sne.s32 s18, s10  }
.Ltmp1:
0x11: {  	[sflag:s16] =	ssyncset.done $0x0;
	(pc) =	sbr.rel @!p0 .LBB2_9-.Ltmp1, $4  }
0x12: {  	[sflag:s16] =	ssyncadd.s32 $0xFFFFE000  }
0x13: {  	_ =	swait.ge [sflag:s17], $0x2000  }
0x14: {  	[sflag:s17] =	ssyncset.done $0x0  }
0x15: {  	[sflag:s17] =	ssyncadd.s32 $0xFFFFE000  }
.LBB2_1:
0x16: {  	[tilespmem:s3], [sflag:$0x1] =	stream.linear.gather [hbm4b:s6+s3], $0x1010, $0x38;
	[tilespmem:$0x6020] =	vst v63  }
0x17: {  	s19 =	simm.s32 $0x0  }
0x18: {  	[tilespmem:s11], [sflag:$0x2] =	stream.linear.gather [hbm4b:s7+s3], $0x1010, $0x38;
	[tilespmem:$0x6020] =	vst v63  }
.LBB2_2:
0x19: {  	s20 =	sshll.u32 s19, $0xB  }
0x1a: {  	s21 =	sor.u32 s5, s20  }
0x1b: {  	s22 =	sshll.u32 s21, $0x2  }
0x1c: {  	s23 =	smin.u32 s22, $0xF3230  }
0x1d: {  	s22 =	ssub.s32 s22, s23  }
0x1e: {  	s29 =	simm.s32 $0x0;
	s23 =	ssub.s32 $0xF423F, s23;
	v4 =	vor.u32 s22, v0  }
0x1f: {  	s30 =	simm.s32 $0x8;
	v3 =	vmov s23;
	v5 =	vadd.s32 s29, v4  }
0x20: {  	_ =	swait.ge [sflag:s12], $0x1010;
	v6 =	vadd.s32 s30, v4;
	vm0 =	vlt.s32 v5, v3  }
0x21: {  	p0 =	seq.s32 s19, $0x0;
	[sflag:s12] =	ssyncset.done $0x0;
	vm15 =	vlt.s32 v6, v3;
	v5 =	vsel vm0, v5, v3  }
0x22: {  	[sflag:s12] =	ssyncadd.s32 $0xFFFFEFF0;
	s22 =	simm.s32 @!p0 $0x3;
	v6 =	vsel vm15, v6, v3  }
0x23: {  	s31 =	simm.s32 $0x0;
	_ =	swait.ge @!p0 [sflag:s22], $0x2000  }
0x24: {  	s24 =	simm.s32 $0x2;
	v7 =	vmov s31;
	[sflag:s22] =	ssyncset.done @!p0 $0x0  }
0x25: {  	v8 =	vmov s24;
	v7 =	vshll.u32 v7, $0x3;
	[sflag:s22] =	ssyncadd.s32 @!p0 $0xFFFFE000  }
0x26: {  	v9 =	vshll.u32 v8, $0x3;
	v7 =	vor.u32 v1, v7;
	s23 =	simm.s32 $0x10;
	v5 =	vld.idx.msk [tilespmem:v5+s3+$0x0], $0xffff  }
0x27: {  	s25 =	simm.s32 $0x18;
	s24 =	simm.s32 $0xA;
	v9 =	vor.u32 v1, v9;
	v7 =	vor.u32 v2, v7;
	v8 =	vadd.s32 s23, v4;
	s22 =	simm.s32 $0x6;
	v6 =	vld.idx.msk [tilespmem:v6+s3+$0x0], $0xffff  }
.LBB2_3:
0x28: {  	p1 =	sne.s32 s24, $0x3FE;
	vm0 =	vlt.s32 v8, v3;
	v10 =	vadd.s32 s25, v4;
	v9 =	vor.u32 v2, v9  }
0x29: {  	v8 =	vsel vm0, v8, v3;
	vm0 =	vlt.s32 v10, v3  }
0x2a: {  	v10 =	vsel vm0, v10, v3  }
.Ltmp2:
0x2b: {  	s25 =	sadd.s32 $0xFFFFFFFE, s22;
	(pc) =	sbr.rel @p1 .LBB2_3-.Ltmp2, $4  }
0x2c: {  	v11 =	vmov s25;
	[tilespmem:v7+s13+$0x0] =	vst.idx.msk $0xffff, v5  }
0x2d: {  	v7 =	vshll.u32 v11, $0x3;
	v11 =	vmov s22;
	s22 =	smov.u32 s24;
	[tilespmem:v9+s13+$0x0] =	vst.idx.msk $0xffff, v6  }
0x2e: {  	s23 =	sadd.s32 $0x10, s23;
	v7 =	vor.u32 v1, v7;
	v9 =	vshll.u32 v11, $0x3;
	v5 =	vld.idx.msk [tilespmem:v8+s3+$0x0], $0xffff  }
0x2f: {  	s25 =	sadd.s32 $0x8, s23;
	s24 =	sadd.s32 $0x4, s24;
	v8 =	vadd.s32 s23, v4;
	v7 =	vor.u32 v2, v7;
	v9 =	vor.u32 v1, v9;
	v6 =	vld.idx.msk [tilespmem:v10+s3+$0x0], $0xffff  }
0x30: {  	vm0 =	vlt.s32 v8, v3;
	v4 =	vadd.s32 s25, v4;
	v9 =	vor.u32 v2, v9  }
0x31: {  	v8 =	vsel vm0, v8, v3;
	vm13 =	vlt.s32 v4, v3  }
0x32: {  	s23 =	sadd.s32 $0xFFFFFFFE, s22;
	v3 =	vsel vm13, v4, v3  }
0x33: {  	v4 =	vmov s23  }
0x34: {  	[tilespmem:v7+s13+$0x0] =	vst.idx.msk $0xffff, v5;
	v4 =	vshll.u32 v4, $0x3;
	v5 =	vmov s22  }
0x35: {  	v4 =	vor.u32 v1, v4;
	v5 =	vshll.u32 v5, $0x3;
	[tilespmem:v9+s13+$0x0] =	vst.idx.msk $0xffff, v6  }
0x36: {  	v4 =	vor.u32 v2, v4;
	v5 =	vor.u32 v1, v5;
	v6 =	vld.idx.msk [tilespmem:v8+s3+$0x0], $0xffff  }
0x37: {  	p1 =	seq.s32 s19, $0x3;
	v5 =	vor.u32 v2, v5;
	v3 =	vld.idx.msk [tilespmem:v3+s3+$0x0], $0xffff  }
0x38: {  	s22 =	sadd.s32 @!p1 s20, s8  }
0x39: {  	s26 =	sadd.s32 s4, s21;
	s21 =	sor.u32 $0x400, s21;
	s22 =	sshll.u32 @!p1 s22, $0x2  }
0x3a: {  	s28 =	sshll.u32 s21, $0x2;
	s22 =	smin.u32 @!p1 s22, $0xF3230  }
0x3b: {  	s24 =	smin.u32 s28, $0xF3230;
	s22 =	sshrl.u32 @!p1 s22, $0x3;
	[tilespmem:v4+s13+$0x0] =	vst.idx.msk $0xffff, v6  }
0x3c: {  	s25 =	sadd.s32 @!p1 s1, s22;
	s22 =	ssub.s32 s28, s24;
	[tilespmem:v5+s13+$0x0] =	vst.idx.msk $0xffff, v3  }
0x3d: {  	[hbm4b:s26+s3] =	stream.linear.scatter [tilespmem:s13], [sflag:$0x3], $0x2000, $0x38;
	[tilespmem:$0x6020] =	vst v63  }
0x3e: {  	s26 =	sadd.s32 $0x0, s22  }
0x3f: {  	s23 =	simm.s32 @!p1 $0x0;
	s24 =	ssub.s32 $0xF423F, s24;
	s29 =	sadd.s32 $0x8, s26  }
0x40: {  	v3 =	vmov s24;
	v4 =	vadd.s32 s26, v0;
	[tilespmem:s23], [sflag:$0x1] =	stream.linear.gather @!p1 [hbm4b:s25+s23], $0x1010, $0x38;
	[tilespmem:$0x6020] =	vst v63  }
0x41: {  	vm14 =	vlt.s32 v4, v3;
	v5 =	vadd.s32 s29, v0;
	_ =	swait.ge [sflag:s14], $0x1010  }
0x42: {  	v4 =	vsel vm14, v4, v3;
	vm15 =	vlt.s32 v5, v3;
	[sflag:s14] =	ssyncset.done $0x0  }
0x43: {  	s23 =	simm.s32 @!p0 $0x4;
	v5 =	vsel vm15, v5, v3;
	[sflag:s14] =	ssyncadd.s32 $0xFFFFEFF0  }
0x44: {  	s30 =	simm.s32 $0x0;
	_ =	swait.ge @!p0 [sflag:s23], $0x2000  }
0x45: {  	s31 =	simm.s32 $0x2;
	v6 =	vmov s30;
	[sflag:s23] =	ssyncset.done @!p0 $0x0  }
0x46: {  	v7 =	vmov s31;
	v6 =	vshll.u32 v6, $0x3;
	s24 =	simm.s32 $0x10;
	[sflag:s23] =	ssyncadd.s32 @!p0 $0xFFFFE000  }
0x47: {  	v7 =	vshll.u32 v7, $0x3;
	v6 =	vor.u32 v1, v6;
	s26 =	sadd.s32 $0x10, s22;
	s25 =	simm.s32 $0xA;
	s23 =	simm.s32 $0x6;
	v4 =	vld.idx.msk [tilespmem:v4+s11+$0x0], $0xffff  }
.LBB2_5:
0x48: {  	p0 =	sne.s32 s25, $0x3FE;
	v8 =	vadd.s32 s26, v0;
	s26 =	sadd.s32 $0x8, s26;
	v9 =	vld.idx.msk [tilespmem:v5+s11+$0x0], $0xffff;
	v6 =	vor.u32 v2, v6;
	v5 =	vor.u32 v1, v7  }
0x49: {  	vm0 =	vlt.s32 v8, v3;
	v7 =	vadd.s32 s26, v0;
	v10 =	vor.u32 v2, v5  }
0x4a: {  	v8 =	vsel vm0, v8, v3;
	vm0 =	vlt.s32 v7, v3  }
.Ltmp3:
0x4b: {  	v5 =	vsel vm0, v7, v3;
	(pc) =	sbr.rel @p0 .LBB2_5-.Ltmp3, $4  }
0x4c: {  	s26 =	sadd.s32 $0xFFFFFFFE, s23  }
0x4d: {  	v7 =	vmov s26;
	[tilespmem:v6+s15+$0x0] =	vst.idx.msk $0xffff, v4  }
0x4e: {  	s24 =	sadd.s32 $0x10, s24;
	v6 =	vshll.u32 v7, $0x3;
	v7 =	vmov s23;
	s23 =	smov.u32 s25;
	[tilespmem:v10+s15+$0x0] =	vst.idx.msk $0xffff, v9  }
0x4f: {  	s26 =	sadd.s32 s22, s24;
	s25 =	sadd.s32 $0x4, s25;
	v6 =	vor.u32 v1, v6;
	v7 =	vshll.u32 v7, $0x3;
	v4 =	vld.idx.msk [tilespmem:v8+s11+$0x0], $0xffff  }
0x50: {  	_ =	sdelay $0x2  }
0x51: {  	v8 =	vadd.s32 s26, v0;
	s22 =	sadd.s32 $0x8, s26;
	v6 =	vor.u32 v2, v6;
	v7 =	vor.u32 v1, v7  }
0x52: {  	v5 =	vld.idx.msk [tilespmem:v5+s11+$0x0], $0xffff;
	vm0 =	vlt.s32 v8, v3;
	v9 =	vadd.s32 s22, v0;
	v7 =	vor.u32 v2, v7  }
0x53: {  	v8 =	vsel vm0, v8, v3;
	vm15 =	vlt.s32 v9, v3  }
0x54: {  	s31 =	sadd.s32 $0xFFFFFFFE, s23;
	v3 =	vsel vm15, v9, v3  }
0x55: {  	v59 =	vmov s31  }
0x56: {  	v61 =	vmov s23;
	v60 =	vshll.u32 v59, $0x3;
	[tilespmem:v6+s15+$0x0] =	vst.idx.msk $0xffff, v4  }
0x57: {  	v62 =	vshll.u32 v61, $0x3;
	v4 =	vor.u32 v1, v60;
	[tilespmem:v7+s15+$0x0] =	vst.idx.msk $0xffff, v5  }
0x58: {  	v4 =	vor.u32 v2, v4;
	v5 =	vor.u32 v1, v62;
	v63 =	vld.idx.msk [tilespmem:v8+s11+$0x0], $0xffff  }
0x59: {  	v5 =	vor.u32 v2, v5;
	v3 =	vld.idx.msk [tilespmem:v3+s11+$0x0], $0xffff;
	_ =	sdelay $0x1  }
.Ltmp4:
0x5a: {  	_ = 	snop;
	(pc) =	sbr.rel @p1 .LBB2_8-.Ltmp4, $4  }
0x5b: {  	_ = 	snop  }
0x5c: {  	[tilespmem:v4+s15+$0x0] =	vst.idx.msk $0xffff, v63  }
0x5d: {  	s21 =	sadd.s32 s4, s21;
	[tilespmem:v5+s15+$0x0] =	vst.idx.msk $0xffff, v3  }
0x5e: {  	[hbm4b:s21+s3] =	stream.linear.scatter [tilespmem:s15], [sflag:$0x4], $0x2000, $0x38;
	[tilespmem:$0x6020] =	vst v63  }
0x5f: {  	s20 =	sadd.s32 s20, s9  }
.Ltmp5:
0x60: {  	s20 =	sshll.u32 s20, $0x2;
	(pc) =	sbr.rel .LBB2_2-.Ltmp5, $4  }
0x61: {  	s20 =	smin.u32 s20, $0xF3230  }
0x62: {  	s20 =	sshrl.u32 s20, $0x3  }
0x63: {  	s19 =	sadd.s32 $0x1, s19;
	s20 =	sadd.s32 s1, s20  }
0x64: {  	[tilespmem:s11], [sflag:$0x2] =	stream.linear.gather [hbm4b:s20+s3], $0x1010, $0x38;
	[tilespmem:$0x6020] =	vst v63  }
.LBB2_9:
0x65: {  	_ =	sfence.sel $0x180000  }
0x66: {  	[bflag:$0x0] =	sbarrier.arrive $0xFFFF  }
0x67: {  	p0 =	sne.s32 s2, $0x0;
	_ =	strace $0x90000047  }
0x68: {  	s0 =	sadd.s32 @!p0 $0x100000, s0;
	[bflag:$0x2] =	sbarrier.arrive $0xFFFF  }
0x69: {  	[sflag:s0] =	ssyncadd.tile.s32 @!p0 $0x1;
	_ =	shalt  }
.Lfunc_end2:
_tile_overlayer_lowered:
.L_overlay_start_2:
0x6a: {  	(tag) =	ssettag $0x2  }
0x6b: {  	s0 =	rddreg [dreg:$0x0];
	s2 =	stileid.u32  }
0x6c: {  	s1 =	rddreg [dreg:$0x1];
	p0 =	sne.s32 s2, $0x0  }
0x6d: {  	s3 =	rddreg [dreg:$0x2];
	[bflag:$0x3] =	sbarrier.arrive $0xFFFF;
	s2 =	simm.s32 @!p0 $0x1C05  }
0x6e: {  	[timem:s3], [sflag:s2] =	dma.local @!p0 [hbm:s0], s1  }
0x6f: {  	s0 =	simm.s32 @!p0 $0x5  }
0x70: {  	_ =	swait.ge @!p0 [sflag:s0], s1  }
0x71: {  	s1 =	ssub.s32 @!p0 $0x0, s1;
	[sflag:s0] =	ssyncset.done @!p0 $0x0  }
0x72: {  	[sflag:s0] =	ssyncadd.s32 @!p0 s1  }
0x73: {  	[bflag:$0x3] =	sbarrier.arrive $0xFFFF  }
0x74: {  	_ =	shalt  }

// kernel: kernel.7.cloned.1.call-start
scs
__scs_entry_jumppad:
0x0: {  	(pc) =	sbr.rel $0x88, $3  }
0x1: {  	(tag) =	ssettag $0x0;
	lr =	simm.s32 $0x1  }
0x2: {  	[smem:$0x3F9F] =	sst lr;
	_ =	strace $0xD0000000  }
0x3: {  	_ = 	snop  }
0x4: {  	_ = 	snop  }
0x5: {  	_ = 	snop  }
0x6: {  	_ = 	snop  }
0x7: {  	_ = 	snop  }
__scs_overlays_trampoline_lowered:
0x8: {  	[smem:$0x3FAE] =	sst s0  }
0x9: {  	[smem:$0x3FAF] =	sst s1  }
0xa: {  	[smem:$0x3FB0] =	sst s2  }
0xb: {  	[smem:$0x3FB1] =	sst s3  }
0xc: {  	[smem:$0x3FB2] =	sst s4  }
0xd: {  	[smem:$0x3FB3] =	sst s5  }
0xe: {  	[smem:$0x3FB4] =	sst s6  }
0xf: {  	[smem:$0x3FB5] =	sst s7  }
0x10: {  	[smem:$0x3FB6] =	sst s8  }
0x11: {  	[smem:$0x3FB7] =	sst s9;
	s0 =	simm.s32 @!p0 $0x0  }
0x12: {  	s1 =	sld [smem:$0x3F9D];
	s0 =	simm.s32 @p0 $0x1  }
0x13: {  	[smem:$0x3FB8] =	sst s0;
	s0 =	simm.s32 @!p1 $0x0  }
0x14: {  	s2 =	sld [smem:$0x3F9C];
	s0 =	simm.s32 @p1 $0x1  }
0x15: {  	[smem:$0x3FB9] =	sst s0;
	s0 =	simm.s32 @!p2 $0x0  }
0x16: {  	s3 =	sld [smem:$0x3FDB];
	s0 =	simm.s32 @p2 $0x1  }
0x17: {  	s4 =	simm.s32 $0x1BF5;
	[smem:$0x3FBB] =	sst s0  }
0x18: {  	s0 =	sld [smem:$0x3F9E];
	_ =	swait.ge [sflag:s4], $0x0  }
0x19: {  	s7 =	sld [smem:$0x3F9F]  }
0x1a: {  	s8 =	sadd.s32 $0xFFFFE003, lr  }
0x1b: {  	s9 =	sadd.s32 $0xFFFFFEF7, lr;
	s5 =	simm.s32 $0xFFFFFFFF;
	p2 =	slt.u32 s8, $0xFFFFF086  }
0x1c: {  	p1 =	slt.u32 s9, $0xF7A;
	s5 =	simm.s32 @!p2 $0x0  }
0x1d: {  	s5 =	simm.s32 @p1 $0x1;
	p0 =	seq.s32 s7, s2  }
0x1e: {  	s7 =	smul.u32 @!p0 $0xF7A, s2;
	p2 =	seq.s32 @!p0 s5, $0x0  }
0x1f: {  	s9 =	smul.u32 $0xF7A, s1;
	s8 =	simm.s32 @!p0 $0x1BF5;
	p2 =	por !p2, p0  }
0x20: {  	[sflag:s8] =	ssyncset.s32 @!p0 $0xFFFFF086;
	s6 =	sadd.s32 @!p0 s3, s7;
	s7 =	simm.s32 @!p0 $0x108  }
0x21: {  	s3 =	sadd.s32 s3, s9;
	s6 =	sadd.s32 @!p0 $0x88, s6;
	s7 =	simm.s32 @p2 $0x1082  }
0x22: {  	[simem:s7], [sflag:s8] =	dma.local @!p0 [hbm:s6], $0xF7A  }
0x23: {  	s9 =	sor.u32 $0xD0000000, s2;
	s6 =	simm.s32 $0x108;
	_ =	swait.ge @!p0 [sflag:s8], $0x0  }
0x24: {  	s3 =	sadd.s32 $0x88, s3;
	s6 =	simm.s32 @!p1 $0x1082;
	[sflag:s4] =	ssyncset.s32 $0xFFFFF086  }
0x25: {  	[simem:s6], [sflag:s4] =	dma.local [hbm:s3], $0xF7A  }
0x26: {  	[smem:$0x3F9F] =	sst s1;
	(tag) =	ssettag s2;
	_ =	strace s9  }
0x27: {  	s1 =	sld [smem:$0x3FAF]  }
0x28: {  	s2 =	sld [smem:$0x3FB0]  }
0x29: {  	s4 =	sld [smem:$0x3FB2]  }
0x2a: {  	p0 =	seq.s32 s5, $0x0;
	s5 =	sld [smem:$0x3FB3]  }
0x2b: {  	s6 =	sld [smem:$0x3FB4]  }
0x2c: {  	s7 =	sld [smem:$0x3FB5]  }
0x2d: {  	s3 =	simm.s32 $0x108;
	s8 =	sld [smem:$0x3FB6]  }
0x2e: {  	s3 =	simm.s32 @!p0 $0x1082;
	s9 =	sld [smem:$0x3FB7]  }
0x2f: {  	lr =	sadd.s32 s0, s3;
	s0 =	sld [smem:$0x3FAE]  }
0x30: {  	s3 =	sld [smem:$0x3FB1]  }
0x31: {  	[smem:$0x3FBA] =	sst s10  }
0x32: {  	s10 =	sld [smem:$0x3FB8];
	_ =	sdelay $0x3  }
0x33: {  	p0 =	seq.s32 s10, $0x1;
	s10 =	sld [smem:$0x3FBA];
	_ =	sdelay $0x3  }
0x34: {  	[smem:$0x3FBA] =	sst s10  }
0x35: {  	s10 =	sld [smem:$0x3FB9];
	_ =	sdelay $0x3  }
0x36: {  	p1 =	seq.s32 s10, $0x1;
	s10 =	sld [smem:$0x3FBA];
	_ =	sdelay $0x3  }
0x37: {  	[smem:$0x3FBA] =	sst s10  }
0x38: {  	s10 =	sld [smem:$0x3FBB]  }
0x39: {  	_ = 	snop;
	(pc) =	sbr.ind lr, $3  }
0x3a: {  	_ = 	snop  }
0x3b: {  	_ = 	snop  }
0x3c: {  	p2 =	seq.s32 s10, $0x1;
	s10 =	sld [smem:$0x3FBA]  }
0x3d: {  	_ =	shalt  }
0x3e: {  	_ =	shalt  }
0x3f: {  	_ =	shalt  }
0x40: {  	_ =	shalt  }
0x41: {  	_ =	shalt  }
0x42: {  	_ =	shalt  }
0x43: {  	_ =	shalt  }
0x44: {  	_ =	shalt  }
0x45: {  	_ =	shalt  }
0x46: {  	_ =	shalt  }
0x47: {  	_ =	shalt  }
0x48: {  	_ =	shalt  }
0x49: {  	_ =	shalt  }
0x4a: {  	_ =	shalt  }
0x4b: {  	_ =	shalt  }
0x4c: {  	_ =	shalt  }
0x4d: {  	_ =	shalt  }
0x4e: {  	_ =	shalt  }
0x4f: {  	_ =	shalt  }
0x50: {  	_ =	shalt  }
0x51: {  	_ =	shalt  }
0x52: {  	_ =	shalt  }
0x53: {  	_ =	shalt  }
0x54: {  	_ =	shalt  }
0x55: {  	_ =	shalt  }
0x56: {  	_ =	shalt  }
0x57: {  	_ =	shalt  }
0x58: {  	_ =	shalt  }
0x59: {  	_ =	shalt  }
0x5a: {  	_ =	shalt  }
0x5b: {  	_ =	shalt  }
0x5c: {  	_ =	shalt  }
0x5d: {  	_ =	shalt  }
0x5e: {  	_ =	shalt  }
0x5f: {  	_ =	shalt  }
0x60: {  	_ =	shalt  }
0x61: {  	_ =	shalt  }
0x62: {  	_ =	shalt  }
0x63: {  	_ =	shalt  }
0x64: {  	_ =	shalt  }
0x65: {  	_ =	shalt  }
0x66: {  	_ =	shalt  }
0x67: {  	_ =	shalt  }
0x68: {  	_ =	shalt  }
0x69: {  	_ =	shalt  }
0x6a: {  	_ =	shalt  }
0x6b: {  	_ =	shalt  }
0x6c: {  	_ =	shalt  }
0x6d: {  	_ =	shalt  }
0x6e: {  	_ =	shalt  }
0x6f: {  	_ =	shalt  }
0x70: {  	_ =	shalt  }
0x71: {  	_ =	shalt  }
0x72: {  	_ =	shalt  }
0x73: {  	_ =	shalt  }
0x74: {  	_ =	shalt  }
0x75: {  	_ =	shalt  }
0x76: {  	_ =	shalt  }
0x77: {  	_ =	shalt  }
0x78: {  	_ =	shalt  }
0x79: {  	_ =	shalt  }
0x7a: {  	_ =	shalt  }
0x7b: {  	_ =	shalt  }
0x7c: {  	_ =	shalt  }
0x7d: {  	_ =	shalt  }
0x7e: {  	_ =	shalt  }
0x7f: {  	_ =	shalt  }
0x80: {  	_ =	shalt  }
0x81: {  	_ =	shalt  }
0x82: {  	_ =	shalt  }
0x83: {  	_ =	shalt  }
0x84: {  	_ =	shalt  }
0x85: {  	_ =	shalt  }
0x86: {  	_ =	shalt  }
0x87: {  	_ =	shalt  }
.Lfunc_end0:
.L_simem_size_0:
called_computation.1_lowered:
.L_overlay_start_0:
0x88: {  	s2 =	sld [smem:$0x3FD9]  }
0x89: {  	s3 =	sld [smem:$0x3FFE];
	_ =	sdelay $0x1  }
0x8a: {  	s1 =	srdreg.scid  }
0x8b: {  	s0 =	sand.u32 $0x1, s1  }
0x8c: {  	s17 =	sshll.u32 s0, $0xA;
	s2 =	sadd.s32 s3, s2  }
0x8d: {  	s2 =	sadd.s32 s2, s17  }
0x8e: {  	[smem:$0x3FC6] =	sst s2  }
0x8f: {  	_ = 	snop  }
0x90: {  	s2 =	sld [smem:$0x3FC9]  }
0x91: {  	s18 =	sld [smem:$0x3FD0];
	(tm) =	ssettm $0x1  }
0x92: {  	s4 =	sld [smem:$0x3FFB];
	_ =	sdelay $0x3  }
0x93: {  	_ =	strace s4  }
0x94: {  	s4 =	sld [smem:$0x3FFC];
	_ =	sdelay $0x3  }
0x95: {  	_ =	strace s4  }
0x96: {  	s4 =	sld [smem:$0x3FFD];
	_ =	sdelay $0x3  }
0x97: {  	_ =	strace s4  }
0x98: {  	_ =	strace $0x8FFFFFFF  }
0x99: {  	s19 =	sld [smem:$0x3FDB];
	_ =	sdelay $0x1  }
0x9a: {  	s5 =	simm.s32 $_scs_section_size  }
0x9b: {  	s6 =	simm.s32 $_size__tile_overlayer_lowered;
	s7 =	simm.s32 $_tile_overlayer_lowered  }
0x9c: {  	s22 =	simm.s32 $0x1BFF;
	s21 =	sshll.u32 s7, $0x1;
	s4 =	sadd.s32 s5, s19  }
0x9d: {  	s8 =	simm.s32 $0x0;
	s20 =	sshll.u32 s6, $0x1;
	s6 =	sadd.s32 s21, s4  }
0x9e: {  	[timem:s8], [sflag:s22] =	dma.local [hbm:s6], s20  }
0x9f: {  	_ =	swait.ge [sflag:s22], s20  }
0xa0: {  	s5 =	ssub.s32 $0x0, s20;
	[sflag:s22] =	ssyncset.done $0x0  }
0xa1: {  	[sflag:s22] =	ssyncadd.s32 s5;
	_ =	sdelay $0x1  }
0xa2: {  	s23 =	simm.s32 $0x1B8B  }
0xa3: {  	_ =	swait.ge [sflag:s23], $0x1  }
0xa4: {  	[sflag:s23] =	ssyncset.done $0x0  }
0xa5: {  	s25 =	simm.s32 $0x1B8E;
	s24 =	sld [smem:$0x3FFE];
	[sflag:s23] =	ssyncadd.s32 $0xFFFFFFFF  }
0xa6: {  	s26 =	simm.s32 $execute0_lowered;
	[smem:$0x3FD2] =	sst s25  }
0xa7: {  	s6 =	sshll.u32 s26, $0x1;
	_ =	strace $0x80000049;
	[dreg:$0x1] =	wrdreg $0xFFFFFFFF  }
0xa8: {  	s28 =	simm.s32 $_size_execute0_lowered;
	s4 =	sadd.s32 s4, s6;
	[dreg:$0x0] =	wrdreg $0x0  }
0xa9: {  	s6 =	sshll.u32 s28, $0x1;
	[dreg:$0x2] =	wrdreg s4  }
0xaa: {  	[dreg:$0x3] =	wrdreg s6  }
0xab: {  	[dreg:$0x4] =	wrdreg $0xC0  }
0xac: {  	_ =	task [dreg:s8], $0x5FFFF  }
0xad: {  	[dreg:$0x1] =	wrdreg $0xFFFFFFFF  }
0xae: {  	[dreg:$0x0] =	wrdreg $0x60  }
0xaf: {  	[dreg:$0x2] =	wrdreg s2  }
0xb0: {  	[dreg:$0x3] =	wrdreg s24  }
0xb1: {  	[dreg:$0x4] =	wrdreg s18  }
0xb2: {  	[dreg:$0x5] =	wrdreg $0x9  }
0xb3: {  	_ =	task.clear_ibuf [dreg:s8], $0x6FFFF;
	_ =	strace $0x90000049  }
0xb4: {  	s29 =	simm.s32 $0x9;
	_ =	strace $0x8000004B  }
0xb5: {  	_ =	swait.ge [sflag:s29], $0x1  }
0xb6: {  	[sflag:s29] =	ssyncadd.s32 $0xFFFFFFFF  }
0xb7: {  	_ =	strace $0x9000004B  }
0xb8: {  	_ =	sfence  }
0xb9: {  	s30 =	sld [smem:$0x0];
	_ =	sdelay $0x2  }
0xba: {  	s31 =	sshll.u32 s1, $0xD;
	s1 =	sshrl.u32 s1, $0x2  }
0xbb: {  	s3 =	sand.u32 $0x4000, s31;
	s1 =	sadd.s32 s1, s30  }
0xbc: {  	s0 =	sor.u32 s3, s0;
	s1 =	sshll.u32 s1, $0x11  }
0xbd: {  	s0 =	sor.u32 s1, s0  }
0xbe: {  	s0 =	sadd.s32 $0x8F2B, s0  }
0xbf: {  	[sflag:s0] =	ssyncadd.remote.s32 $0x1  }
0xc0: {  	_ =	sfence.sel $0xFFFF  }
0xc1: {  	[dreg:$0x0] =	wrdreg $0xFFFFFFFF;
	(pc) =	sbr.abs _section_cstart, $3  }
0xc2: {  	[dreg:$0x1] =	wrdreg $0xFFFFFFFF  }
0xc3: {  	_ =	task.clear_ibuf [dreg:s8], $0x2FFFF;
	_ =	strace $0x9FFFFFFF  }
0xc4: {  	(tm) =	ssettm $0x7FFFFFFF  }
0xc5: {  	_ =	shalt  }
tec
execute0_lowered:
.L_overlay_start_1:
0x0: {  	(tag) =	ssettag $0x1  }
0x1: {  	s1 =	rddreg [dreg:$0x0];
	s4 =	stileid.u32  }
0x2: {  	s2 =	rddreg [dreg:$0x1];
	s5 =	sshll.u32 s4, $0x12;
	s4 =	simm.s32 $0x0  }
0x3: {  	[smem:$0x7FF] =	sst s4  }
0x4: {  	s0 =	srdreg.scid;
	s3 =	rddreg [dreg:$0x2];
	v0 =	vimm.f32 $2.000005910e-06;
	_ =	strace $0x8000004A  }
0x5: {  	s13 =	simm.s32 $0x1;
	s14 =	simm.s32 $0x80;
	s16 =	simm.s32 $0x4000;
	(erf) = vrcp.f32 v0  }
0x6: {  	s26 =	simm.s32 $0x2;
	s17 =	simm.s32 $0x2800;
	s29 =	simm.s32 $0x8000  }
0x7: {  	s31 =	simm.s32 $0x2880;
	s18 =	simm.s32 $0x3;
	s0 =	sand.u32 $0x1, s0  }
0x8: {  	s19 =	simm.s32 $0xC000;
	s20 =	simm.s32 $0x4;
	s6 =	sshll.u32 s0, $0x11  }
0x9: {  	s21 =	simm.s32 $0x6;
	s0 =	ssub.s32 $0x2, s0;
	s5 =	sor.u32 s6, s5  }
0xa: {  	s8 =	sshrl.u32 s0, $0x1;
	s6 =	sshrl.u32 s5, $0x3;
	s30 =	sor.u32 $0x1800, s5  }
0xb: {  	s0 =	ssub.s32 s0, s8;
	s6 =	sadd.s32 s1, s6;
	[dreg:$0x6] =	wrdreg s30  }
0xc: {  	s22 =	simm.s32 $0xC800;
	s0 =	smax.u32 s0, $0x1;
	[dreg:$0x4] =	wrdreg s6  }
0xd: {  	v1 =	vlaneseq.u32;
	s7 =	sadd.s32 $0x800, s2;
	s28 =	sadd.s32 $0x100, s6;
	[dreg:$0x7] =	wrdreg s0  }
0xe: {  	v1 =	vmul.u32 $0x8, v1;
	s2 =	simm.s32 $0x0;
	s9 =	sor.u32 $0x1000, s5;
	[dreg:$0x5] =	wrdreg s28;
	v0 =	vpop (erf)  }
.LBB2_1:
0xf: {  	[dreg:$0x8] =	wrdreg s2  }
0x10: {  	s0 =	rddreg [dreg:$0x4]  }
0x11: {  	[tilespmem:s4], [sflag:$0x1] =	stream.linear.gather [hbm4b:s0+s4], $0x800, $0x38;
	[tilespmem:$0xD000] =	vst v63  }
0x12: {  	s25 =	rddreg [dreg:$0x5];
	s30 =	simm.s32 $0x800  }
0x13: {  	[tilespmem:s30], [sflag:$0x2] =	stream.linear.gather [hbm4b:s25+s4], $0x800, $0x38;
	[tilespmem:$0xD000] =	vst v63  }
0x14: {  	_ =	swait.ge [sflag:s13], $0x800  }
0x15: {  	s24 =	simm.s32 $0x180;
	s28 =	simm.s32 $0x20;
	[sflag:s13] =	ssyncset.done $0x0  }
0x16: {  	s2 =	simm.s32 $0x2020;
	s10 =	simm.s32 $0x1020;
	[sflag:s13] =	ssyncadd.s32 $0xFFFFF800  }
0x17: {  	s8 =	simm.s32 $0x380;
	s11 =	simm.s32 $0x1060;
	s6 =	simm.s32 $0x20;
	v2 =	vld [tilespmem:s28+$0x0]  }
0x18: {  	s23 =	simm.s32 $0x3020;
	s0 =	simm.s32 $0x3020;
	s25 =	simm.s32 $0x2020;
	v3 =	vld [tilespmem:s28+$0xFFFFFFE0]  }
.LBB2_2:
0x19: {  	s6 =	sadd.s32 $0x40, s6  }
0x1a: {  	v4 =	vld [tilespmem:s28+$0x10];
	s2 =	sadd.s32 $0x40, s2;
	s0 =	sadd.s32 $0x40, s0;
	s12 =	smov.u32 s8  }
0x1b: {  	p0 =	sne.s32 s8, $0x3F80;
	s8 =	sadd.s32 $0x200, s8;
	v5 =	vld [tilespmem:s28+$0xFFFFFFF0];
	s28 =	smov.u32 s6  }
0x1c: {  	_ =	sdelay $0x1  }
0x1d: {  	v2 =	vadd.f32 $1.000002030e+00, v2;
	v3 =	vadd.f32 $1.000002030e+00, v3  }
0x1e: {  	v4 =	vadd.f32 $1.000002030e+00, v4  }
0x1f: {  	v2 =	vadd.f32 $-2.000005910e-06, v2;
	v3 =	vadd.f32 $-2.000005910e-06, v3  }
0x20: {  	v5 =	vadd.f32 $1.000002030e+00, v5;
	v4 =	vadd.f32 $-2.000005910e-06, v4  }
0x21: {  	v2 =	vmul.f32 v2, v0;
	v3 =	vmul.f32 v3, v0  }
0x22: {  	v5 =	vadd.f32 $-2.000005910e-06, v5;
	v4 =	vmul.f32 v4, v0  }
0x23: {  	v7 =	vtrunc.f32 v2;
	v6 =	vtrunc.f32 v3  }
0x24: {  	v7 =	vcvt.f32.s32 v7;
	v8 =	vtrunc.f32 v4  }
0x25: {  	v6 =	vcvt.f32.s32 v6;
	v8 =	vcvt.f32.s32 v8  }
0x26: {  	v5 =	vmul.f32 v5, v0;
	v9 =	vcvt.s32.f32 v7;
	vm0 =	vlt.s32 v7, $0xF423F  }
0x27: {  	vm1 =	vlt.s32 v6, $0xF423F;
	v7 =	vnsel vm0, $0xF423F, v7;
	vm0 =	vlt.s32 v8, $0xF423F  }
0x28: {  	v10 =	vtrunc.f32 v5;
	v11 =	vnsel vm1, $0xF423F, v6;
	v12 =	vnsel vm0, $0xF423F, v8  }
0x29: {  	s15 =	sadd.s32 $0xFFFFFE80, s24;
	v10 =	vcvt.f32.s32 v10;
	v13 =	vshra.s32 v11, $0x2;
	v11 =	vand.u32 $0x3, v11  }
0x2a: {  	v14 =	vshra.s32 v12, $0x2;
	v11 =	vor.u32 s15, v11;
	[tilespmem:s25+$0xFFFFFFE0] =	vst v13;
	v13 =	vshra.s32 v7, $0x2  }
0x2b: {  	vm0 =	vlt.s32 v10, $0xF423F;
	v12 =	vand.u32 $0x3, v12;
	v7 =	vand.u32 $0x3, v7;
	[tilespmem:s25+$0x10] =	vst v14  }
0x2c: {  	v12 =	vor.u32 s24, v12;
	v14 =	vcvt.s32.f32 v10;
	v10 =	vnsel vm0, $0xF423F, v10  }
0x2d: {  	v6 =	vcvt.s32.f32 v6;
	s15 =	sadd.s32 $0xFFFFFF00, s24;
	v15 =	vshra.s32 v10, $0x2;
	v10 =	vand.u32 $0x3, v10;
	[tilespmem:s25+$0x0] =	vst v13  }
0x2e: {  	v11 =	vor.u32 v1, v11;
	v12 =	vor.u32 v1, v12;
	v10 =	vor.u32 s15, v10;
	s15 =	sadd.s32 $0xFFFFFF80, s24;
	s24 =	smov.u32 s12;
	[tilespmem:s25+$0xFFFFFFF0] =	vst v15;
	s25 =	smov.u32 s2  }
0x2f: {  	v5 =	vsub.f32 v5, v14;
	v7 =	vor.u32 s15, v7;
	v10 =	vor.u32 v1, v10;
	[tilespmem:s23+$0x10] =	vst v12  }
0x30: {  	v8 =	vcvt.s32.f32 v8;
	v3 =	vsub.f32 v3, v6;
	v6 =	vor.u32 v1, v7;
	[tilespmem:s23+$0xFFFFFFF0] =	vst v10  }
0x31: {  	v2 =	vsub.f32 v2, v9;
	[tilespmem:s23+$0x0] =	vst v6  }
0x32: {  	v4 =	vsub.f32 v4, v8;
	[tilespmem:s23+$0xFFFFFFE0] =	vst v11;
	s23 =	smov.u32 s0  }
0x33: {  	[tilespmem:s10+$0xFFFFFFE0] =	vst v3  }
.Ltmp0:
0x34: {  	[tilespmem:s10+$0xFFFFFFF0] =	vst v5;
	(pc) =	sbr.rel @p0 .LBB2_2-.Ltmp0, $4  }
0x35: {  	[tilespmem:s10+$0x0] =	vst v2  }
0x36: {  	[tilespmem:s10+$0x10] =	vst v4;
	s10 =	smov.u32 s11  }
0x37: {  	v2 =	vld [tilespmem:s6+$0x0]  }
0x38: {  	s11 =	sadd.s32 $0x40, s11;
	v3 =	vld [tilespmem:s6+$0xFFFFFFE0]  }
0x39: {  	v4 =	vld [tilespmem:s28+$0x10]  }
0x3a: {  	v5 =	vld [tilespmem:s28+$0xFFFFFFF0];
	_ =	sdelay $0x2  }
0x3b: {  	v2 =	vadd.f32 $1.000002030e+00, v2  }
0x3c: {  	v3 =	vadd.f32 $1.000002030e+00, v3;
	v4 =	vadd.f32 $1.000002030e+00, v4  }
0x3d: {  	v2 =	vadd.f32 $-2.000005910e-06, v2;
	v5 =	vadd.f32 $1.000002030e+00, v5  }
0x3e: {  	v3 =	vadd.f32 $-2.000005910e-06, v3;
	v4 =	vadd.f32 $-2.000005910e-06, v4  }
0x3f: {  	v2 =	vmul.f32 v2, v0;
	v5 =	vadd.f32 $-2.000005910e-06, v5  }
0x40: {  	v3 =	vmul.f32 v3, v0;
	v4 =	vmul.f32 v4, v0  }
0x41: {  	v7 =	vtrunc.f32 v2;
	v5 =	vmul.f32 v5, v0  }
0x42: {  	v6 =	vtrunc.f32 v3;
	v7 =	vcvt.f32.s32 v7  }
0x43: {  	v8 =	vtrunc.f32 v4;
	v6 =	vcvt.f32.s32 v6  }
0x44: {  	v9 =	vtrunc.f32 v5;
	v8 =	vcvt.f32.s32 v8  }
0x45: {  	vm0 =	vlt.s32 v7, $0xF423F;
	v9 =	vcvt.f32.s32 v9;
	vm1 =	vlt.s32 v6, $0xF423F  }
0x46: {  	v11 =	vnsel vm0, $0xF423F, v7;
	v10 =	vnsel vm1, $0xF423F, v6  }
0x47: {  	vm14 =	vlt.s32 v8, $0xF423F;
	v60 =	vshra.s32 v11, $0x2;
	vm15 =	vlt.s32 v9, $0xF423F  }
0x48: {  	v11 =	vand.u32 $0x3, v11;
	v12 =	vnsel vm14, $0xF423F, v8;
	v13 =	vshra.s32 v10, $0x2;
	[tilespmem:s25+$0x0] =	vst v60  }
0x49: {  	s2 =	sadd.s32 $0xFFFFFF80, s24;
	v6 =	vcvt.s32.f32 v6;
	v61 =	vnsel vm15, $0xF423F, v9;
	[tilespmem:s25+$0xFFFFFFE0] =	vst v13;
	v14 =	vshra.s32 v12, $0x2  }
0x4a: {  	s11 =	sadd.s32 $0xFFFFFE80, s24;
	v11 =	vor.u32 s2, v11;
	v10 =	vand.u32 $0x3, v10;
	v15 =	vshra.s32 v61, $0x2;
	[tilespmem:s25+$0x10] =	vst v14  }
0x4b: {  	v12 =	vand.u32 $0x3, v12;
	v10 =	vor.u32 s11, v10;
	v11 =	vor.u32 v1, v11;
	[tilespmem:s25+$0xFFFFFFF0] =	vst v15  }
0x4c: {  	s0 =	sadd.s32 $0xFFFFFF00, s24;
	v62 =	vand.u32 $0x3, v61;
	v12 =	vor.u32 s24, v12;
	v10 =	vor.u32 v1, v10;
	[tilespmem:s23+$0x0] =	vst v11  }
0x4d: {  	v9 =	vcvt.s32.f32 v9;
	v13 =	vor.u32 s0, v62;
	v12 =	vor.u32 v1, v12;
	[tilespmem:s23+$0xFFFFFFE0] =	vst v10  }
0x4e: {  	v7 =	vcvt.s32.f32 v7;
	v3 =	vsub.f32 v3, v6;
	v13 =	vor.u32 v1, v13;
	[tilespmem:s23+$0x10] =	vst v12  }
0x4f: {  	v63 =	vcvt.s32.f32 v8;
	v5 =	vsub.f32 v5, v9;
	[tilespmem:s23+$0xFFFFFFF0] =	vst v13  }
0x50: {  	v2 =	vsub.f32 v2, v7;
	[tilespmem:s10+$0xFFFFFFE0] =	vst v3  }
0x51: {  	v3 =	vsub.f32 v4, v63;
	[tilespmem:s10+$0xFFFFFFF0] =	vst v5  }
0x52: {  	[tilespmem:s10+$0x0] =	vst v2  }
0x53: {  	s12 =	simm.s32 $0x2000;
	[tilespmem:s10+$0x10] =	vst v3  }
0x54: {  	[tilespmem:s16], [sflag:$0x3] =	stream.indirect.gather [hbm4b:s7+s14], $0x8, s12, s14, $0xb8;
	[tilespmem:$0xD000] =	vst v63  }
0x55: {  	s15 =	simm.s32 $0x2080;
	s23 =	simm.s32 $0x4400  }
0x56: {  	[tilespmem:s23], [sflag:$0x3] =	stream.indirect.gather [hbm4b:s7+s14], $0x8, s15, s14, $0xb8;
	[tilespmem:$0xD000] =	vst v63  }
0x57: {  	s24 =	simm.s32 $0x2100;
	s25 =	simm.s32 $0x4800  }
0x58: {  	[tilespmem:s25], [sflag:$0x3] =	stream.indirect.gather [hbm4b:s7+s14], $0x8, s24, s14, $0xb8;
	[tilespmem:$0xD000] =	vst v63  }
0x59: {  	s28 =	simm.s32 $0x2180;
	s30 =	simm.s32 $0x4C00  }
0x5a: {  	[tilespmem:s30], [sflag:$0x3] =	stream.indirect.gather [hbm4b:s7+s14], $0x8, s28, s14, $0xb8;
	[tilespmem:$0xD000] =	vst v63  }
0x5b: {  	s6 =	simm.s32 $0x5000;
	s2 =	simm.s32 $0x2200  }
0x5c: {  	[tilespmem:s6], [sflag:$0x3] =	stream.indirect.gather [hbm4b:s7+s14], $0x8, s2, s14, $0xb8;
	[tilespmem:$0xD000] =	vst v63  }
0x5d: {  	s8 =	simm.s32 $0x2280;
	s10 =	simm.s32 $0x5400  }
0x5e: {  	[tilespmem:s10], [sflag:$0x3] =	stream.indirect.gather [hbm4b:s7+s14], $0x8, s8, s14, $0xb8;
	[tilespmem:$0xD000] =	vst v63  }
0x5f: {  	s11 =	simm.s32 $0x2300;
	s12 =	simm.s32 $0x5800  }
0x60: {  	[tilespmem:s12], [sflag:$0x3] =	stream.indirect.gather [hbm4b:s7+s14], $0x8, s11, s14, $0xb8;
	[tilespmem:$0xD000] =	vst v63  }
0x61: {  	s15 =	simm.s32 $0x2380;
	s23 =	simm.s32 $0x5C00  }
0x62: {  	[tilespmem:s23], [sflag:$0x3] =	stream.indirect.gather [hbm4b:s7+s14], $0x8, s15, s14, $0xb8;
	[tilespmem:$0xD000] =	vst v63  }
0x63: {  	s24 =	simm.s32 $0x2400;
	s25 =	simm.s32 $0x6000  }
0x64: {  	[tilespmem:s25], [sflag:$0x3] =	stream.indirect.gather [hbm4b:s7+s14], $0x8, s24, s14, $0xb8;
	[tilespmem:$0xD000] =	vst v63  }
0x65: {  	s28 =	simm.s32 $0x2480;
	s30 =	simm.s32 $0x6400  }
0x66: {  	[tilespmem:s30], [sflag:$0x3] =	stream.indirect.gather [hbm4b:s7+s14], $0x8, s28, s14, $0xb8;
	[tilespmem:$0xD000] =	vst v63  }
0x67: {  	s2 =	simm.s32 $0x2500;
	s6 =	simm.s32 $0x6800  }
0x68: {  	[tilespmem:s6], [sflag:$0x3] =	stream.indirect.gather [hbm4b:s7+s14], $0x8, s2, s14, $0xb8;
	[tilespmem:$0xD000] =	vst v63  }
0x69: {  	s8 =	simm.s32 $0x2580;
	s10 =	simm.s32 $0x6C00  }
0x6a: {  	[tilespmem:s10], [sflag:$0x3] =	stream.indirect.gather [hbm4b:s7+s14], $0x8, s8, s14, $0xb8;
	[tilespmem:$0xD000] =	vst v63  }
0x6b: {  	s11 =	simm.s32 $0x2600;
	s12 =	simm.s32 $0x7000  }
0x6c: {  	[tilespmem:s12], [sflag:$0x3] =	stream.indirect.gather [hbm4b:s7+s14], $0x8, s11, s14, $0xb8;
	[tilespmem:$0xD000] =	vst v63  }
0x6d: {  	s15 =	simm.s32 $0x2680;
	s23 =	simm.s32 $0x7400  }
0x6e: {  	[tilespmem:s23], [sflag:$0x3] =	stream.indirect.gather [hbm4b:s7+s14], $0x8, s15, s14, $0xb8;
	[tilespmem:$0xD000] =	vst v63  }
0x6f: {  	s24 =	simm.s32 $0x2700;
	s25 =	simm.s32 $0x7800  }
0x70: {  	[tilespmem:s25], [sflag:$0x3] =	stream.indirect.gather [hbm4b:s7+s14], $0x8, s24, s14, $0xb8;
	[tilespmem:$0xD000] =	vst v63  }
0x71: {  	s28 =	simm.s32 $0x2780;
	s30 =	simm.s32 $0x7C00;
	s23 =	simm.s32 $0x0  }
0x72: {  	[tilespmem:s30], [sflag:$0x3] =	stream.indirect.gather [hbm4b:s7+s14], $0x8, s28, s14, $0xb8;
	[tilespmem:$0xD000] =	vst v63  }
.LBB2_4:
0x73: {  	_ =	swait.ge [sflag:s26], $0x800  }
0x74: {  	s25 =	simm.s32 $0x180;
	s30 =	simm.s32 $0x820;
	[sflag:s26] =	ssyncset.done $0x0  }
0x75: {  	s2 =	simm.s32 $0x2820;
	s0 =	simm.s32 $0x3820;
	[sflag:s26] =	ssyncadd.s32 $0xFFFFF800  }
0x76: {  	s10 =	simm.s32 $0x1820;
	s8 =	simm.s32 $0x380;
	s11 =	simm.s32 $0x1860;
	v2 =	vld [tilespmem:s30+$0x0]  }
0x77: {  	s6 =	simm.s32 $0x820;
	s28 =	simm.s32 $0x2820;
	s24 =	simm.s32 $0x3820;
	v3 =	vld [tilespmem:s30+$0xFFFFFFE0]  }
.LBB2_5:
0x78: {  	s6 =	sadd.s32 $0x40, s6  }
0x79: {  	v4 =	vld [tilespmem:s30+$0x10];
	s2 =	sadd.s32 $0x40, s2;
	s0 =	sadd.s32 $0x40, s0;
	s12 =	smov.u32 s8  }
0x7a: {  	p0 =	sne.s32 s8, $0x3F80;
	s8 =	sadd.s32 $0x200, s8;
	v5 =	vld [tilespmem:s30+$0xFFFFFFF0];
	s30 =	smov.u32 s6  }
0x7b: {  	_ =	sdelay $0x1  }
0x7c: {  	v2 =	vadd.f32 $1.000002030e+00, v2;
	v3 =	vadd.f32 $1.000002030e+00, v3  }
0x7d: {  	v4 =	vadd.f32 $1.000002030e+00, v4  }
0x7e: {  	v2 =	vadd.f32 $-2.000005910e-06, v2;
	v3 =	vadd.f32 $-2.000005910e-06, v3  }
0x7f: {  	v5 =	vadd.f32 $1.000002030e+00, v5;
	v4 =	vadd.f32 $-2.000005910e-06, v4  }
0x80: {  	v2 =	vmul.f32 v2, v0;
	v3 =	vmul.f32 v3, v0  }
0x81: {  	v5 =	vadd.f32 $-2.000005910e-06, v5;
	v4 =	vmul.f32 v4, v0  }
0x82: {  	v7 =	vtrunc.f32 v2;
	v6 =	vtrunc.f32 v3  }
0x83: {  	v7 =	vcvt.f32.s32 v7;
	v8 =	vtrunc.f32 v4  }
0x84: {  	v6 =	vcvt.f32.s32 v6;
	v8 =	vcvt.f32.s32 v8  }
0x85: {  	v5 =	vmul.f32 v5, v0;
	v9 =	vcvt.s32.f32 v7;
	vm0 =	vlt.s32 v7, $0xF423F  }
0x86: {  	vm1 =	vlt.s32 v6, $0xF423F;
	v7 =	vnsel vm0, $0xF423F, v7;
	vm0 =	vlt.s32 v8, $0xF423F  }
0x87: {  	v10 =	vtrunc.f32 v5;
	v11 =	vnsel vm1, $0xF423F, v6;
	v12 =	vnsel vm0, $0xF423F, v8  }
0x88: {  	s15 =	sadd.s32 $0xFFFFFE80, s25;
	v10 =	vcvt.f32.s32 v10;
	v13 =	vshra.s32 v11, $0x2;
	v11 =	vand.u32 $0x3, v11  }
0x89: {  	v14 =	vshra.s32 v12, $0x2;
	v11 =	vor.u32 s15, v11;
	[tilespmem:s28+$0xFFFFFFE0] =	vst v13;
	v13 =	vshra.s32 v7, $0x2  }
0x8a: {  	vm0 =	vlt.s32 v10, $0xF423F;
	v12 =	vand.u32 $0x3, v12;
	v7 =	vand.u32 $0x3, v7;
	[tilespmem:s28+$0x10] =	vst v14  }
0x8b: {  	v12 =	vor.u32 s25, v12;
	v14 =	vcvt.s32.f32 v10;
	v10 =	vnsel vm0, $0xF423F, v10  }
0x8c: {  	v6 =	vcvt.s32.f32 v6;
	s15 =	sadd.s32 $0xFFFFFF00, s25;
	v15 =	vshra.s32 v10, $0x2;
	v10 =	vand.u32 $0x3, v10;
	[tilespmem:s28+$0x0] =	vst v13  }
0x8d: {  	v11 =	vor.u32 v1, v11;
	v12 =	vor.u32 v1, v12;
	v10 =	vor.u32 s15, v10;
	s15 =	sadd.s32 $0xFFFFFF80, s25;
	s25 =	smov.u32 s12;
	[tilespmem:s28+$0xFFFFFFF0] =	vst v15;
	s28 =	smov.u32 s2  }
0x8e: {  	v5 =	vsub.f32 v5, v14;
	v7 =	vor.u32 s15, v7;
	v10 =	vor.u32 v1, v10;
	[tilespmem:s24+$0x10] =	vst v12  }
0x8f: {  	v8 =	vcvt.s32.f32 v8;
	v3 =	vsub.f32 v3, v6;
	v6 =	vor.u32 v1, v7;
	[tilespmem:s24+$0xFFFFFFF0] =	vst v10  }
0x90: {  	v2 =	vsub.f32 v2, v9;
	[tilespmem:s24+$0x0] =	vst v6  }
0x91: {  	v4 =	vsub.f32 v4, v8;
	[tilespmem:s24+$0xFFFFFFE0] =	vst v11;
	s24 =	smov.u32 s0  }
0x92: {  	[tilespmem:s10+$0xFFFFFFE0] =	vst v3  }
.Ltmp1:
0x93: {  	[tilespmem:s10+$0xFFFFFFF0] =	vst v5;
	(pc) =	sbr.rel @p0 .LBB2_5-.Ltmp1, $4  }
0x94: {  	[tilespmem:s10+$0x0] =	vst v2  }
0x95: {  	[tilespmem:s10+$0x10] =	vst v4;
	s10 =	smov.u32 s11  }
0x96: {  	v2 =	vld [tilespmem:s6+$0x0]  }
0x97: {  	s11 =	sadd.s32 $0x40, s11;
	v3 =	vld [tilespmem:s6+$0xFFFFFFE0]  }
0x98: {  	v4 =	vld [tilespmem:s30+$0x10]  }
0x99: {  	v5 =	vld [tilespmem:s30+$0xFFFFFFF0];
	_ =	sdelay $0x2  }
0x9a: {  	v2 =	vadd.f32 $1.000002030e+00, v2  }
0x9b: {  	v3 =	vadd.f32 $1.000002030e+00, v3;
	v4 =	vadd.f32 $1.000002030e+00, v4  }
0x9c: {  	v2 =	vadd.f32 $-2.000005910e-06, v2;
	v5 =	vadd.f32 $1.000002030e+00, v5  }
0x9d: {  	v3 =	vadd.f32 $-2.000005910e-06, v3;
	v4 =	vadd.f32 $-2.000005910e-06, v4  }
0x9e: {  	v2 =	vmul.f32 v2, v0;
	v5 =	vadd.f32 $-2.000005910e-06, v5  }
0x9f: {  	v3 =	vmul.f32 v3, v0;
	v4 =	vmul.f32 v4, v0  }
0xa0: {  	v7 =	vtrunc.f32 v2;
	v5 =	vmul.f32 v5, v0  }
0xa1: {  	v6 =	vtrunc.f32 v3;
	v7 =	vcvt.f32.s32 v7  }
0xa2: {  	v8 =	vtrunc.f32 v4;
	v6 =	vcvt.f32.s32 v6  }
0xa3: {  	v8 =	vcvt.f32.s32 v8  }
0xa4: {  	v9 =	vtrunc.f32 v5;
	vm0 =	vlt.s32 v7, $0xF423F;
	vm1 =	vlt.s32 v6, $0xF423F  }
0xa5: {  	v9 =	vcvt.f32.s32 v9;
	v10 =	vnsel vm1, $0xF423F, v6;
	vm14 =	vlt.s32 v8, $0xF423F  }
0xa6: {  	v11 =	vnsel vm0, $0xF423F, v7;
	v12 =	vnsel vm14, $0xF423F, v8;
	v13 =	vshra.s32 v10, $0x2  }
0xa7: {  	vm15 =	vlt.s32 v9, $0xF423F;
	v14 =	vshra.s32 v11, $0x2;
	[tilespmem:s28+$0xFFFFFFE0] =	vst v13;
	v13 =	vshra.s32 v12, $0x2  }
0xa8: {  	v11 =	vand.u32 $0x3, v11;
	v12 =	vand.u32 $0x3, v12;
	[tilespmem:s28+$0x10] =	vst v13;
	v13 =	vnsel vm15, $0xF423F, v9  }
0xa9: {  	s8 =	sadd.s32 $0xFFFFFF80, s25;
	v6 =	vcvt.s32.f32 v6;
	[tilespmem:s28+$0x0] =	vst v14;
	v12 =	vor.u32 s25, v12;
	v15 =	vshra.s32 v13, $0x2  }
0xaa: {  	s2 =	sadd.s32 $0xFFFFFE80, s25;
	v10 =	vand.u32 $0x3, v10;
	v11 =	vor.u32 s8, v11;
	v12 =	vor.u32 v1, v12;
	[tilespmem:s28+$0xFFFFFFF0] =	vst v15  }
0xab: {  	s0 =	sadd.s32 $0xFFFFFF00, s25;
	v10 =	vor.u32 s2, v10;
	v11 =	vor.u32 v1, v11;
	v13 =	vand.u32 $0x3, v13;
	[tilespmem:s24+$0x10] =	vst v12  }
0xac: {  	v9 =	vcvt.s32.f32 v9;
	v10 =	vor.u32 v1, v10;
	v13 =	vor.u32 s0, v13;
	[tilespmem:s24+$0x0] =	vst v11  }
0xad: {  	v7 =	vcvt.s32.f32 v7;
	v3 =	vsub.f32 v3, v6;
	v13 =	vor.u32 v1, v13;
	[tilespmem:s24+$0xFFFFFFE0] =	vst v10  }
0xae: {  	v6 =	vcvt.s32.f32 v8;
	v5 =	vsub.f32 v5, v9;
	[tilespmem:s24+$0xFFFFFFF0] =	vst v13  }
0xaf: {  	v2 =	vsub.f32 v2, v7;
	[tilespmem:s10+$0xFFFFFFE0] =	vst v3  }
0xb0: {  	v3 =	vsub.f32 v4, v6;
	[tilespmem:s10+$0xFFFFFFF0] =	vst v5  }
0xb1: {  	[tilespmem:s10+$0x0] =	vst v2  }
0xb2: {  	[tilespmem:s10+$0x10] =	vst v3  }
0xb3: {  	[tilespmem:s29], [sflag:$0x4] =	stream.indirect.gather [hbm4b:s7+s14], $0x8, s17, s14, $0xb8;
	[tilespmem:$0xD000] =	vst v63  }
0xb4: {  	s11 =	simm.s32 $0x8400  }
0xb5: {  	[tilespmem:s11], [sflag:$0x4] =	stream.indirect.gather [hbm4b:s7+s14], $0x8, s31, s14, $0xb8;
	[tilespmem:$0xD000] =	vst v63  }
0xb6: {  	s12 =	simm.s32 $0x2900;
	s15 =	simm.s32 $0x8800  }
0xb7: {  	[tilespmem:s15], [sflag:$0x4] =	stream.indirect.gather [hbm4b:s7+s14], $0x8, s12, s14, $0xb8;
	[tilespmem:$0xD000] =	vst v63  }
0xb8: {  	s25 =	simm.s32 $0x8C00;
	s24 =	simm.s32 $0x2980  }
0xb9: {  	[tilespmem:s25], [sflag:$0x4] =	stream.indirect.gather [hbm4b:s7+s14], $0x8, s24, s14, $0xb8;
	[tilespmem:$0xD000] =	vst v63  }
0xba: {  	s6 =	simm.s32 $0x2A00;
	s8 =	simm.s32 $0x9000  }
0xbb: {  	[tilespmem:s8], [sflag:$0x4] =	stream.indirect.gather [hbm4b:s7+s14], $0x8, s6, s14, $0xb8;
	[tilespmem:$0xD000] =	vst v63  }
0xbc: {  	s10 =	simm.s32 $0x2A80;
	s11 =	simm.s32 $0x9400  }
0xbd: {  	[tilespmem:s11], [sflag:$0x4] =	stream.indirect.gather [hbm4b:s7+s14], $0x8, s10, s14, $0xb8;
	[tilespmem:$0xD000] =	vst v63  }
0xbe: {  	s12 =	simm.s32 $0x2B00;
	s15 =	simm.s32 $0x9800  }
0xbf: {  	[tilespmem:s15], [sflag:$0x4] =	stream.indirect.gather [hbm4b:s7+s14], $0x8, s12, s14, $0xb8;
	[tilespmem:$0xD000] =	vst v63  }
0xc0: {  	s24 =	simm.s32 $0x2B80;
	s25 =	simm.s32 $0x9C00  }
0xc1: {  	[tilespmem:s25], [sflag:$0x4] =	stream.indirect.gather [hbm4b:s7+s14], $0x8, s24, s14, $0xb8;
	[tilespmem:$0xD000] =	vst v63  }
0xc2: {  	s6 =	simm.s32 $0x2C00;
	s8 =	simm.s32 $0xA000  }
0xc3: {  	[tilespmem:s8], [sflag:$0x4] =	stream.indirect.gather [hbm4b:s7+s14], $0x8, s6, s14, $0xb8;
	[tilespmem:$0xD000] =	vst v63  }
0xc4: {  	s10 =	simm.s32 $0x2C80;
	s11 =	simm.s32 $0xA400  }
0xc5: {  	[tilespmem:s11], [sflag:$0x4] =	stream.indirect.gather [hbm4b:s7+s14], $0x8, s10, s14, $0xb8;
	[tilespmem:$0xD000] =	vst v63  }
0xc6: {  	s12 =	simm.s32 $0x2D00;
	s15 =	simm.s32 $0xA800  }
0xc7: {  	[tilespmem:s15], [sflag:$0x4] =	stream.indirect.gather [hbm4b:s7+s14], $0x8, s12, s14, $0xb8;
	[tilespmem:$0xD000] =	vst v63  }
0xc8: {  	s24 =	simm.s32 $0x2D80;
	s25 =	simm.s32 $0xAC00  }
0xc9: {  	[tilespmem:s25], [sflag:$0x4] =	stream.indirect.gather [hbm4b:s7+s14], $0x8, s24, s14, $0xb8;
	[tilespmem:$0xD000] =	vst v63  }
0xca: {  	s6 =	simm.s32 $0x2E00;
	s8 =	simm.s32 $0xB000  }
0xcb: {  	[tilespmem:s8], [sflag:$0x4] =	stream.indirect.gather [hbm4b:s7+s14], $0x8, s6, s14, $0xb8;
	[tilespmem:$0xD000] =	vst v63  }
0xcc: {  	s10 =	simm.s32 $0x2E80;
	s11 =	simm.s32 $0xB400  }
0xcd: {  	[tilespmem:s11], [sflag:$0x4] =	stream.indirect.gather [hbm4b:s7+s14], $0x8, s10, s14, $0xb8;
	[tilespmem:$0xD000] =	vst v63  }
0xce: {  	s12 =	simm.s32 $0x2F00;
	s15 =	simm.s32 $0xB800  }
0xcf: {  	[tilespmem:s15], [sflag:$0x4] =	stream.indirect.gather [hbm4b:s7+s14], $0x8, s12, s14, $0xb8;
	[tilespmem:$0xD000] =	vst v63  }
0xd0: {  	s24 =	simm.s32 $0x2F80;
	s25 =	simm.s32 $0xBC00  }
0xd1: {  	[tilespmem:s25], [sflag:$0x4] =	stream.indirect.gather [hbm4b:s7+s14], $0x8, s24, s14, $0xb8;
	[tilespmem:$0xD000] =	vst v63  }
0xd2: {  	p0 =	seq.s32 s23, $0x1F;
	s25 =	sshll.u32 s23, $0xC  }
0xd3: {  	s0 =	sadd.s32 @!p0 s25, s9  }
0xd4: {  	s0 =	sshrl.u32 @!p0 s0, $0x3  }
0xd5: {  	s2 =	simm.s32 @!p0 $0x0;
	s0 =	sadd.s32 @!p0 s1, s0  }
0xd6: {  	[tilespmem:s2], [sflag:$0x1] =	stream.linear.gather @!p0 [hbm4b:s0+s2], $0x800, $0x38;
	[tilespmem:$0xD000] =	vst v63  }
0xd7: {  	_ =	swait.ge [sflag:s18], $0x4000  }
0xd8: {  	p0 =	seq.s32 s23, $0x0;
	[sflag:s18] =	ssyncset.done $0x0  }
0xd9: {  	s0 =	simm.s32 @!p0 $0x5;
	[sflag:s18] =	ssyncadd.s32 $0xFFFFC000  }
0xda: {  	_ =	swait.ge @!p0 [sflag:s0], $0x800  }
0xdb: {  	[sflag:s0] =	ssyncset.done @!p0 $0x0  }
0xdc: {  	s24 =	simm.s32 $0x0;
	[sflag:s0] =	ssyncadd.s32 @!p0 $0xFFFFF800  }
0xdd: {  	v2 =	vld [tilespmem:s24+$0x1030]  }
0xde: {  	v3 =	vld [tilespmem:s24+$0x3000]  }
0xdf: {  	v4 =	vld [tilespmem:s24+$0x3030]  }
0xe0: {  	v6 =	vld [tilespmem:s24+$0x3010];
	_ =	sdelay $0x1  }
0xe1: {  	v10 =	vld [tilespmem:s24+$0x3020]  }
0xe2: {  	v7 =	vld [tilespmem:s24+$0x1000]  }
0xe3: {  	v16 =	vld [tilespmem:s24+$0x1010];
	v5 =	vmul.f32 v2, v2;
	v8 =	vsub.f32 $1.000000000e+00, v2  }
0xe4: {  	v21 =	vld [tilespmem:s24+$0x1020];
	v9 =	vadd.s32 $0x1, v3;
	v11 =	vadd.s32 $0x1, v4;
	v12 =	vadd.s32 $0x1, v6  }
0xe5: {  	v13 =	vadd.s32 $0x2, v4;
	v15 =	vadd.s32 $0x3, v4;
	v2 =	vmul.f32 v5, v2  }
0xe6: {  	v18 =	vadd.s32 $0x1, v10;
	v19 =	vadd.s32 $0x2, v3;
	v14 =	vmul.f32 v8, v8  }
0xe7: {  	v20 =	vadd.s32 $0x2, v10;
	v5 =	vmul.f32 $6.000000000e+00, v5;
	v17 =	vmul.f32 $3.000000000e+00, v2  }
0xe8: {  	v22 =	vmul.f32 v7, v7;
	v23 =	vsub.f32 $1.000000000e+00, v7;
	v27 =	vmul.f32 v16, v16;
	v28 =	vld.idx.msk [tilespmem:v4+s16+$0x0], $0xffff  }
0xe9: {  	v31 =	vmul.f32 v21, v21;
	v8 =	vmul.f32 v14, v8;
	v11 =	vld.idx.msk [tilespmem:v11+s16+$0x0], $0xffff;
	v5 =	vsub.f32 v17, v5  }
0xea: {  	v26 =	vsub.f32 $1.000000000e+00, v16;
	v24 =	vmul.f32 v22, v7;
	v29 =	vmul.f32 v23, v23;
	v13 =	vld.idx.msk [tilespmem:v13+s16+$0x0], $0xffff  }
0xeb: {  	v14 =	vadd.s32 $0x3, v3;
	v15 =	vld.idx.msk [tilespmem:v15+s16+$0x0], $0xffff;
	v7 =	vadd.f32 $4.000000000e+00, v5;
	v5 =	vsub.f32 $6.000000000e+00, v8  }
0xec: {  	v30 =	vmul.f32 $3.000000000e+00, v24;
	v4 =	vld.idx.msk [tilespmem:v18+s16+$0x0], $0xffff;
	v18 =	vmul.f32 $6.000000000e+00, v22;
	v22 =	vsub.f32 $1.000000000e+00, v21  }
0xed: {  	v32 =	vld.idx.msk [tilespmem:v20+s16+$0x0], $0xffff;
	v20 =	vmul.f32 v29, v23;
	v17 =	vadd.s32 $0x3, v10;
	v5 =	vsub.f32 v5, v7  }
0xee: {  	v25 =	vadd.s32 $0x3, v6;
	v23 =	vmul.f32 v26, v26;
	v21 =	vmul.f32 v31, v21  }
0xef: {  	v59 =	vmul.f32 v22, v22;
	v8 =	vmul.f32 v28, v8;
	v58 =	vsub.f32 v5, v2  }
0xf0: {  	v18 =	vsub.f32 v30, v18;
	v61 =	vld.idx.msk [tilespmem:v14+s16+$0x0], $0xffff;
	v14 =	vmul.f32 $6.000000000e+00, v31;
	v11 =	vmul.f32 v11, v7  }
0xf1: {  	v62 =	vld.idx.msk [tilespmem:v9+s16+$0x0], $0xffff;
	v60 =	vsub.f32 $6.000000000e+00, v20;
	v2 =	vmul.f32 v15, v2;
	v13 =	vmul.f32 v13, v58  }
0xf2: {  	v18 =	vadd.f32 $4.000000000e+00, v18;
	v7 =	vmul.f32 v27, v16;
	v16 =	vmul.f32 $3.000000000e+00, v21;
	v17 =	vld.idx.msk [tilespmem:v17+s16+$0x0], $0xffff  }
0xf3: {  	v27 =	vmul.f32 $6.000000000e+00, v27;
	v15 =	vld.idx.msk [tilespmem:v19+s16+$0x0], $0xffff;
	v11 =	vadd.f32 v11, v8;
	v2 =	vadd.f32 v2, v13  }
0xf4: {  	v19 =	vadd.s32 $0x2, v6;
	v6 =	vld.idx.msk [tilespmem:v6+s16+$0x0], $0xffff;
	v9 =	vmul.f32 $3.000000000e+00, v7;
	v13 =	vsub.f32 v60, v18  }
0xf5: {  	v8 =	vmul.f32 v59, v22;
	v14 =	vsub.f32 v16, v14;
	v22 =	vld.idx.msk [tilespmem:v3+s16+$0x0], $0xffff;
	v2 =	vadd.f32 v2, v11  }
0xf6: {  	v12 =	vld.idx.msk [tilespmem:v12+s16+$0x0], $0xffff;
	v16 =	vmul.f32 v23, v26;
	v11 =	vsub.f32 v13, v24;
	v13 =	vsub.f32 v9, v27  }
0xf7: {  	v5 =	vld.idx.msk [tilespmem:v25+s16+$0x0], $0xffff;
	v3 =	vsub.f32 $6.000000000e+00, v8;
	v9 =	vadd.f32 $4.000000000e+00, v14;
	v2 =	vmul.f32 $1.666666720e-01, v2  }
0xf8: {  	v17 =	vmul.f32 v17, v21;
	v14 =	vld.idx.msk [tilespmem:v10+s16+$0x0], $0xffff;
	v23 =	vadd.f32 $4.000000000e+00, v13  }
0xf9: {  	s28 =	simm.s32 $0x40;
	v13 =	vld.idx.msk [tilespmem:v19+s16+$0x0], $0xffff;
	v10 =	vmul.f32 v15, v11;
	v11 =	vsub.f32 $6.000000000e+00, v16;
	v19 =	vsub.f32 v3, v9;
	[tilespmem:s24+$0xC030] =	vst v2  }
0xfa: {  	v26 =	vmul.f32 v6, v16;
	v20 =	vmul.f32 v22, v20;
	v2 =	vld [tilespmem:s28+$0x3000]  }
0xfb: {  	v12 =	vmul.f32 v12, v23;
	v23 =	vsub.f32 v11, v23;
	v63 =	vsub.f32 v19, v21;
	v3 =	vld [tilespmem:s28+$0x3010]  }
0xfc: {  	v15 =	vmul.f32 v61, v24;
	v16 =	vmul.f32 v62, v18;
	v6 =	vld [tilespmem:s28+$0x3030]  }
0xfd: {  	s30 =	simm.s32 $0x200;
	s10 =	sor.u32 s25, s5;
	v11 =	vadd.f32 v12, v26;
	v12 =	vld [tilespmem:s28+$0x1030];
	v19 =	vsub.f32 v23, v7;
	v18 =	vmul.f32 v32, v63  }
.LBB2_7:
0xfe: {  	p1 =	sne.s32 s30, $0x1F00;
	v8 =	vmul.f32 v14, v8;
	v4 =	vmul.f32 v4, v9;
	v9 =	vadd.f32 v15, v10  }
0xff: {  	v5 =	vmul.f32 v5, v7;
	v10 =	vadd.f32 v16, v20;
	v13 =	vmul.f32 v13, v19  }
0x100: {  	v14 =	vadd.s32 $0x1, v2;
	v7 =	vadd.f32 v17, v18;
	v4 =	vadd.f32 v4, v8  }
0x101: {  	v8 =	vadd.s32 $0x1, v3;
	v15 =	vld [tilespmem:s28+$0x3020];
	v5 =	vadd.f32 v5, v13;
	v9 =	vadd.f32 v9, v10  }
0x102: {  	v10 =	vadd.s32 $0x1, v6;
	v13 =	vmul.f32 v12, v12;
	v4 =	vadd.f32 v7, v4  }
0x103: {  	v16 =	vsub.f32 $1.000000000e+00, v12;
	v7 =	vld [tilespmem:s28+$0x1000];
	v9 =	vmul.f32 $1.666666720e-01, v9;
	v5 =	vadd.f32 v5, v11  }
0x104: {  	v11 =	vadd.s32 $0x2, v6;
	v12 =	vmul.f32 v13, v12;
	v4 =	vmul.f32 $1.666666720e-01, v4  }
0x105: {  	v17 =	vadd.s32 $0x3, v6;
	v18 =	vmul.f32 v16, v16;
	[tilespmem:s24+$0xC000] =	vst v9;
	v5 =	vmul.f32 $1.666666720e-01, v5  }
0x106: {  	v13 =	vmul.f32 $6.000000000e+00, v13;
	v9 =	vld [tilespmem:s28+$0x1010];
	v19 =	vadd.s32 $0x1, v15;
	v20 =	vmul.f32 $3.000000000e+00, v12;
	[tilespmem:s24+$0xC020] =	vst v4  }
0x107: {  	v22 =	vadd.s32 $0x2, v2;
	v24 =	vadd.s32 $0x3, v2;
	v23 =	vadd.s32 $0x2, v15;
	v21 =	vld [tilespmem:s28+$0x1020];
	[tilespmem:s24+$0xC010] =	vst v5;
	s24 =	smov.u32 s28  }
0x108: {  	v16 =	vmul.f32 v18, v16;
	v10 =	vld.idx.msk [tilespmem:v10+s16+$0x0], $0xffff;
	v5 =	vmul.f32 v7, v7;
	v4 =	vsub.f32 v20, v13  }
0x109: {  	v18 =	vadd.s32 $0x3, v15;
	v13 =	vadd.s32 $0x3, v3;
	v20 =	vsub.f32 $1.000000000e+00, v7;
	v11 =	vld.idx.msk [tilespmem:v11+s16+$0x0], $0xffff  }
0x10a: {  	v26 =	vsub.f32 $6.000000000e+00, v16;
	v17 =	vld.idx.msk [tilespmem:v17+s16+$0x0], $0xffff;
	v25 =	vmul.f32 v5, v7;
	v7 =	vadd.f32 $4.000000000e+00, v4  }
0x10b: {  	v29 =	vmul.f32 v20, v20;
	v6 =	vld.idx.msk [tilespmem:v6+s16+$0x0], $0xffff;
	v27 =	vsub.f32 $1.000000000e+00, v9;
	v28 =	vmul.f32 v9, v9  }
0x10c: {  	v5 =	vmul.f32 $6.000000000e+00, v5;
	v4 =	vld.idx.msk [tilespmem:v19+s16+$0x0], $0xffff;
	v19 =	vmul.f32 $3.000000000e+00, v25;
	v26 =	vsub.f32 v26, v7  }
0x10d: {  	v30 =	vsub.f32 $1.000000000e+00, v21;
	v31 =	vmul.f32 v21, v21;
	v20 =	vmul.f32 v29, v20;
	v23 =	vld.idx.msk [tilespmem:v23+s16+$0x0], $0xffff  }
0x10e: {  	v29 =	vmul.f32 v27, v27;
	v18 =	vld.idx.msk [tilespmem:v18+s16+$0x0], $0xffff;
	v19 =	vsub.f32 v19, v5;
	v26 =	vsub.f32 v26, v12  }
0x10f: {  	v21 =	vmul.f32 v31, v21;
	v32 =	vsub.f32 $6.000000000e+00, v20;
	v5 =	vld.idx.msk [tilespmem:v13+s16+$0x0], $0xffff;
	v13 =	vmul.f32 v30, v30  }
0x110: {  	v12 =	vmul.f32 v17, v12;
	v22 =	vld.idx.msk [tilespmem:v22+s16+$0x0], $0xffff;
	v19 =	vadd.f32 $4.000000000e+00, v19;
	v11 =	vmul.f32 v11, v26  }
0x111: {  	v10 =	vmul.f32 v10, v7;
	v17 =	vadd.s32 $0x2, v3;
	v6 =	vmul.f32 v6, v16;
	v24 =	vld.idx.msk [tilespmem:v24+s16+$0x0], $0xffff  }
0x112: {  	v7 =	vmul.f32 v28, v9;
	v9 =	vmul.f32 $6.000000000e+00, v31;
	v3 =	vld.idx.msk [tilespmem:v3+s16+$0x0], $0xffff;
	v16 =	vsub.f32 v32, v19  }
0x113: {  	v6 =	vadd.f32 v10, v6;
	v10 =	vadd.f32 v12, v11;
	v26 =	vld.idx.msk [tilespmem:v14+s16+$0x0], $0xffff;
	v14 =	vmul.f32 $3.000000000e+00, v21  }
0x114: {  	v28 =	vmul.f32 $6.000000000e+00, v28;
	v12 =	vmul.f32 $3.000000000e+00, v7;
	v11 =	vld.idx.msk [tilespmem:v8+s16+$0x0], $0xffff;
	v16 =	vsub.f32 v16, v25  }
0x115: {  	v8 =	vmul.f32 v13, v30;
	v6 =	vadd.f32 v10, v6;
	v9 =	vsub.f32 v14, v9  }
0x116: {  	v27 =	vmul.f32 v29, v27;
	v12 =	vsub.f32 v12, v28;
	v10 =	vmul.f32 v22, v16  }
0x117: {  	v6 =	vmul.f32 $1.666666720e-01, v6;
	v22 =	vld.idx.msk [tilespmem:v2+s16+$0x0], $0xffff;
	v9 =	vadd.f32 $4.000000000e+00, v9;
	v2 =	vsub.f32 $6.000000000e+00, v8  }
0x118: {  	v12 =	vadd.f32 $4.000000000e+00, v12;
	v28 =	vmul.f32 v3, v27;
	v14 =	vld.idx.msk [tilespmem:v15+s16+$0x0], $0xffff;
	v15 =	vmul.f32 v24, v25  }
.Ltmp2:
0x119: {  	s28 =	sshra.s32 s30, $0x2;
	v16 =	vmul.f32 v26, v19;
	v13 =	vld.idx.msk [tilespmem:v17+s16+$0x0], $0xffff;
	v17 =	vsub.f32 $6.000000000e+00, v27;
	v24 =	vsub.f32 v2, v9;
	[tilespmem:s24+$0xC030] =	vst v6;
	(pc) =	sbr.rel @p1 .LBB2_7-.Ltmp2, $4  }
0x11a: {  	v11 =	vmul.f32 v11, v12;
	v2 =	vld [tilespmem:s28+$0x3000]  }
0x11b: {  	v3 =	vld [tilespmem:s28+$0x3010];
	v19 =	vsub.f32 v17, v12;
	v24 =	vsub.f32 v24, v21  }
0x11c: {  	v11 =	vadd.f32 v11, v28;
	v17 =	vmul.f32 v18, v21;
	v6 =	vld [tilespmem:s28+$0x3030]  }
0x11d: {  	s30 =	sadd.s32 $0x100, s30;
	v20 =	vmul.f32 v22, v20;
	v12 =	vld [tilespmem:s28+$0x1030];
	v19 =	vsub.f32 v19, v7;
	v18 =	vmul.f32 v23, v24  }
0x11e: {  	v8 =	vmul.f32 v14, v8  }
0x11f: {  	v4 =	vmul.f32 v4, v9;
	v42 =	vadd.f32 v15, v10;
	v5 =	vmul.f32 v5, v7  }
0x120: {  	v47 =	vld [tilespmem:s28+$0x1000];
	v43 =	vadd.f32 v16, v20;
	v13 =	vmul.f32 v13, v19;
	v44 =	vadd.f32 v17, v18  }
0x121: {  	v57 =	vadd.s32 $0x2, v2;
	v58 =	vadd.s32 $0x3, v2;
	v4 =	vadd.f32 v4, v8  }
0x122: {  	v8 =	vadd.s32 $0x1, v2;
	v45 =	vadd.s32 $0x1, v3;
	v9 =	vadd.f32 v42, v43  }
0x123: {  	v5 =	vadd.f32 v5, v13;
	v49 =	vadd.s32 $0x1, v6;
	v46 =	vmul.f32 v12, v12  }
0x124: {  	v4 =	vadd.f32 v44, v4;
	v48 =	vsub.f32 $1.000000000e+00, v12;
	v9 =	vmul.f32 $1.666666720e-01, v9  }
0x125: {  	v5 =	vadd.f32 v5, v11;
	v23 =	vmul.f32 v47, v47;
	v50 =	vmul.f32 v46, v12  }
0x126: {  	v10 =	vld [tilespmem:s28+$0x3020];
	v60 =	vsub.f32 $1.000000000e+00, v47;
	v4 =	vmul.f32 $1.666666720e-01, v4;
	v52 =	vmul.f32 v48, v48  }
0x127: {  	v59 =	vadd.s32 $0x3, v3;
	v14 =	vmul.f32 $6.000000000e+00, v46;
	[tilespmem:s24+$0xC000] =	vst v9;
	v5 =	vmul.f32 $1.666666720e-01, v5  }
0x128: {  	v38 =	vadd.s32 $0x2, v3;
	v7 =	vmul.f32 v23, v47;
	v28 =	vmul.f32 v60, v60;
	v54 =	vld [tilespmem:s28+$0x1010];
	[tilespmem:s24+$0xC020] =	vst v4  }
0x129: {  	v51 =	vadd.s32 $0x2, v6;
	v23 =	vmul.f32 $6.000000000e+00, v23;
	v55 =	vmul.f32 $3.000000000e+00, v50;
	v22 =	vld [tilespmem:s28+$0x1020];
	[tilespmem:s24+$0xC010] =	vst v5  }
0x12a: {  	v53 =	vadd.s32 $0x3, v6;
	v15 =	vmul.f32 v52, v48;
	v29 =	vmul.f32 $3.000000000e+00, v7;
	v61 =	vld.idx.msk [tilespmem:v6+s16+$0x0], $0xffff  }
0x12b: {  	v56 =	vadd.s32 $0x1, v10;
	v19 =	vmul.f32 v28, v60;
	v14 =	vsub.f32 v55, v14;
	v11 =	vld.idx.msk [tilespmem:v49+s16+$0x0], $0xffff  }
0x12c: {  	v25 =	vadd.s32 $0x3, v10;
	v24 =	vsub.f32 $6.000000000e+00, v15;
	v8 =	vld.idx.msk [tilespmem:v8+s16+$0x0], $0xffff;
	v23 =	vsub.f32 v29, v23  }
0x12d: {  	v21 =	vadd.s32 $0x2, v10;
	v2 =	vld.idx.msk [tilespmem:v2+s16+$0x0], $0xffff;
	v32 =	vsub.f32 $6.000000000e+00, v19;
	v26 =	vsub.f32 $1.000000000e+00, v54  }
0x12e: {  	v16 =	vld.idx.msk [tilespmem:v51+s16+$0x0], $0xffff;
	v14 =	vadd.f32 $4.000000000e+00, v14;
	v27 =	vmul.f32 v54, v54;
	v31 =	vmul.f32 v22, v22  }
0x12f: {  	v9 =	vld.idx.msk [tilespmem:v53+s16+$0x0], $0xffff;
	v36 =	vadd.f32 $4.000000000e+00, v23;
	v62 =	vmul.f32 v26, v26;
	v6 =	vmul.f32 v61, v15  }
0x130: {  	v20 =	vld.idx.msk [tilespmem:v56+s16+$0x0], $0xffff;
	v24 =	vsub.f32 v24, v14;
	v11 =	vmul.f32 v11, v14;
	v37 =	vmul.f32 v27, v54  }
0x131: {  	v25 =	vld.idx.msk [tilespmem:v25+s16+$0x0], $0xffff;
	v30 =	vsub.f32 $1.000000000e+00, v22;
	v27 =	vmul.f32 $6.000000000e+00, v27;
	v8 =	vmul.f32 v8, v36  }
0x132: {  	v43 =	vld.idx.msk [tilespmem:v45+s16+$0x0], $0xffff;
	v41 =	vsub.f32 v32, v36;
	v2 =	vmul.f32 v2, v19;
	v22 =	vmul.f32 v31, v22  }
0x133: {  	v45 =	vld.idx.msk [tilespmem:v58+s16+$0x0], $0xffff;
	v24 =	vsub.f32 v24, v50;
	v63 =	vmul.f32 v30, v30;
	v42 =	vmul.f32 $3.000000000e+00, v37  }
0x134: {  	v5 =	vld.idx.msk [tilespmem:v59+s16+$0x0], $0xffff;
	v39 =	vmul.f32 $6.000000000e+00, v31;
	v6 =	vadd.f32 v11, v6;
	v40 =	vmul.f32 $3.000000000e+00, v22  }
0x135: {  	v4 =	vld.idx.msk [tilespmem:v57+s16+$0x0], $0xffff;
	v46 =	vsub.f32 v41, v7;
	v26 =	vmul.f32 v62, v26;
	v47 =	vsub.f32 v42, v27  }
0x136: {  	v3 =	vld.idx.msk [tilespmem:v3+s16+$0x0], $0xffff;
	v2 =	vadd.f32 v8, v2;
	v44 =	vmul.f32 v63, v30;
	v23 =	vsub.f32 v40, v39  }
0x137: {  	v10 =	vld.idx.msk [tilespmem:v10+s16+$0x0], $0xffff;
	v9 =	vmul.f32 v9, v50;
	v50 =	vsub.f32 $6.000000000e+00, v26;
	v49 =	vadd.f32 $4.000000000e+00, v47  }
0x138: {  	v52 =	vld.idx.msk [tilespmem:v38+s16+$0x0], $0xffff;
	v7 =	vmul.f32 v45, v7;
	v48 =	vsub.f32 $6.000000000e+00, v44;
	v23 =	vadd.f32 $4.000000000e+00, v23  }
0x139: {  	v21 =	vld.idx.msk [tilespmem:v21+s16+$0x0], $0xffff;
	v5 =	vmul.f32 v5, v37;
	v16 =	vmul.f32 v16, v24;
	v53 =	vsub.f32 v50, v49  }
0x13a: {  	v55 =	vmul.f32 v25, v22;
	v4 =	vmul.f32 v4, v46;
	v51 =	vsub.f32 v48, v23  }
0x13b: {  	v3 =	vmul.f32 v3, v26;
	v9 =	vadd.f32 v9, v16;
	v12 =	vsub.f32 v53, v37  }
0x13c: {  	v10 =	vmul.f32 v10, v44;
	v4 =	vadd.f32 v7, v4;
	v54 =	vsub.f32 v51, v22  }
0x13d: {  	v6 =	vadd.f32 v9, v6;
	v11 =	vmul.f32 v43, v49;
	v58 =	vmul.f32 v52, v12  }
0x13e: {  	v2 =	vadd.f32 v4, v2;
	v57 =	vmul.f32 v20, v23;
	v56 =	vmul.f32 v21, v54  }
0x13f: {  	v3 =	vadd.f32 v11, v3;
	v5 =	vadd.f32 v5, v58  }
0x140: {  	v59 =	vadd.f32 v57, v10;
	v60 =	vadd.f32 v55, v56  }
0x141: {  	v2 =	vmul.f32 $1.666666720e-01, v2;
	v3 =	vadd.f32 v5, v3  }
0x142: {  	p1 =	sne.s32 s23, $0x1F;
	v61 =	vmul.f32 $1.666666720e-01, v6;
	v62 =	vadd.f32 v60, v59  }
.Ltmp3:
0x143: {  	[tilespmem:s28+$0xC000] =	vst v2;
	v2 =	vmul.f32 $1.666666720e-01, v3;
	(pc) =	sbr.rel @p1 .LBB2_10-.Ltmp3, $4  }
0x144: {  	[tilespmem:s28+$0xC030] =	vst v61;
	v63 =	vmul.f32 $1.666666720e-01, v62  }
0x145: {  	s24 =	sshrl.u32 s10, $0x3;
	[tilespmem:s28+$0xC010] =	vst v2  }
0x146: {  	s0 =	sadd.s32 s3, s24;
	[tilespmem:s28+$0xC020] =	vst v63  }
0x147: {  	[hbm4b:s0+s4] =	stream.linear.scatter [tilespmem:s19], [sflag:$0x5], $0x800, $0x38;
	[tilespmem:$0xD000] =	vst v63  }
.Ltmp4:
0x148: {  	(pc) =	sbr.rel .LBB2_13-.Ltmp4, $4  }
0x149: {  	_ = 	snop  }
0x14a: {  	_ =	swait.ge [sflag:s20], $0x4000  }
0x14b: {  	[sflag:s20] =	ssyncset.done $0x0  }
0x14c: {  	[sflag:s20] =	ssyncadd.s32 $0xFFFFC000  }
.LBB2_10:
0x14d: {  	_ =	swait.ge [sflag:s13], $0x800  }
0x14e: {  	s30 =	simm.s32 $0x180;
	s2 =	simm.s32 $0x20;
	[sflag:s13] =	ssyncset.done $0x0  }
0x14f: {  	s0 =	simm.s32 $0x2020;
	s8 =	simm.s32 $0x3020;
	[sflag:s13] =	ssyncadd.s32 $0xFFFFF800  }
0x150: {  	s10 =	simm.s32 $0x1020;
	s11 =	simm.s32 $0x380;
	s6 =	simm.s32 $0x1060;
	v2 =	vld [tilespmem:s2+$0x0]  }
0x151: {  	s12 =	simm.s32 $0x20;
	s31 =	simm.s32 $0x2020;
	s28 =	simm.s32 $0x3020;
	v3 =	vld [tilespmem:s2+$0xFFFFFFE0]  }
.LBB2_11:
0x152: {  	s12 =	sadd.s32 $0x40, s12  }
0x153: {  	v4 =	vld [tilespmem:s2+$0x10];
	s0 =	sadd.s32 $0x40, s0;
	s8 =	sadd.s32 $0x40, s8;
	s15 =	smov.u32 s11  }
0x154: {  	p1 =	sne.s32 s11, $0x3F80;
	s11 =	sadd.s32 $0x200, s11;
	v5 =	vld [tilespmem:s2+$0xFFFFFFF0];
	s2 =	smov.u32 s12  }
0x155: {  	_ =	sdelay $0x1  }
0x156: {  	v2 =	vadd.f32 $1.000002030e+00, v2;
	v3 =	vadd.f32 $1.000002030e+00, v3  }
0x157: {  	v4 =	vadd.f32 $1.000002030e+00, v4  }
0x158: {  	v2 =	vadd.f32 $-2.000005910e-06, v2;
	v3 =	vadd.f32 $-2.000005910e-06, v3  }
0x159: {  	v5 =	vadd.f32 $1.000002030e+00, v5;
	v4 =	vadd.f32 $-2.000005910e-06, v4  }
0x15a: {  	v2 =	vmul.f32 v2, v0;
	v3 =	vmul.f32 v3, v0  }
0x15b: {  	v5 =	vadd.f32 $-2.000005910e-06, v5;
	v4 =	vmul.f32 v4, v0  }
0x15c: {  	v7 =	vtrunc.f32 v2;
	v6 =	vtrunc.f32 v3  }
0x15d: {  	v7 =	vcvt.f32.s32 v7;
	v8 =	vtrunc.f32 v4  }
0x15e: {  	v6 =	vcvt.f32.s32 v6;
	v8 =	vcvt.f32.s32 v8  }
0x15f: {  	v5 =	vmul.f32 v5, v0;
	v9 =	vcvt.s32.f32 v7;
	vm0 =	vlt.s32 v7, $0xF423F  }
0x160: {  	vm1 =	vlt.s32 v6, $0xF423F;
	v7 =	vnsel vm0, $0xF423F, v7;
	vm0 =	vlt.s32 v8, $0xF423F  }
0x161: {  	v10 =	vtrunc.f32 v5;
	v11 =	vnsel vm1, $0xF423F, v6;
	v12 =	vnsel vm0, $0xF423F, v8  }
0x162: {  	s17 =	sadd.s32 $0xFFFFFE80, s30;
	v10 =	vcvt.f32.s32 v10;
	v13 =	vshra.s32 v11, $0x2;
	v11 =	vand.u32 $0x3, v11  }
0x163: {  	v14 =	vshra.s32 v12, $0x2;
	v11 =	vor.u32 s17, v11;
	[tilespmem:s31+$0xFFFFFFE0] =	vst v13;
	v13 =	vshra.s32 v7, $0x2  }
0x164: {  	vm0 =	vlt.s32 v10, $0xF423F;
	v12 =	vand.u32 $0x3, v12;
	v7 =	vand.u32 $0x3, v7;
	[tilespmem:s31+$0x10] =	vst v14  }
0x165: {  	v12 =	vor.u32 s30, v12;
	v14 =	vcvt.s32.f32 v10;
	v10 =	vnsel vm0, $0xF423F, v10  }
0x166: {  	v6 =	vcvt.s32.f32 v6;
	s17 =	sadd.s32 $0xFFFFFF00, s30;
	v15 =	vshra.s32 v10, $0x2;
	v10 =	vand.u32 $0x3, v10;
	[tilespmem:s31+$0x0] =	vst v13  }
0x167: {  	v11 =	vor.u32 v1, v11;
	v12 =	vor.u32 v1, v12;
	v10 =	vor.u32 s17, v10;
	s17 =	sadd.s32 $0xFFFFFF80, s30;
	s30 =	smov.u32 s15;
	[tilespmem:s31+$0xFFFFFFF0] =	vst v15;
	s31 =	smov.u32 s0  }
0x168: {  	v5 =	vsub.f32 v5, v14;
	v7 =	vor.u32 s17, v7;
	v10 =	vor.u32 v1, v10;
	[tilespmem:s28+$0x10] =	vst v12  }
0x169: {  	v8 =	vcvt.s32.f32 v8;
	v3 =	vsub.f32 v3, v6;
	v6 =	vor.u32 v1, v7;
	[tilespmem:s28+$0xFFFFFFF0] =	vst v10  }
0x16a: {  	v2 =	vsub.f32 v2, v9;
	[tilespmem:s28+$0x0] =	vst v6  }
0x16b: {  	v4 =	vsub.f32 v4, v8;
	[tilespmem:s28+$0xFFFFFFE0] =	vst v11;
	s28 =	smov.u32 s8  }
0x16c: {  	[tilespmem:s10+$0xFFFFFFE0] =	vst v3  }
.Ltmp5:
0x16d: {  	[tilespmem:s10+$0xFFFFFFF0] =	vst v5;
	(pc) =	sbr.rel @p1 .LBB2_11-.Ltmp5, $4  }
0x16e: {  	[tilespmem:s10+$0x0] =	vst v2  }
0x16f: {  	[tilespmem:s10+$0x10] =	vst v4;
	s10 =	smov.u32 s6  }
0x170: {  	v2 =	vld [tilespmem:s12+$0x0]  }
0x171: {  	s6 =	sadd.s32 $0x40, s6;
	v3 =	vld [tilespmem:s12+$0xFFFFFFE0]  }
0x172: {  	v4 =	vld [tilespmem:s2+$0x10]  }
0x173: {  	v5 =	vld [tilespmem:s2+$0xFFFFFFF0];
	_ =	sdelay $0x2  }
0x174: {  	v2 =	vadd.f32 $1.000002030e+00, v2  }
0x175: {  	v3 =	vadd.f32 $1.000002030e+00, v3;
	v4 =	vadd.f32 $1.000002030e+00, v4  }
0x176: {  	v2 =	vadd.f32 $-2.000005910e-06, v2;
	v5 =	vadd.f32 $1.000002030e+00, v5  }
0x177: {  	v3 =	vadd.f32 $-2.000005910e-06, v3;
	v4 =	vadd.f32 $-2.000005910e-06, v4  }
0x178: {  	v2 =	vmul.f32 v2, v0;
	v5 =	vadd.f32 $-2.000005910e-06, v5  }
0x179: {  	v3 =	vmul.f32 v3, v0;
	v4 =	vmul.f32 v4, v0  }
0x17a: {  	v7 =	vtrunc.f32 v2;
	v5 =	vmul.f32 v5, v0  }
0x17b: {  	v6 =	vtrunc.f32 v3;
	v7 =	vcvt.f32.s32 v7  }
0x17c: {  	v8 =	vtrunc.f32 v4;
	v6 =	vcvt.f32.s32 v6  }
0x17d: {  	v9 =	vtrunc.f32 v5;
	v8 =	vcvt.f32.s32 v8  }
0x17e: {  	vm0 =	vlt.s32 v7, $0xF423F;
	v9 =	vcvt.f32.s32 v9;
	vm1 =	vlt.s32 v6, $0xF423F  }
0x17f: {  	v11 =	vnsel vm0, $0xF423F, v7;
	v10 =	vnsel vm1, $0xF423F, v6  }
0x180: {  	vm14 =	vlt.s32 v8, $0xF423F;
	v60 =	vshra.s32 v11, $0x2;
	vm15 =	vlt.s32 v9, $0xF423F  }
0x181: {  	v11 =	vand.u32 $0x3, v11;
	v12 =	vnsel vm14, $0xF423F, v8;
	v13 =	vshra.s32 v10, $0x2;
	[tilespmem:s31+$0x0] =	vst v60  }
0x182: {  	s12 =	sadd.s32 $0xFFFFFF80, s30;
	v6 =	vcvt.s32.f32 v6;
	v61 =	vnsel vm15, $0xF423F, v9;
	[tilespmem:s31+$0xFFFFFFE0] =	vst v13;
	v14 =	vshra.s32 v12, $0x2  }
0x183: {  	s15 =	sadd.s32 $0xFFFFFE80, s30;
	v11 =	vor.u32 s12, v11;
	v10 =	vand.u32 $0x3, v10;
	v15 =	vshra.s32 v61, $0x2;
	[tilespmem:s31+$0x10] =	vst v14  }
0x184: {  	v12 =	vand.u32 $0x3, v12;
	v10 =	vor.u32 s15, v10;
	v11 =	vor.u32 v1, v11;
	[tilespmem:s31+$0xFFFFFFF0] =	vst v15  }
0x185: {  	s0 =	sadd.s32 $0xFFFFFF00, s30;
	v62 =	vand.u32 $0x3, v61;
	v12 =	vor.u32 s30, v12;
	v10 =	vor.u32 v1, v10;
	[tilespmem:s28+$0x0] =	vst v11  }
0x186: {  	v9 =	vcvt.s32.f32 v9;
	v13 =	vor.u32 s0, v62;
	v12 =	vor.u32 v1, v12;
	[tilespmem:s28+$0xFFFFFFE0] =	vst v10  }
0x187: {  	v7 =	vcvt.s32.f32 v7;
	v3 =	vsub.f32 v3, v6;
	v13 =	vor.u32 v1, v13;
	[tilespmem:s28+$0x10] =	vst v12  }
0x188: {  	v63 =	vcvt.s32.f32 v8;
	v5 =	vsub.f32 v5, v9;
	[tilespmem:s28+$0xFFFFFFF0] =	vst v13  }
0x189: {  	v2 =	vsub.f32 v2, v7;
	[tilespmem:s10+$0xFFFFFFE0] =	vst v3  }
0x18a: {  	v3 =	vsub.f32 v4, v63;
	[tilespmem:s10+$0xFFFFFFF0] =	vst v5  }
0x18b: {  	[tilespmem:s10+$0x0] =	vst v2  }
0x18c: {  	s17 =	simm.s32 $0x2000;
	[tilespmem:s10+$0x10] =	vst v3  }
0x18d: {  	[tilespmem:s16], [sflag:$0x3] =	stream.indirect.gather [hbm4b:s7+s14], $0x8, s17, s14, $0xb8;
	[tilespmem:$0xD000] =	vst v63  }
0x18e: {  	s30 =	simm.s32 $0x4400;
	s28 =	simm.s32 $0x2080  }
0x18f: {  	[tilespmem:s30], [sflag:$0x3] =	stream.indirect.gather [hbm4b:s7+s14], $0x8, s28, s14, $0xb8;
	[tilespmem:$0xD000] =	vst v63  }
0x190: {  	s2 =	simm.s32 $0x2100;
	s6 =	simm.s32 $0x4800  }
0x191: {  	[tilespmem:s6], [sflag:$0x3] =	stream.indirect.gather [hbm4b:s7+s14], $0x8, s2, s14, $0xb8;
	[tilespmem:$0xD000] =	vst v63  }
0x192: {  	s8 =	simm.s32 $0x2180;
	s10 =	simm.s32 $0x4C00  }
0x193: {  	[tilespmem:s10], [sflag:$0x3] =	stream.indirect.gather [hbm4b:s7+s14], $0x8, s8, s14, $0xb8;
	[tilespmem:$0xD000] =	vst v63  }
0x194: {  	s11 =	simm.s32 $0x2200;
	s12 =	simm.s32 $0x5000  }
0x195: {  	[tilespmem:s12], [sflag:$0x3] =	stream.indirect.gather [hbm4b:s7+s14], $0x8, s11, s14, $0xb8;
	[tilespmem:$0xD000] =	vst v63  }
0x196: {  	s15 =	simm.s32 $0x2280;
	s17 =	simm.s32 $0x5400  }
0x197: {  	[tilespmem:s17], [sflag:$0x3] =	stream.indirect.gather [hbm4b:s7+s14], $0x8, s15, s14, $0xb8;
	[tilespmem:$0xD000] =	vst v63  }
0x198: {  	s28 =	simm.s32 $0x2300;
	s30 =	simm.s32 $0x5800  }
0x199: {  	[tilespmem:s30], [sflag:$0x3] =	stream.indirect.gather [hbm4b:s7+s14], $0x8, s28, s14, $0xb8;
	[tilespmem:$0xD000] =	vst v63  }
0x19a: {  	s2 =	simm.s32 $0x2380;
	s6 =	simm.s32 $0x5C00  }
0x19b: {  	[tilespmem:s6], [sflag:$0x3] =	stream.indirect.gather [hbm4b:s7+s14], $0x8, s2, s14, $0xb8;
	[tilespmem:$0xD000] =	vst v63  }
0x19c: {  	s8 =	simm.s32 $0x2400;
	s10 =	simm.s32 $0x6000  }
0x19d: {  	[tilespmem:s10], [sflag:$0x3] =	stream.indirect.gather [hbm4b:s7+s14], $0x8, s8, s14, $0xb8;
	[tilespmem:$0xD000] =	vst v63  }
0x19e: {  	s11 =	simm.s32 $0x2480;
	s12 =	simm.s32 $0x6400  }
0x19f: {  	[tilespmem:s12], [sflag:$0x3] =	stream.indirect.gather [hbm4b:s7+s14], $0x8, s11, s14, $0xb8;
	[tilespmem:$0xD000] =	vst v63  }
0x1a0: {  	s15 =	simm.s32 $0x2500;
	s17 =	simm.s32 $0x6800  }
0x1a1: {  	[tilespmem:s17], [sflag:$0x3] =	stream.indirect.gather [hbm4b:s7+s14], $0x8, s15, s14, $0xb8;
	[tilespmem:$0xD000] =	vst v63  }
0x1a2: {  	s28 =	simm.s32 $0x2580;
	s30 =	simm.s32 $0x6C00  }
0x1a3: {  	[tilespmem:s30], [sflag:$0x3] =	stream.indirect.gather [hbm4b:s7+s14], $0x8, s28, s14, $0xb8;
	[tilespmem:$0xD000] =	vst v63  }
0x1a4: {  	s2 =	simm.s32 $0x2600;
	s6 =	simm.s32 $0x7000  }
0x1a5: {  	[tilespmem:s6], [sflag:$0x3] =	stream.indirect.gather [hbm4b:s7+s14], $0x8, s2, s14, $0xb8;
	[tilespmem:$0xD000] =	vst v63  }
0x1a6: {  	s8 =	simm.s32 $0x2680;
	s10 =	simm.s32 $0x7400;
	s28 =	rddreg [dreg:$0x6]  }
0x1a7: {  	[tilespmem:s10], [sflag:$0x3] =	stream.indirect.gather [hbm4b:s7+s14], $0x8, s8, s14, $0xb8;
	[tilespmem:$0xD000] =	vst v63  }
0x1a8: {  	s11 =	simm.s32 $0x2700;
	s12 =	simm.s32 $0x7800;
	s0 =	sadd.s32 s25, s28  }
0x1a9: {  	[tilespmem:s12], [sflag:$0x3] =	stream.indirect.gather [hbm4b:s7+s14], $0x8, s11, s14, $0xb8;
	[tilespmem:$0xD000] =	vst v63  }
0x1aa: {  	s15 =	simm.s32 $0x2780;
	s17 =	simm.s32 $0x7C00;
	s0 =	sshrl.u32 s0, $0x3  }
0x1ab: {  	[tilespmem:s17], [sflag:$0x3] =	stream.indirect.gather [hbm4b:s7+s14], $0x8, s15, s14, $0xb8;
	[tilespmem:$0xD000] =	vst v63  }
.Ltmp6:
0x1ac: {  	s30 =	simm.s32 $0x800;
	s0 =	sadd.s32 s1, s0;
	(pc) =	sbr.rel @p0 .LBB2_14-.Ltmp6, $4  }
0x1ad: {  	[tilespmem:s30], [sflag:$0x2] =	stream.linear.gather [hbm4b:s0+s4], $0x800, $0x38;
	[tilespmem:$0xD000] =	vst v63  }
0x1ae: {  	_ =	swait.ge [sflag:s20], $0x4000  }
0x1af: {  	[sflag:s20] =	ssyncset.done $0x0  }
0x1b0: {  	s31 =	simm.s32 $0x2880;
	s17 =	simm.s32 $0x2800;
	[sflag:s20] =	ssyncadd.s32 $0xFFFFC000  }
.LBB2_13:
0x1b1: {  	_ =	swait.ge [sflag:s21], $0x800  }
0x1b2: {  	[sflag:s21] =	ssyncset.done $0x0  }
0x1b3: {  	[sflag:s21] =	ssyncadd.s32 $0xFFFFF800  }
.LBB2_14:
0x1b4: {  	s25 =	simm.s32 $0x0  }
0x1b5: {  	v2 =	vld [tilespmem:s25+$0x1830]  }
0x1b6: {  	v3 =	vld [tilespmem:s25+$0x3800]  }
0x1b7: {  	v4 =	vld [tilespmem:s25+$0x3830]  }
0x1b8: {  	v6 =	vld [tilespmem:s25+$0x3810];
	_ =	sdelay $0x1  }
0x1b9: {  	v10 =	vld [tilespmem:s25+$0x3820]  }
0x1ba: {  	v7 =	vld [tilespmem:s25+$0x1800]  }
0x1bb: {  	v16 =	vld [tilespmem:s25+$0x1810];
	v5 =	vmul.f32 v2, v2;
	v8 =	vsub.f32 $1.000000000e+00, v2  }
0x1bc: {  	v21 =	vld [tilespmem:s25+$0x1820];
	v9 =	vadd.s32 $0x1, v3;
	v11 =	vadd.s32 $0x1, v4;
	v12 =	vadd.s32 $0x1, v6  }
0x1bd: {  	v13 =	vadd.s32 $0x2, v4;
	v15 =	vadd.s32 $0x3, v4;
	v2 =	vmul.f32 v5, v2  }
0x1be: {  	v18 =	vadd.s32 $0x1, v10;
	v19 =	vadd.s32 $0x2, v3;
	v14 =	vmul.f32 v8, v8  }
0x1bf: {  	v20 =	vadd.s32 $0x2, v10;
	v5 =	vmul.f32 $6.000000000e+00, v5;
	v17 =	vmul.f32 $3.000000000e+00, v2  }
0x1c0: {  	v22 =	vmul.f32 v7, v7;
	v23 =	vsub.f32 $1.000000000e+00, v7;
	v27 =	vmul.f32 v16, v16;
	v28 =	vld.idx.msk [tilespmem:v4+s29+$0x0], $0xffff  }
0x1c1: {  	v31 =	vmul.f32 v21, v21;
	v8 =	vmul.f32 v14, v8;
	v11 =	vld.idx.msk [tilespmem:v11+s29+$0x0], $0xffff;
	v5 =	vsub.f32 v17, v5  }
0x1c2: {  	v26 =	vsub.f32 $1.000000000e+00, v16;
	v24 =	vmul.f32 v22, v7;
	v29 =	vmul.f32 v23, v23;
	v13 =	vld.idx.msk [tilespmem:v13+s29+$0x0], $0xffff  }
0x1c3: {  	v14 =	vadd.s32 $0x3, v3;
	v15 =	vld.idx.msk [tilespmem:v15+s29+$0x0], $0xffff;
	v7 =	vadd.f32 $4.000000000e+00, v5;
	v5 =	vsub.f32 $6.000000000e+00, v8  }
0x1c4: {  	v30 =	vmul.f32 $3.000000000e+00, v24;
	v4 =	vld.idx.msk [tilespmem:v18+s29+$0x0], $0xffff;
	v18 =	vmul.f32 $6.000000000e+00, v22;
	v22 =	vsub.f32 $1.000000000e+00, v21  }
0x1c5: {  	v32 =	vld.idx.msk [tilespmem:v20+s29+$0x0], $0xffff;
	v20 =	vmul.f32 v29, v23;
	v17 =	vadd.s32 $0x3, v10;
	v5 =	vsub.f32 v5, v7  }
0x1c6: {  	v25 =	vadd.s32 $0x3, v6;
	v23 =	vmul.f32 v26, v26;
	v21 =	vmul.f32 v31, v21  }
0x1c7: {  	v59 =	vmul.f32 v22, v22;
	v8 =	vmul.f32 v28, v8;
	v58 =	vsub.f32 v5, v2  }
0x1c8: {  	v18 =	vsub.f32 v30, v18;
	v61 =	vld.idx.msk [tilespmem:v14+s29+$0x0], $0xffff;
	v14 =	vmul.f32 $6.000000000e+00, v31;
	v11 =	vmul.f32 v11, v7  }
0x1c9: {  	v62 =	vld.idx.msk [tilespmem:v9+s29+$0x0], $0xffff;
	v60 =	vsub.f32 $6.000000000e+00, v20;
	v2 =	vmul.f32 v15, v2;
	v13 =	vmul.f32 v13, v58  }
0x1ca: {  	v18 =	vadd.f32 $4.000000000e+00, v18;
	v7 =	vmul.f32 v27, v16;
	v16 =	vmul.f32 $3.000000000e+00, v21;
	v17 =	vld.idx.msk [tilespmem:v17+s29+$0x0], $0xffff  }
0x1cb: {  	v27 =	vmul.f32 $6.000000000e+00, v27;
	v15 =	vld.idx.msk [tilespmem:v19+s29+$0x0], $0xffff;
	v11 =	vadd.f32 v11, v8;
	v2 =	vadd.f32 v2, v13  }
0x1cc: {  	v19 =	vadd.s32 $0x2, v6;
	v6 =	vld.idx.msk [tilespmem:v6+s29+$0x0], $0xffff;
	v9 =	vmul.f32 $3.000000000e+00, v7;
	v13 =	vsub.f32 v60, v18  }
0x1cd: {  	v8 =	vmul.f32 v59, v22;
	v14 =	vsub.f32 v16, v14;
	v22 =	vld.idx.msk [tilespmem:v3+s29+$0x0], $0xffff;
	v2 =	vadd.f32 v2, v11  }
0x1ce: {  	v12 =	vld.idx.msk [tilespmem:v12+s29+$0x0], $0xffff;
	v16 =	vmul.f32 v23, v26;
	v11 =	vsub.f32 v13, v24;
	v13 =	vsub.f32 v9, v27  }
0x1cf: {  	v5 =	vld.idx.msk [tilespmem:v25+s29+$0x0], $0xffff;
	v3 =	vsub.f32 $6.000000000e+00, v8;
	v9 =	vadd.f32 $4.000000000e+00, v14;
	v2 =	vmul.f32 $1.666666720e-01, v2  }
0x1d0: {  	v17 =	vmul.f32 v17, v21;
	v14 =	vld.idx.msk [tilespmem:v10+s29+$0x0], $0xffff;
	v23 =	vadd.f32 $4.000000000e+00, v13  }
0x1d1: {  	s10 =	simm.s32 $0x40;
	v13 =	vld.idx.msk [tilespmem:v19+s29+$0x0], $0xffff;
	v10 =	vmul.f32 v15, v11;
	v11 =	vsub.f32 $6.000000000e+00, v16;
	v19 =	vsub.f32 v3, v9;
	[tilespmem:s25+$0xC830] =	vst v2  }
0x1d2: {  	v26 =	vmul.f32 v6, v16;
	v20 =	vmul.f32 v22, v20;
	v2 =	vld [tilespmem:s10+$0x3800]  }
0x1d3: {  	v12 =	vmul.f32 v12, v23;
	v23 =	vsub.f32 v11, v23;
	v63 =	vsub.f32 v19, v21;
	v3 =	vld [tilespmem:s10+$0x3810]  }
0x1d4: {  	v15 =	vmul.f32 v61, v24;
	v16 =	vmul.f32 v62, v18;
	v6 =	vld [tilespmem:s10+$0x3830]  }
0x1d5: {  	s28 =	simm.s32 $0x200;
	v11 =	vld [tilespmem:s10+$0x1830];
	v12 =	vadd.f32 v12, v26;
	v19 =	vsub.f32 v23, v7;
	v18 =	vmul.f32 v32, v63  }
.LBB2_15:
0x1d6: {  	p0 =	sne.s32 s28, $0x1F00;
	v8 =	vmul.f32 v14, v8;
	v4 =	vmul.f32 v4, v9;
	v9 =	vadd.f32 v15, v10  }
0x1d7: {  	v5 =	vmul.f32 v5, v7;
	v10 =	vadd.f32 v16, v20;
	v13 =	vmul.f32 v13, v19  }
0x1d8: {  	v14 =	vadd.s32 $0x1, v2;
	v7 =	vadd.f32 v17, v18;
	v4 =	vadd.f32 v4, v8  }
0x1d9: {  	v8 =	vadd.s32 $0x1, v3;
	v15 =	vld [tilespmem:s10+$0x3820];
	v5 =	vadd.f32 v5, v13;
	v9 =	vadd.f32 v9, v10  }
0x1da: {  	v10 =	vadd.s32 $0x1, v6;
	v13 =	vmul.f32 v11, v11;
	v4 =	vadd.f32 v7, v4  }
0x1db: {  	v16 =	vsub.f32 $1.000000000e+00, v11;
	v7 =	vld [tilespmem:s10+$0x1800];
	v9 =	vmul.f32 $1.666666720e-01, v9;
	v5 =	vadd.f32 v5, v12  }
0x1dc: {  	v12 =	vadd.s32 $0x2, v6;
	v11 =	vmul.f32 v13, v11;
	v4 =	vmul.f32 $1.666666720e-01, v4  }
0x1dd: {  	v17 =	vadd.s32 $0x3, v6;
	v18 =	vmul.f32 v16, v16;
	[tilespmem:s25+$0xC800] =	vst v9;
	v5 =	vmul.f32 $1.666666720e-01, v5  }
0x1de: {  	v13 =	vmul.f32 $6.000000000e+00, v13;
	v9 =	vld [tilespmem:s10+$0x1810];
	v19 =	vadd.s32 $0x1, v15;
	v20 =	vmul.f32 $3.000000000e+00, v11;
	[tilespmem:s25+$0xC820] =	vst v4  }
0x1df: {  	v22 =	vadd.s32 $0x2, v2;
	v24 =	vadd.s32 $0x3, v2;
	v23 =	vadd.s32 $0x2, v15;
	v21 =	vld [tilespmem:s10+$0x1820];
	[tilespmem:s25+$0xC810] =	vst v5;
	s25 =	smov.u32 s10  }
0x1e0: {  	v16 =	vmul.f32 v18, v16;
	v10 =	vld.idx.msk [tilespmem:v10+s29+$0x0], $0xffff;
	v5 =	vmul.f32 v7, v7;
	v4 =	vsub.f32 v20, v13  }
0x1e1: {  	v18 =	vadd.s32 $0x3, v15;
	v13 =	vadd.s32 $0x3, v3;
	v20 =	vsub.f32 $1.000000000e+00, v7;
	v12 =	vld.idx.msk [tilespmem:v12+s29+$0x0], $0xffff  }
0x1e2: {  	v26 =	vsub.f32 $6.000000000e+00, v16;
	v17 =	vld.idx.msk [tilespmem:v17+s29+$0x0], $0xffff;
	v25 =	vmul.f32 v5, v7;
	v7 =	vadd.f32 $4.000000000e+00, v4  }
0x1e3: {  	v29 =	vmul.f32 v20, v20;
	v6 =	vld.idx.msk [tilespmem:v6+s29+$0x0], $0xffff;
	v27 =	vsub.f32 $1.000000000e+00, v9;
	v28 =	vmul.f32 v9, v9  }
0x1e4: {  	v5 =	vmul.f32 $6.000000000e+00, v5;
	v4 =	vld.idx.msk [tilespmem:v19+s29+$0x0], $0xffff;
	v19 =	vmul.f32 $3.000000000e+00, v25;
	v26 =	vsub.f32 v26, v7  }
0x1e5: {  	v30 =	vsub.f32 $1.000000000e+00, v21;
	v31 =	vmul.f32 v21, v21;
	v20 =	vmul.f32 v29, v20;
	v23 =	vld.idx.msk [tilespmem:v23+s29+$0x0], $0xffff  }
0x1e6: {  	v29 =	vmul.f32 v27, v27;
	v18 =	vld.idx.msk [tilespmem:v18+s29+$0x0], $0xffff;
	v19 =	vsub.f32 v19, v5;
	v26 =	vsub.f32 v26, v11  }
0x1e7: {  	v21 =	vmul.f32 v31, v21;
	v32 =	vsub.f32 $6.000000000e+00, v20;
	v5 =	vld.idx.msk [tilespmem:v13+s29+$0x0], $0xffff;
	v13 =	vmul.f32 v30, v30  }
0x1e8: {  	v11 =	vmul.f32 v17, v11;
	v22 =	vld.idx.msk [tilespmem:v22+s29+$0x0], $0xffff;
	v19 =	vadd.f32 $4.000000000e+00, v19;
	v12 =	vmul.f32 v12, v26  }
0x1e9: {  	v10 =	vmul.f32 v10, v7;
	v17 =	vadd.s32 $0x2, v3;
	v6 =	vmul.f32 v6, v16;
	v24 =	vld.idx.msk [tilespmem:v24+s29+$0x0], $0xffff  }
0x1ea: {  	v7 =	vmul.f32 v28, v9;
	v9 =	vmul.f32 $6.000000000e+00, v31;
	v3 =	vld.idx.msk [tilespmem:v3+s29+$0x0], $0xffff;
	v16 =	vsub.f32 v32, v19  }
0x1eb: {  	v6 =	vadd.f32 v10, v6;
	v10 =	vadd.f32 v11, v12;
	v26 =	vld.idx.msk [tilespmem:v14+s29+$0x0], $0xffff;
	v14 =	vmul.f32 $3.000000000e+00, v21  }
0x1ec: {  	v28 =	vmul.f32 $6.000000000e+00, v28;
	v12 =	vmul.f32 $3.000000000e+00, v7;
	v11 =	vld.idx.msk [tilespmem:v8+s29+$0x0], $0xffff;
	v16 =	vsub.f32 v16, v25  }
0x1ed: {  	v8 =	vmul.f32 v13, v30;
	v6 =	vadd.f32 v10, v6;
	v9 =	vsub.f32 v14, v9  }
0x1ee: {  	v27 =	vmul.f32 v29, v27;
	v12 =	vsub.f32 v12, v28;
	v10 =	vmul.f32 v22, v16  }
0x1ef: {  	v6 =	vmul.f32 $1.666666720e-01, v6;
	v22 =	vld.idx.msk [tilespmem:v2+s29+$0x0], $0xffff;
	v9 =	vadd.f32 $4.000000000e+00, v9;
	v2 =	vsub.f32 $6.000000000e+00, v8  }
0x1f0: {  	v12 =	vadd.f32 $4.000000000e+00, v12;
	v28 =	vmul.f32 v3, v27;
	v14 =	vld.idx.msk [tilespmem:v15+s29+$0x0], $0xffff;
	v15 =	vmul.f32 v24, v25  }
.Ltmp7:
0x1f1: {  	s10 =	sshra.s32 s28, $0x2;
	v16 =	vmul.f32 v26, v19;
	v13 =	vld.idx.msk [tilespmem:v17+s29+$0x0], $0xffff;
	v17 =	vsub.f32 $6.000000000e+00, v27;
	v24 =	vsub.f32 v2, v9;
	[tilespmem:s25+$0xC830] =	vst v6;
	(pc) =	sbr.rel @p0 .LBB2_15-.Ltmp7, $4  }
0x1f2: {  	v11 =	vmul.f32 v11, v12;
	v2 =	vld [tilespmem:s10+$0x3800]  }
0x1f3: {  	v3 =	vld [tilespmem:s10+$0x3810];
	v19 =	vsub.f32 v17, v12;
	v24 =	vsub.f32 v24, v21  }
0x1f4: {  	v12 =	vadd.f32 v11, v28;
	v17 =	vmul.f32 v18, v21;
	v6 =	vld [tilespmem:s10+$0x3830]  }
0x1f5: {  	s28 =	sadd.s32 $0x100, s28;
	v20 =	vmul.f32 v22, v20;
	v11 =	vld [tilespmem:s10+$0x1830];
	v19 =	vsub.f32 v19, v7;
	v18 =	vmul.f32 v23, v24  }
0x1f6: {  	v8 =	vmul.f32 v14, v8  }
0x1f7: {  	v4 =	vmul.f32 v4, v9;
	v42 =	vadd.f32 v15, v10;
	v5 =	vmul.f32 v5, v7  }
0x1f8: {  	v47 =	vld [tilespmem:s10+$0x1800];
	v43 =	vadd.f32 v16, v20;
	v13 =	vmul.f32 v13, v19;
	v44 =	vadd.f32 v17, v18  }
0x1f9: {  	v57 =	vadd.s32 $0x2, v2;
	v58 =	vadd.s32 $0x3, v2;
	v4 =	vadd.f32 v4, v8  }
0x1fa: {  	v8 =	vadd.s32 $0x1, v2;
	v45 =	vadd.s32 $0x1, v3;
	v9 =	vadd.f32 v42, v43  }
0x1fb: {  	v5 =	vadd.f32 v5, v13;
	v49 =	vadd.s32 $0x1, v6;
	v46 =	vmul.f32 v11, v11  }
0x1fc: {  	v4 =	vadd.f32 v44, v4;
	v48 =	vsub.f32 $1.000000000e+00, v11;
	v9 =	vmul.f32 $1.666666720e-01, v9  }
0x1fd: {  	v5 =	vadd.f32 v5, v12;
	v23 =	vmul.f32 v47, v47;
	v50 =	vmul.f32 v46, v11  }
0x1fe: {  	v10 =	vld [tilespmem:s10+$0x3820];
	v60 =	vsub.f32 $1.000000000e+00, v47;
	v4 =	vmul.f32 $1.666666720e-01, v4;
	v52 =	vmul.f32 v48, v48  }
0x1ff: {  	v59 =	vadd.s32 $0x3, v3;
	v14 =	vmul.f32 $6.000000000e+00, v46;
	[tilespmem:s25+$0xC800] =	vst v9;
	v5 =	vmul.f32 $1.666666720e-01, v5  }
0x200: {  	v38 =	vadd.s32 $0x2, v3;
	v7 =	vmul.f32 v23, v47;
	v28 =	vmul.f32 v60, v60;
	v54 =	vld [tilespmem:s10+$0x1810];
	[tilespmem:s25+$0xC820] =	vst v4  }
0x201: {  	v51 =	vadd.s32 $0x2, v6;
	v23 =	vmul.f32 $6.000000000e+00, v23;
	v55 =	vmul.f32 $3.000000000e+00, v50;
	v22 =	vld [tilespmem:s10+$0x1820];
	[tilespmem:s25+$0xC810] =	vst v5  }
0x202: {  	v53 =	vadd.s32 $0x3, v6;
	v15 =	vmul.f32 v52, v48;
	v29 =	vmul.f32 $3.000000000e+00, v7;
	v61 =	vld.idx.msk [tilespmem:v6+s29+$0x0], $0xffff  }
0x203: {  	v56 =	vadd.s32 $0x1, v10;
	v19 =	vmul.f32 v28, v60;
	v14 =	vsub.f32 v55, v14;
	v12 =	vld.idx.msk [tilespmem:v49+s29+$0x0], $0xffff  }
0x204: {  	v25 =	vadd.s32 $0x3, v10;
	v24 =	vsub.f32 $6.000000000e+00, v15;
	v8 =	vld.idx.msk [tilespmem:v8+s29+$0x0], $0xffff;
	v23 =	vsub.f32 v29, v23  }
0x205: {  	v21 =	vadd.s32 $0x2, v10;
	v2 =	vld.idx.msk [tilespmem:v2+s29+$0x0], $0xffff;
	v32 =	vsub.f32 $6.000000000e+00, v19;
	v26 =	vsub.f32 $1.000000000e+00, v54  }
0x206: {  	v16 =	vld.idx.msk [tilespmem:v51+s29+$0x0], $0xffff;
	v14 =	vadd.f32 $4.000000000e+00, v14;
	v27 =	vmul.f32 v54, v54;
	v31 =	vmul.f32 v22, v22  }
0x207: {  	v9 =	vld.idx.msk [tilespmem:v53+s29+$0x0], $0xffff;
	v36 =	vadd.f32 $4.000000000e+00, v23;
	v62 =	vmul.f32 v26, v26;
	v6 =	vmul.f32 v61, v15  }
0x208: {  	v20 =	vld.idx.msk [tilespmem:v56+s29+$0x0], $0xffff;
	v24 =	vsub.f32 v24, v14;
	v12 =	vmul.f32 v12, v14;
	v37 =	vmul.f32 v27, v54  }
0x209: {  	v25 =	vld.idx.msk [tilespmem:v25+s29+$0x0], $0xffff;
	v30 =	vsub.f32 $1.000000000e+00, v22;
	v27 =	vmul.f32 $6.000000000e+00, v27;
	v8 =	vmul.f32 v8, v36  }
0x20a: {  	v43 =	vld.idx.msk [tilespmem:v45+s29+$0x0], $0xffff;
	v41 =	vsub.f32 v32, v36;
	v2 =	vmul.f32 v2, v19;
	v22 =	vmul.f32 v31, v22  }
0x20b: {  	v45 =	vld.idx.msk [tilespmem:v58+s29+$0x0], $0xffff;
	v24 =	vsub.f32 v24, v50;
	v63 =	vmul.f32 v30, v30;
	v42 =	vmul.f32 $3.000000000e+00, v37  }
0x20c: {  	v5 =	vld.idx.msk [tilespmem:v59+s29+$0x0], $0xffff;
	v39 =	vmul.f32 $6.000000000e+00, v31;
	v6 =	vadd.f32 v12, v6;
	v40 =	vmul.f32 $3.000000000e+00, v22  }
0x20d: {  	v4 =	vld.idx.msk [tilespmem:v57+s29+$0x0], $0xffff;
	v46 =	vsub.f32 v41, v7;
	v26 =	vmul.f32 v62, v26;
	v47 =	vsub.f32 v42, v27  }
0x20e: {  	v3 =	vld.idx.msk [tilespmem:v3+s29+$0x0], $0xffff;
	v2 =	vadd.f32 v8, v2;
	v44 =	vmul.f32 v63, v30;
	v23 =	vsub.f32 v40, v39  }
0x20f: {  	v10 =	vld.idx.msk [tilespmem:v10+s29+$0x0], $0xffff;
	v9 =	vmul.f32 v9, v50;
	v50 =	vsub.f32 $6.000000000e+00, v26;
	v49 =	vadd.f32 $4.000000000e+00, v47  }
0x210: {  	v52 =	vld.idx.msk [tilespmem:v38+s29+$0x0], $0xffff;
	v7 =	vmul.f32 v45, v7;
	v48 =	vsub.f32 $6.000000000e+00, v44;
	v23 =	vadd.f32 $4.000000000e+00, v23  }
0x211: {  	v21 =	vld.idx.msk [tilespmem:v21+s29+$0x0], $0xffff;
	v5 =	vmul.f32 v5, v37;
	v16 =	vmul.f32 v16, v24;
	v53 =	vsub.f32 v50, v49  }
0x212: {  	v55 =	vmul.f32 v25, v22;
	v4 =	vmul.f32 v4, v46;
	v51 =	vsub.f32 v48, v23  }
0x213: {  	v3 =	vmul.f32 v3, v26;
	v9 =	vadd.f32 v9, v16;
	v11 =	vsub.f32 v53, v37  }
0x214: {  	v10 =	vmul.f32 v10, v44;
	v4 =	vadd.f32 v7, v4;
	v54 =	vsub.f32 v51, v22  }
0x215: {  	v6 =	vadd.f32 v9, v6;
	v12 =	vmul.f32 v43, v49;
	v58 =	vmul.f32 v52, v11  }
0x216: {  	v2 =	vadd.f32 v4, v2;
	v57 =	vmul.f32 v20, v23;
	v56 =	vmul.f32 v21, v54  }
0x217: {  	v3 =	vadd.f32 v12, v3;
	v5 =	vadd.f32 v5, v58  }
0x218: {  	v59 =	vadd.f32 v57, v10;
	v60 =	vadd.f32 v55, v56  }
0x219: {  	s23 =	sadd.s32 $0x1, s23;
	v2 =	vmul.f32 $1.666666720e-01, v2;
	v3 =	vadd.f32 v5, v3  }
0x21a: {  	p0 =	sne.s32 s23, $0x20;
	v61 =	vmul.f32 $1.666666720e-01, v6;
	v62 =	vadd.f32 v60, v59  }
.Ltmp8:
0x21b: {  	[tilespmem:s10+$0xC800] =	vst v2;
	v2 =	vmul.f32 $1.666666720e-01, v3;
	(pc) =	sbr.rel @p0 .LBB2_4-.Ltmp8, $4  }
0x21c: {  	[tilespmem:s10+$0xC830] =	vst v61;
	v63 =	vmul.f32 $1.666666720e-01, v62  }
0x21d: {  	s0 =	sadd.s32 s24, s3;
	[tilespmem:s10+$0xC810] =	vst v2  }
0x21e: {  	s0 =	sadd.s32 $0x100, s0;
	[tilespmem:s10+$0xC820] =	vst v63  }
0x21f: {  	[hbm4b:s0+s4] =	stream.linear.scatter [tilespmem:s22], [sflag:$0x6], $0x800, $0x38;
	[tilespmem:$0xD000] =	vst v63  }
0x220: {  	s0 =	simm.s32 $0x5  }
0x221: {  	_ =	swait.ge [sflag:s0], $0x800  }
0x222: {  	[sflag:s0] =	ssyncset.done $0x0  }
0x223: {  	[sflag:s0] =	ssyncadd.s32 $0xFFFFF800  }
0x224: {  	_ =	swait.ge [sflag:s21], $0x800  }
0x225: {  	s2 =	rddreg [dreg:$0x8]  }
0x226: {  	s30 =	rddreg [dreg:$0x7];
	s2 =	sadd.s32 $0x1, s2  }
0x227: {  	p0 =	sne.s32 s2, s30  }
.Ltmp9:
0x228: {  	_ = 	snop;
	(pc) =	sbr.rel @p0 .LBB2_1-.Ltmp9, $3  }
0x229: {  	_ =	sdelay $0x1  }
0x22a: {  	[sflag:s21] =	ssyncset.done $0x0  }
0x22b: {  	[sflag:s21] =	ssyncadd.s32 $0xFFFFF800  }
0x22c: {  	_ =	sfence.sel $0x180000  }
0x22d: {  	[bflag:$0x0] =	sbarrier.arrive $0xFFFF  }
0x22e: {  	_ =	strace $0x9000004A  }
0x22f: {  	s0 =	stileid.u32;
	[bflag:$0x2] =	sbarrier.arrive $0xFFFF  }
0x230: {  	p0 =	sne.s32 s0, $0x0;
	s0 =	rddreg [dreg:$0x3]  }
0x231: {  	s0 =	sadd.s32 @!p0 $0x100000, s0  }
0x232: {  	[sflag:s0] =	ssyncadd.tile.s32 @!p0 $0x1;
	_ =	shalt  }
.Lfunc_end2:
_tile_overlayer_lowered:
.L_overlay_start_2:
0x233: {  	(tag) =	ssettag $0x2  }
0x234: {  	s0 =	rddreg [dreg:$0x0];
	s2 =	stileid.u32  }
0x235: {  	s1 =	rddreg [dreg:$0x1];
	p0 =	sne.s32 s2, $0x0  }
0x236: {  	s3 =	rddreg [dreg:$0x2];
	[bflag:$0x3] =	sbarrier.arrive $0xFFFF;
	s2 =	simm.s32 @!p0 $0x1C07  }
0x237: {  	[timem:s3], [sflag:s2] =	dma.local @!p0 [hbm:s0], s1  }
0x238: {  	s0 =	simm.s32 @!p0 $0x7  }
0x239: {  	_ =	swait.ge @!p0 [sflag:s0], s1  }
0x23a: {  	s1 =	ssub.s32 @!p0 $0x0, s1;
	[sflag:s0] =	ssyncset.done @!p0 $0x0  }
0x23b: {  	[sflag:s0] =	ssyncadd.s32 @!p0 s1  }
0x23c: {  	[bflag:$0x3] =	sbarrier.arrive $0xFFFF  }
0x23d: {  	_ =	shalt  }

</sc_bundles>
